<compile_context>
chip_gen: v7x
topology: tpu7x:2x2x1
jax: 0.10.2.dev20260603
libtpu: 0.0.44.dev20260713+nightly
codegen_flags: <defaults>
</compile_context>

<pallas_src>
import functools
import math

import jax
import jax.numpy as jnp
from jax import lax
from jax.experimental import pallas as pl
from jax.experimental.pallas import tpu as pltpu
from jax.experimental.pallas import tpu_sc as plsc

NC, NS, LANES = 2, 16, 16
NW = NC * NS


def _mesh():
    return plsc.VectorSubcoreMesh(
        core_axis_name="c", subcore_axis_name="s",
        num_cores=NC, num_subcores=NS)


def _make_hist(NP, CH):
    ZCH = NP // NS

    @functools.partial(
        pl.kernel,
        out_type=jax.ShapeDtypeStruct((NC * NP,), jnp.float32),
        mesh=_mesh(),
        scratch_types=[
            pltpu.VMEM((CH, 128), jnp.int32),
            pltpu.VMEM((128,), jnp.float32),
            pltpu.VMEM((ZCH,), jnp.float32),
            pltpu.VMEM_SHARED((NP,), jnp.float32),
            pltpu.SemaphoreType.DMA,
        ],
    )
    def hist(dst_hbm, out_hbm, didx, ones_v, zb, acc, sem):
        c = lax.axis_index("c")
        s = lax.axis_index("s")
        t = c * NS + s

        def fill_z(i, carry):
            zb[pl.ds(i * 16, 16)] = jnp.zeros((16,), jnp.float32)
            return carry
        lax.fori_loop(0, ZCH // 16, fill_z, 0)

        def fill_o(i, carry):
            ones_v[pl.ds(i * 16, 16)] = jnp.full((16,), 1.0, jnp.float32)
            return carry
        lax.fori_loop(0, 128 // 16, fill_o, 0)

        pltpu.sync_copy(zb, acc.at[pl.ds(s * ZCH, ZCH)])
        plsc.subcore_barrier()

        pltpu.sync_copy(dst_hbm.at[pl.ds(t * CH, CH)], didx)

        def fire(j, carry):
            pltpu.async_copy(ones_v, acc.at[didx.at[j]], sem, add=True)
            return carry
        lax.fori_loop(0, CH, fire, 0)

        def drain(j, carry):
            pltpu.make_async_copy(ones_v, acc.at[didx.at[0]], sem).wait()
            return carry
        lax.fori_loop(0, CH, drain, 0)

        plsc.subcore_barrier()
        pltpu.sync_copy(acc.at[pl.ds(s * ZCH, ZCH)], zb)
        pltpu.sync_copy(zb, out_hbm.at[pl.ds(c * NP + s * ZCH, ZCH)])

    return hist


def _make_segsum(NR, R, H, A):
    RPT = NR // NS
    PH = 8
    TOT = R // (NS * PH)
    B = TOT - A
    assert 0 < A < TOT

    @functools.partial(
        pl.kernel,
        out_type=jax.ShapeDtypeStruct((NC, NR, H), jnp.float32),
        mesh=_mesh(),
        scratch_types=[
            pltpu.VMEM((PH, 128), jnp.int32),
            pltpu.VMEM((PH, 128), jnp.int32),
            pltpu.VMEM((128, H), jnp.float32),
            pltpu.VMEM((128, H), jnp.float32),
            pltpu.VMEM_SHARED((NR, H), jnp.float32),
            pltpu.SemaphoreType.DMA,
            pltpu.SemaphoreType.DMA,
            pltpu.SemaphoreType.DMA,
            pltpu.SemaphoreType.DMA,
        ],
    )
    def segsum(g_hbm, src_hbm, dst_hbm, out_hbm,
               sidx, didx, buf0, buf1, acc, gs0, gs1, ss0, ss1):
        c = lax.axis_index("c")
        s = lax.axis_index("s")

        def zrow(i, carry):
            r = i // (H // 16)
            k = i % (H // 16)
            buf0[r, pl.ds(k * 16, 16)] = jnp.zeros((16,), jnp.float32)
            return carry
        lax.fori_loop(0, 128 * (H // 16), zrow, 0)

        base = s * RPT
        off = 0
        rem = RPT
        while rem > 0:
            sz = min(128, rem)
            pltpu.sync_copy(buf0.at[pl.ds(0, sz)],
                            acc.at[pl.ds(base + off, sz)])
            off += sz
            rem -= sz
        plsc.subcore_barrier()

        def run_phases(nph, row0):
            def phase_body(ph, carry):
                row = row0 + ph * PH
                pltpu.async_copy(src_hbm.at[pl.ds(row, PH)], sidx, ss0)
                pltpu.async_copy(dst_hbm.at[pl.ds(row, PH)], didx, ss1)
                pltpu.make_async_copy(
                    src_hbm.at[pl.ds(row, PH)], sidx, ss0).wait()
                pltpu.async_copy(g_hbm.at[sidx.at[0]], buf0, gs0)
                pltpu.make_async_copy(
                    dst_hbm.at[pl.ds(row, PH)], didx, ss1).wait()

                def pair(p, carry2):
                    j0 = 2 * p
                    j1 = j0 + 1
                    pltpu.make_async_copy(
                        g_hbm.at[sidx.at[j0]], buf0, gs0).wait()
                    pltpu.async_copy(buf0, acc.at[didx.at[j0]], ss0,
                                     add=True)

                    @pl.when(p > 0)
                    def _():
                        pltpu.make_async_copy(
                            buf1, acc.at[didx.at[j1]], ss1).wait()

                    pltpu.async_copy(g_hbm.at[sidx.at[j1]], buf1, gs1)
                    pltpu.make_async_copy(
                        g_hbm.at[sidx.at[j1]], buf1, gs1).wait()
                    pltpu.async_copy(buf1, acc.at[didx.at[j1]], ss1,
                                     add=True)
                    pltpu.make_async_copy(
                        buf0, acc.at[didx.at[j0]], ss0).wait()

                    @pl.when(j1 + 1 < PH)
                    def _():
                        pltpu.async_copy(g_hbm.at[sidx.at[j1 + 1]], buf0, gs0)

                    return carry2
                lax.fori_loop(0, PH // 2, pair, 0)
                pltpu.make_async_copy(
                    buf1, acc.at[didx.at[PH - 1]], ss1).wait()
                return carry
            lax.fori_loop(0, nph, phase_body, 0)

        @pl.when(c == 0)
        def _():
            run_phases(A, s * (A * PH))

        @pl.when(c == 1)
        def _():
            run_phases(B, NS * A * PH + s * (B * PH))

        plsc.subcore_barrier()
        szs = []
        rem = RPT
        while rem > 0:
            szs.append(min(128, rem))
            rem -= szs[-1]
        offs = [sum(szs[:k]) for k in range(len(szs))]
        for k, sz in enumerate(szs):
            b = buf0 if k % 2 == 0 else buf1
            sem = gs0 if k % 2 == 0 else gs1
            if k >= 2:
                pltpu.make_async_copy(
                    b.at[pl.ds(0, szs[k - 2])],
                    out_hbm.at[c, pl.ds(base + offs[k - 2], szs[k - 2])],
                    sem).wait()
            pltpu.sync_copy(acc.at[pl.ds(base + offs[k], sz)],
                            b.at[pl.ds(0, sz)])
            pltpu.async_copy(b.at[pl.ds(0, sz)],
                             out_hbm.at[c, pl.ds(base + offs[k], sz)], sem)
        for k in range(max(0, len(szs) - 2), len(szs)):
            b = buf0 if k % 2 == 0 else buf1
            sem = gs0 if k % 2 == 0 else gs1
            pltpu.make_async_copy(
                b.at[pl.ds(0, szs[k])],
                out_hbm.at[c, pl.ds(base + offs[k], szs[k])], sem).wait()

    return segsum


def _dinv_col(degp, N):
    NP = degp.shape[1]
    rows = NP // 128

    def body(d_ref, o_ref):
        d = d_ref[0] + d_ref[1] + 1.0
        o_ref[...] = lax.rsqrt(d)

    dinv2d = pl.pallas_call(
        body,
        out_shape=jax.ShapeDtypeStruct((rows, 128), jnp.float32),
    )(degp.reshape(NC, rows, 128))
    return dinv2d.reshape(NP)[:N, None]


def _tc_in(x, W, dinv_col, B=400):
    N, D = x.shape
    H = W.shape[1]

    def body(x_ref, w_ref, dv_ref, o_ref):
        o_ref[...] = dv_ref[...] * jnp.dot(
            x_ref[...], w_ref[...], preferred_element_type=jnp.float32)

    return pl.pallas_call(
        body, grid=(N // B,),
        in_specs=[pl.BlockSpec((B, D), lambda i: (i, 0)),
                  pl.BlockSpec((D, H), lambda i: (0, 0)),
                  pl.BlockSpec((B, 1), lambda i: (i, 0))],
        out_specs=pl.BlockSpec((B, H), lambda i: (i, 0)),
        out_shape=jax.ShapeDtypeStruct((N, H), jnp.float32),
    )(x, W, dinv_col)


def _tc_mid(s1p, g1, dinv_col, b1, gamma1, beta1, W2, B=400):
    N, H = g1.shape
    NR = s1p.shape[1]
    bnscale = 1.0 / math.sqrt(1.0 + 1e-5)

    def body(s_ref, g_ref, dv_ref, b_ref, ga_ref, be_ref, w_ref,
             x1_ref, g2_ref):
        dv = dv_ref[...]
        pre = dv * (s_ref[0] + s_ref[1] + g_ref[...]) + b_ref[...]
        x1 = jnp.maximum(pre * (ga_ref[...] * bnscale) + be_ref[...], 0.0)
        x1_ref[...] = x1
        g2_ref[...] = dv * jnp.dot(
            x1, w_ref[...], preferred_element_type=jnp.float32)

    return pl.pallas_call(
        body, grid=(N // B,),
        in_specs=[pl.BlockSpec((NC, B, H), lambda i: (0, i, 0)),
                  pl.BlockSpec((B, H), lambda i: (i, 0)),
                  pl.BlockSpec((B, 1), lambda i: (i, 0)),
                  pl.BlockSpec((1, H), lambda i: (0, 0)),
                  pl.BlockSpec((1, H), lambda i: (0, 0)),
                  pl.BlockSpec((1, H), lambda i: (0, 0)),
                  pl.BlockSpec((H, H), lambda i: (0, 0))],
        out_specs=[pl.BlockSpec((B, H), lambda i: (i, 0)),
                   pl.BlockSpec((B, H), lambda i: (i, 0))],
        out_shape=[jax.ShapeDtypeStruct((N, H), jnp.float32),
                   jax.ShapeDtypeStruct((N, H), jnp.float32)],
    )(s1p, g1, dinv_col, b1, gamma1, beta1, W2)


def _tc_out(s2p, g2, x1, dinv_col, b2, Wf, bf, B=400):
    N, H = g2.shape
    C = Wf.shape[1]

    def body(s_ref, g_ref, x1_ref, dv_ref, b_ref, wf_ref, bf_ref, o_ref):
        x2 = dv_ref[...] * (s_ref[0] + s_ref[1] + g_ref[...]) + b_ref[...]
        xj = jnp.maximum(x1_ref[...], x2)
        o = jnp.dot(xj, wf_ref[...],
                    preferred_element_type=jnp.float32) + bf_ref[...]
        m = jnp.max(o, axis=1, keepdims=True)
        e = jnp.exp(o - m)
        o_ref[...] = (o - m) - jnp.log(jnp.sum(e, axis=1, keepdims=True))

    return pl.pallas_call(
        body, grid=(N // B,),
        in_specs=[pl.BlockSpec((NC, B, H), lambda i: (0, i, 0)),
                  pl.BlockSpec((B, H), lambda i: (i, 0)),
                  pl.BlockSpec((B, H), lambda i: (i, 0)),
                  pl.BlockSpec((B, 1), lambda i: (i, 0)),
                  pl.BlockSpec((1, H), lambda i: (0, 0)),
                  pl.BlockSpec((H, C), lambda i: (0, 0)),
                  pl.BlockSpec((1, C), lambda i: (0, 0))],
        out_specs=pl.BlockSpec((B, C), lambda i: (i, 0)),
        out_shape=jax.ShapeDtypeStruct((N, C), jnp.float32),
    )(s2p, g2, x1, dinv_col, b2, Wf, bf)


def kernel(x, edge_index, W1, b1, gamma1, beta1, W2, b2, Wf, bf):
    N, D = x.shape
    H = W1.shape[1]
    E = edge_index.shape[1]

    EP = ((E + NW * 2048 - 1) // (NW * 2048)) * (NW * 2048)
    CH = EP // (NW * 128)
    pad = EP - E
    src = edge_index[0].astype(jnp.int32)
    dst = edge_index[1].astype(jnp.int32)
    src2d = jnp.concatenate([src, jnp.zeros((pad,), jnp.int32)]).reshape(-1, 128)
    dst2d = jnp.concatenate([dst, jnp.full((pad,), N, jnp.int32)]).reshape(-1, 128)

    NP = ((N + 1 + 127) // 128) * 128
    NR = NP

    degp = _make_hist(NP, CH)(dst2d).reshape(NC, NP)
    dinv_col = _dinv_col(degp, N)

    R = EP // 128
    TOT = R // (NS * 8)
    A = max(1, min(TOT - 1, (TOT * 18 + 10) // 20))
    g1 = _tc_in(x, W1, dinv_col)
    s1p = _make_segsum(NR, R, H, A)(g1, src2d, dst2d)
    x1, g2 = _tc_mid(s1p, g1, dinv_col,
                     b1[None, :], gamma1[None, :], beta1[None, :], W2)
    s2p = _make_segsum(NR, R, H, A)(g2, src2d, dst2d)
    return _tc_out(s2p, g2, x1, dinv_col, b2[None, :], Wf, bf[None, :])

# --- scband reference (transcript-rebuilt; emitter-appended) ---
"""Pipeline reference for scband-gcnjk-62689342652840 (READ-ONLY COPY).

The authoritative reference and input builder live on the scoring server;
editing this copy changes nothing except your own understanding.
"""

import jax, jax.numpy as jnp
import numpy as np

N = 10000
E = 320000
D = 128
H = 128
C = 40


def setup_inputs(seed: int = 0) -> dict:
    key = jax.random.key(seed)
    ks = jax.random.split(key, 8)
    x = jax.random.normal(ks[0], (N, D), dtype=jnp.float32)
    edge_index = jax.random.randint(ks[1], (2, E), 0, N)
    W1 = jax.random.normal(ks[2], (D, H), dtype=jnp.float32) * (1.0 / np.sqrt(D))
    b1 = jnp.zeros((H,), dtype=jnp.float32)
    gamma1 = jnp.ones((H,), dtype=jnp.float32)
    beta1 = jnp.zeros((H,), dtype=jnp.float32)
    W2 = jax.random.normal(ks[3], (H, H), dtype=jnp.float32) * (1.0 / np.sqrt(H))
    b2 = jnp.zeros((H,), dtype=jnp.float32)
    Wf = jax.random.normal(ks[4], (H, C), dtype=jnp.float32) * (1.0 / np.sqrt(H))
    bf = jnp.zeros((C,), dtype=jnp.float32)
    return {"x": x, "edge_index": edge_index, "W1": W1, "b1": b1,
            "gamma1": gamma1, "beta1": beta1, "W2": W2, "b2": b2,
            "Wf": Wf, "bf": bf}


def reference(x, edge_index, W1, b1, gamma1, beta1, W2, b2, Wf, bf):
    # GCN normalization with self loops: A_hat = D^{-1/2}(A+I)D^{-1/2}
    loop = jnp.arange(N, dtype=edge_index.dtype)
    src = jnp.concatenate([edge_index[0], loop])
    dst = jnp.concatenate([edge_index[1], loop])
    deg = jax.ops.segment_sum(jnp.ones(src.shape, dtype=jnp.float32), dst, num_segments=N)
    dinv = jnp.where(deg > 0, deg ** -0.5, 0.0)
    norm = dinv[src] * dinv[dst]

    def gcn_conv(h, W, b):
        h = h @ W
        msg = h[src] * norm[:, None]
        out = jax.ops.segment_sum(msg, dst, num_segments=N)
        return out + b

    # layer 1
    x1 = gcn_conv(x, W1, b1)
    # BatchNorm1d in eval mode (running_mean=0, running_var=1, eps=1e-5)
    x1 = x1 / jnp.sqrt(1.0 + 1e-5) * gamma1 + beta1
    x1 = jax.nn.relu(x1)
    # dropout is identity in eval mode
    # layer 2
    x2 = gcn_conv(x1, W2, b2)
    # JumpingKnowledge 'max': elementwise max over layer outputs
    xj = jnp.maximum(x1, x2)
    out = xj @ Wf + bf
    return jax.nn.log_softmax(out, axis=1)

if __name__ == "__main__":
    import jax
    _d = setup_inputs()
    print(jax.jit(kernel)(*tuple(_d.values())))

</pallas_src>

<mosaic_0001>
#map = affine_map<(d0, d1) -> (0, 0)>
#map1 = affine_map<(d0, d1) -> (0)>
module attributes {stable_mosaic.version = 14 : i64} {
  func.func @hist(%arg0: i32, %arg1: i32, %arg2: memref<2560x128xi32, #tpu.memory_space<hbm>>, %arg3: memref<20224xf32, #tpu.memory_space<hbm>>, %arg4: memref<80x128xi32, #tpu.memory_space<vmem>>, %arg5: memref<128xf32, #tpu.memory_space<vmem>>, %arg6: memref<632xf32, #tpu.memory_space<vmem>>, %arg7: memref<10112xf32, #tpu.memory_space<vmem_shared>>, %arg8: memref<!tpu.dma_semaphore, #tpu.memory_space<semaphore_mem>>) attributes {dimension_semantics = [#tpu.dimension_semantics<core_parallel>, #tpu.dimension_semantics<subcore_parallel>], iteration_bounds = array<i64: 2, 16>, scalar_prefetch = 0 : i64, scratch_operands = 5 : i64, tpu.core_type = #tpu.core_type<sc_vector_subcore>, window_params = [{transform_indices = #map}, {transform_indices = #map1}]} {
    %mul3A = arith.constant 16 : i32
    %mul3A_0 = arith.muli %arg0, %mul3A : i32
    %add3A = arith.addi %mul3A_0, %arg1 : i32
    %scan3A = arith.constant 0 : i32
    %scan3A_1 = arith.constant 0 : i32
    %scan3A_2 = arith.constant 39 : i32
    %scan3A_3 = arith.addi %scan3A_1, %scan3A_2 : i32
    %scan3A_4 = arith.constant 1 : i32
    scf.for %scan3A_36 = %scan3A_1 to %scan3A_3 step %scan3A_4  : i32 {
      %broadcast_in_dim3A = arith.constant 0.000000e+00 : f32
      %broadcast_in_dim3A_37 = vector.broadcast %broadcast_in_dim3A : f32 to vector<16xf32>
      %mul3A_38 = arith.constant 16 : i32
      %mul3A_39 = arith.muli %scan3A_36, %mul3A_38 : i32
      %swap3A = arith.index_cast %mul3A_39 : i32 to index
      %swap3A_40 = tpu.vector_load %arg6[%swap3A] {strides = array<i32>} : memref<632xf32, #tpu.memory_space<vmem>>, vector<16xf32>,
      %swap3A_41 = vector.shape_cast %swap3A_40 : vector<16xf32> to vector<16xf32>
      %swap3A_42 = vector.shape_cast %broadcast_in_dim3A_37 : vector<16xf32> to vector<16xf32>
      tpu.vector_store %arg6[%swap3A], %swap3A_42 {strides = array<i32>} : memref<632xf32, #tpu.memory_space<vmem>>, vector<16xf32>,
    }
    %scan3A_5 = arith.constant 39 : i32
    %scan3A_6 = arith.constant 0 : i32
    %scan3A_7 = arith.constant 0 : i32
    %scan3A_8 = arith.constant 8 : i32
    %scan3A_9 = arith.addi %scan3A_7, %scan3A_8 : i32
    %scan3A_10 = arith.constant 1 : i32
    scf.for %scan3A_36 = %scan3A_7 to %scan3A_9 step %scan3A_10  : i32 {
      %broadcast_in_dim3A = arith.constant 1.000000e+00 : f32
      %broadcast_in_dim3A_37 = vector.broadcast %broadcast_in_dim3A : f32 to vector<16xf32>
      %mul3A_38 = arith.constant 16 : i32
      %mul3A_39 = arith.muli %scan3A_36, %mul3A_38 : i32
      %swap3A = arith.index_cast %mul3A_39 : i32 to index
      %swap3A_40 = tpu.vector_load %arg5[%swap3A] {strides = array<i32>} : memref<128xf32, #tpu.memory_space<vmem>>, vector<16xf32>,
      %swap3A_41 = vector.shape_cast %swap3A_40 : vector<16xf32> to vector<16xf32>
      %swap3A_42 = vector.shape_cast %broadcast_in_dim3A_37 : vector<16xf32> to vector<16xf32>
      tpu.vector_store %arg5[%swap3A], %swap3A_42 {strides = array<i32>} : memref<128xf32, #tpu.memory_space<vmem>>, vector<16xf32>,
    }
    %scan3A_11 = arith.constant 8 : i32
    %mul3A_12 = arith.constant 632 : i32
    %mul3A_13 = arith.muli %arg1, %mul3A_12 : i32
    "tpu.region"() ({
      %run_scoped3A = tpu.sem_alloc : memref<!tpu.dma_semaphore, #tpu.memory_space<semaphore_mem>>
      %dma_start3A = tpu.memref_slice %arg7[%mul3A_13] : memref<10112xf32, #tpu.memory_space<vmem_shared>> -> memref<632xf32, #tpu.memory_space<vmem_shared>>
      %dma_start3A_36 = tpu.memref_slice %arg7[%mul3A_13] : memref<10112xf32, #tpu.memory_space<vmem_shared>> -> memref<632xf32, #tpu.memory_space<vmem_shared>>
      tpu.enqueue_dma source(%arg6 : memref<632xf32, #tpu.memory_space<vmem>>) target(%dma_start3A_36 : memref<632xf32, #tpu.memory_space<vmem_shared>>) target_semaphore(%run_scoped3A : memref<!tpu.dma_semaphore, #tpu.memory_space<semaphore_mem>>)
      %dma_wait3A = tpu.memref_slice %arg7[%mul3A_13] : memref<10112xf32, #tpu.memory_space<vmem_shared>> -> memref<632xf32, #tpu.memory_space<vmem_shared>>
      %dma_wait3A_37 = tpu.memref_slice %arg7[%mul3A_13] : memref<10112xf32, #tpu.memory_space<vmem_shared>> -> memref<632xf32, #tpu.memory_space<vmem_shared>>
      tpu.wait_dma2 semaphore(%run_scoped3A : memref<!tpu.dma_semaphore, #tpu.memory_space<semaphore_mem>>) src(%arg6 : memref<632xf32, #tpu.memory_space<vmem>>) dst(%dma_wait3A_37 : memref<632xf32, #tpu.memory_space<vmem_shared>>)
      tpu.yield
    }) : () -> ()
    %barrier3A = arith.constant 0 : index
    tpu.barrier barrier_id(%barrier3A)
    %mul3A_14 = arith.constant 80 : i32
    %mul3A_15 = arith.muli %add3A, %mul3A_14 : i32
    "tpu.region"() ({
      %run_scoped3A = tpu.sem_alloc : memref<!tpu.dma_semaphore, #tpu.memory_space<semaphore_mem>>
      %dma_start3A = arith.constant 0 : i32
      %dma_start3A_36 = tpu.memref_slice %arg2[%mul3A_15, %dma_start3A] : memref<2560x128xi32, #tpu.memory_space<hbm>> -> memref<80x128xi32, #tpu.memory_space<hbm>>
      %dma_start3A_37 = arith.constant 0 : i32
      %dma_start3A_38 = tpu.memref_slice %arg2[%mul3A_15, %dma_start3A_37] : memref<2560x128xi32, #tpu.memory_space<hbm>> -> memref<80x128xi32, #tpu.memory_space<hbm>>
      tpu.enqueue_dma source(%dma_start3A_38 : memref<80x128xi32, #tpu.memory_space<hbm>>) target(%arg4 : memref<80x128xi32, #tpu.memory_space<vmem>>) target_semaphore(%run_scoped3A : memref<!tpu.dma_semaphore, #tpu.memory_space<semaphore_mem>>)
      %dma_wait3A = arith.constant 0 : i32
      %dma_wait3A_39 = tpu.memref_slice %arg2[%mul3A_15, %dma_wait3A] : memref<2560x128xi32, #tpu.memory_space<hbm>> -> memref<80x128xi32, #tpu.memory_space<hbm>>
      %dma_wait3A_40 = arith.constant 0 : i32
      %dma_wait3A_41 = tpu.memref_slice %arg2[%mul3A_15, %dma_wait3A_40] : memref<2560x128xi32, #tpu.memory_space<hbm>> -> memref<80x128xi32, #tpu.memory_space<hbm>>
      tpu.wait_dma2 semaphore(%run_scoped3A : memref<!tpu.dma_semaphore, #tpu.memory_space<semaphore_mem>>) src(%dma_wait3A_41 : memref<80x128xi32, #tpu.memory_space<hbm>>) dst(%arg4 : memref<80x128xi32, #tpu.memory_space<vmem>>)
      tpu.yield
    }) : () -> ()
    %scan3A_16 = arith.constant 0 : i32
    %scan3A_17 = arith.constant 0 : i32
    %scan3A_18 = arith.constant 80 : i32
    %scan3A_19 = arith.addi %scan3A_17, %scan3A_18 : i32
    %scan3A_20 = arith.constant 1 : i32
    scf.for %scan3A_36 = %scan3A_17 to %scan3A_19 step %scan3A_20  : i32 {
      %dma_start3A = arith.constant 0 : i32
      %dma_start3A_37 = tpu.memref_slice %arg4[%scan3A_36, %dma_start3A] : memref<80x128xi32, #tpu.memory_space<vmem>> -> memref<1x128xi32, #tpu.memory_space<vmem>>
      %dma_start3A_38 = tpu.memref_squeeze %dma_start3A_37 : memref<1x128xi32, #tpu.memory_space<vmem>> -> memref<128xi32, #tpu.memory_space<vmem>>
      %dma_start3A_39 = arith.constant 0 : i32
      %dma_start3A_40 = tpu.memref_slice %arg7[%dma_start3A_39] : memref<10112xf32, #tpu.memory_space<vmem_shared>> -> memref<10112xf32, #tpu.memory_space<vmem_shared>>
      tpu.enqueue_indirect_dma source(%arg5 : memref<128xf32, #tpu.memory_space<vmem>>) target(%dma_start3A_40 : memref<10112xf32, #tpu.memory_space<vmem_shared>>) offsets(%dma_start3A_38 : memref<128xi32, #tpu.memory_space<vmem>>) semaphore(%arg8 : memref<!tpu.dma_semaphore, #tpu.memory_space<semaphore_mem>>) {add = true}
    }
    %scan3A_21 = arith.constant 80 : i32
    %scan3A_22 = arith.constant 0 : i32
    %scan3A_23 = arith.constant 0 : i32
    %scan3A_24 = arith.constant 80 : i32
    %scan3A_25 = arith.addi %scan3A_23, %scan3A_24 : i32
    %scan3A_26 = arith.constant 1 : i32
    scf.for %scan3A_36 = %scan3A_23 to %scan3A_25 step %scan3A_26  : i32 {
      %dma_wait3A = arith.constant 0 : i32
      %dma_wait3A_37 = arith.constant 0 : i32
      %dma_wait3A_38 = tpu.memref_slice %arg4[%dma_wait3A, %dma_wait3A_37] : memref<80x128xi32, #tpu.memory_space<vmem>> -> memref<1x128xi32, #tpu.memory_space<vmem>>
      %dma_wait3A_39 = tpu.memref_squeeze %dma_wait3A_38 : memref<1x128xi32, #tpu.memory_space<vmem>> -> memref<128xi32, #tpu.memory_space<vmem>>
      %dma_wait3A_40 = arith.constant 0 : i32
      %dma_wait3A_41 = tpu.memref_slice %arg7[%dma_wait3A_40] : memref<10112xf32, #tpu.memory_space<vmem_shared>> -> memref<10112xf32, #tpu.memory_space<vmem_shared>>
      tpu.wait_indirect_dma semaphore(%arg8 : memref<!tpu.dma_semaphore, #tpu.memory_space<semaphore_mem>>) src(%arg5 : memref<128xf32, #tpu.memory_space<vmem>>) dst(%dma_wait3A_41 : memref<10112xf32, #tpu.memory_space<vmem_shared>>)
    }
    %scan3A_27 = arith.constant 80 : i32
    %barrier3A_28 = arith.constant 0 : index
    tpu.barrier barrier_id(%barrier3A_28)
    %mul3A_29 = arith.constant 632 : i32
    %mul3A_30 = arith.muli %arg1, %mul3A_29 : i32
    "tpu.region"() ({
      %run_scoped3A = tpu.sem_alloc : memref<!tpu.dma_semaphore, #tpu.memory_space<semaphore_mem>>
      %dma_start3A = tpu.memref_slice %arg7[%mul3A_30] : memref<10112xf32, #tpu.memory_space<vmem_shared>> -> memref<632xf32, #tpu.memory_space<vmem_shared>>
      %dma_start3A_36 = tpu.memref_slice %arg7[%mul3A_30] : memref<10112xf32, #tpu.memory_space<vmem_shared>> -> memref<632xf32, #tpu.memory_space<vmem_shared>>
      tpu.enqueue_dma source(%dma_start3A_36 : memref<632xf32, #tpu.memory_space<vmem_shared>>) target(%arg6 : memref<632xf32, #tpu.memory_space<vmem>>) target_semaphore(%run_scoped3A : memref<!tpu.dma_semaphore, #tpu.memory_space<semaphore_mem>>)
      %dma_wait3A = tpu.memref_slice %arg7[%mul3A_30] : memref<10112xf32, #tpu.memory_space<vmem_shared>> -> memref<632xf32, #tpu.memory_space<vmem_shared>>
      %dma_wait3A_37 = tpu.memref_slice %arg7[%mul3A_30] : memref<10112xf32, #tpu.memory_space<vmem_shared>> -> memref<632xf32, #tpu.memory_space<vmem_shared>>
      tpu.wait_dma2 semaphore(%run_scoped3A : memref<!tpu.dma_semaphore, #tpu.memory_space<semaphore_mem>>) src(%dma_wait3A_37 : memref<632xf32, #tpu.memory_space<vmem_shared>>) dst(%arg6 : memref<632xf32, #tpu.memory_space<vmem>>)
      tpu.yield
    }) : () -> ()
    %mul3A_31 = arith.constant 10112 : i32
    %mul3A_32 = arith.muli %arg0, %mul3A_31 : i32
    %mul3A_33 = arith.constant 632 : i32
    %mul3A_34 = arith.muli %arg1, %mul3A_33 : i32
    %add3A_35 = arith.addi %mul3A_32, %mul3A_34 : i32
    "tpu.region"() ({
      %run_scoped3A = tpu.sem_alloc : memref<!tpu.dma_semaphore, #tpu.memory_space<semaphore_mem>>
      %dma_start3A = tpu.memref_slice %arg3[%add3A_35] : memref<20224xf32, #tpu.memory_space<hbm>> -> memref<632xf32, #tpu.memory_space<hbm>>
      %dma_start3A_36 = tpu.memref_slice %arg3[%add3A_35] : memref<20224xf32, #tpu.memory_space<hbm>> -> memref<632xf32, #tpu.memory_space<hbm>>
      tpu.enqueue_dma source(%arg6 : memref<632xf32, #tpu.memory_space<vmem>>) target(%dma_start3A_36 : memref<632xf32, #tpu.memory_space<hbm>>) target_semaphore(%run_scoped3A : memref<!tpu.dma_semaphore, #tpu.memory_space<semaphore_mem>>)
      %dma_wait3A = tpu.memref_slice %arg3[%add3A_35] : memref<20224xf32, #tpu.memory_space<hbm>> -> memref<632xf32, #tpu.memory_space<hbm>>
      %dma_wait3A_37 = tpu.memref_slice %arg3[%add3A_35] : memref<20224xf32, #tpu.memory_space<hbm>> -> memref<632xf32, #tpu.memory_space<hbm>>
      tpu.wait_dma2 semaphore(%run_scoped3A : memref<!tpu.dma_semaphore, #tpu.memory_space<semaphore_mem>>) src(%arg6 : memref<632xf32, #tpu.memory_space<vmem>>) dst(%dma_wait3A_37 : memref<632xf32, #tpu.memory_space<hbm>>)
      tpu.yield
    }) : () -> ()
    return
  }
}

#map = affine_map<(d0, d1) -> (0, 0)>
#map1 = affine_map<(d0, d1) -> (0, 0, 0)>
module attributes {stable_mosaic.version = 14 : i64} {
  func.func @segsum(%arg0: i32, %arg1: i32, %arg2: memref<10000x128xf32, #tpu.memory_space<hbm>>, %arg3: memref<2560x128xi32, #tpu.memory_space<hbm>>, %arg4: memref<2560x128xi32, #tpu.memory_space<hbm>>, %arg5: memref<2x10112x128xf32, #tpu.memory_space<hbm>>, %arg6: memref<8x128xi32, #tpu.memory_space<vmem>>, %arg7: memref<8x128xi32, #tpu.memory_space<vmem>>, %arg8: memref<128x128xf32, #tpu.memory_space<vmem>>, %arg9: memref<128x128xf32, #tpu.memory_space<vmem>>, %arg10: memref<10112x128xf32, #tpu.memory_space<vmem_shared>>, %arg11: memref<!tpu.dma_semaphore, #tpu.memory_space<semaphore_mem>>, %arg12: memref<!tpu.dma_semaphore, #tpu.memory_space<semaphore_mem>>, %arg13: memref<!tpu.dma_semaphore, #tpu.memory_space<semaphore_mem>>, %arg14: memref<!tpu.dma_semaphore, #tpu.memory_space<semaphore_mem>>) attributes {dimension_semantics = [#tpu.dimension_semantics<core_parallel>, #tpu.dimension_semantics<subcore_parallel>], iteration_bounds = array<i64: 2, 16>, scalar_prefetch = 0 : i64, scratch_operands = 9 : i64, tpu.core_type = #tpu.core_type<sc_vector_subcore>, window_params = [{transform_indices = #map}, {transform_indices = #map}, {transform_indices = #map}, {transform_indices = #map1}]} {
    %scan3A = arith.constant 0 : i32
    %scan3A_0 = arith.constant 0 : i32
    %scan3A_1 = arith.constant 1024 : i32
    %scan3A_2 = arith.addi %scan3A_0, %scan3A_1 : i32
    %scan3A_3 = arith.constant 1 : i32
    scf.for %scan3A_171 = %scan3A_0 to %scan3A_2 step %scan3A_3  : i32 {
      %jit3A = arith.constant 8 : i32
      %div3A = arith.divsi %scan3A_171, %jit3A : i32
      %sign3A = arith.constant 0 : i32
      %sign3A_172 = arith.cmpi sgt, %scan3A_171, %sign3A : i32
      %sign3A_173 = arith.extui %sign3A_172 : i1 to i32
      %sign3A_174 = arith.constant 0 : i32
      %sign3A_175 = arith.cmpi slt, %scan3A_171, %sign3A_174 : i32
      %sign3A_176 = arith.extui %sign3A_175 : i1 to i32
      %sign3A_177 = arith.subi %sign3A_173, %sign3A_176 : i32
      %sign3A_178 = arith.constant 0 : i32
      %sign3A_179 = arith.cmpi sgt, %jit3A, %sign3A_178 : i32
      %sign3A_180 = arith.extui %sign3A_179 : i1 to i32
      %sign3A_181 = arith.constant 0 : i32
      %sign3A_182 = arith.cmpi slt, %jit3A, %sign3A_181 : i32
      %sign3A_183 = arith.extui %sign3A_182 : i1 to i32
      %sign3A_184 = arith.subi %sign3A_180, %sign3A_183 : i32
      %ne3A = arith.cmpi ne, %sign3A_177, %sign3A_184 : i32
      %rem3A = arith.remsi %scan3A_171, %jit3A : i32
      %ne3A_185 = arith.constant 0 : i32
      %ne3A_186 = arith.cmpi ne, %rem3A, %ne3A_185 : i32
      %and3A = arith.andi %ne3A, %ne3A_186 : i1
      %sub3A = arith.constant 1 : i32
      %sub3A_187 = arith.subi %div3A, %sub3A : i32
      %select_n3A = arith.select %and3A, %sub3A_187, %div3A : i32
      %jit3A_188 = arith.constant 8 : i32
      %eq3A_189 = arith.constant 0 : i32
      %eq3A_190 = arith.cmpi eq, %jit3A_188, %eq3A_189 : i32
      %jit3A_191 = arith.constant 1 : i32
      %select_n3A_192 = arith.select %eq3A_190, %jit3A_191, %jit3A_188 : i32
      %rem3A_193 = arith.remsi %scan3A_171, %select_n3A_192 : i32
      %ne3A_194 = arith.constant 0 : i32
      %ne3A_195 = arith.cmpi ne, %rem3A_193, %ne3A_194 : i32
      %lt3A = arith.constant 0 : i32
      %lt3A_196 = arith.cmpi slt, %rem3A_193, %lt3A : i32
      %lt3A_197 = arith.constant 0 : i32
      %lt3A_198 = arith.cmpi slt, %select_n3A_192, %lt3A_197 : i32
      %ne3A_199 = arith.xori %lt3A_196, %lt3A_198 : i1
      %and3A_200 = arith.andi %ne3A_199, %ne3A_195 : i1
      %add3A_201 = arith.addi %rem3A_193, %select_n3A_192 : i32
      %select_n3A_202 = arith.select %and3A_200, %add3A_201, %rem3A_193 : i32
      %broadcast_in_dim3A = arith.constant 0.000000e+00 : f32
      %broadcast_in_dim3A_203 = vector.broadcast %broadcast_in_dim3A : f32 to vector<16xf32>
      %mul3A_204 = arith.constant 16 : i32
      %mul3A_205 = arith.muli %select_n3A_202, %mul3A_204 : i32
      %swap3A = arith.index_cast %select_n3A : i32 to index
      %swap3A_206 = arith.index_cast %mul3A_205 : i32 to index
      %swap3A_207 = tpu.vector_load %arg8[%swap3A, %swap3A_206] {strides = array<i32>} : memref<128x128xf32, #tpu.memory_space<vmem>>, vector<1x16xf32>,
      %swap3A_208 = vector.shape_cast %swap3A_207 : vector<1x16xf32> to vector<16xf32>
      %swap3A_209 = vector.shape_cast %broadcast_in_dim3A_203 : vector<16xf32> to vector<1x16xf32>
      tpu.vector_store %arg8[%swap3A, %swap3A_206], %swap3A_209 {strides = array<i32>} : memref<128x128xf32, #tpu.memory_space<vmem>>, vector<1x16xf32>,
    }
    %scan3A_4 = arith.constant 1024 : i32
    %mul3A = arith.constant 632 : i32
    %mul3A_5 = arith.muli %arg1, %mul3A : i32
    %add3A = arith.constant 0 : i32
    %add3A_6 = arith.addi %mul3A_5, %add3A : i32
    "tpu.region"() ({
      %run_scoped3A = tpu.sem_alloc : memref<!tpu.dma_semaphore, #tpu.memory_space<semaphore_mem>>
      %dma_start3A_171 = arith.constant 0 : i32
      %dma_start3A_172 = arith.constant 0 : i32
      %dma_start3A_173 = tpu.memref_slice %arg8[%dma_start3A_171, %dma_start3A_172] : memref<128x128xf32, #tpu.memory_space<vmem>> -> memref<128x128xf32, #tpu.memory_space<vmem>>
      %dma_start3A_174 = arith.constant 0 : i32
      %dma_start3A_175 = tpu.memref_slice %arg10[%add3A_6, %dma_start3A_174] : memref<10112x128xf32, #tpu.memory_space<vmem_shared>> -> memref<128x128xf32, #tpu.memory_space<vmem_shared>>
      %dma_start3A_176 = arith.constant 0 : i32
      %dma_start3A_177 = tpu.memref_slice %arg10[%add3A_6, %dma_start3A_176] : memref<10112x128xf32, #tpu.memory_space<vmem_shared>> -> memref<128x128xf32, #tpu.memory_space<vmem_shared>>
      %dma_start3A_178 = arith.constant 0 : i32
      %dma_start3A_179 = arith.constant 0 : i32
      %dma_start3A_180 = tpu.memref_slice %arg8[%dma_start3A_178, %dma_start3A_179] : memref<128x128xf32, #tpu.memory_space<vmem>> -> memref<128x128xf32, #tpu.memory_space<vmem>>
      tpu.enqueue_dma source(%dma_start3A_180 : memref<128x128xf32, #tpu.memory_space<vmem>>) target(%dma_start3A_177 : memref<128x128xf32, #tpu.memory_space<vmem_shared>>) target_semaphore(%run_scoped3A : memref<!tpu.dma_semaphore, #tpu.memory_space<semaphore_mem>>)
      %dma_wait3A_181 = arith.constant 0 : i32
      %dma_wait3A_182 = arith.constant 0 : i32
      %dma_wait3A_183 = tpu.memref_slice %arg8[%dma_wait3A_181, %dma_wait3A_182] : memref<128x128xf32, #tpu.memory_space<vmem>> -> memref<128x128xf32, #tpu.memory_space<vmem>>
      %dma_wait3A_184 = arith.constant 0 : i32
      %dma_wait3A_185 = tpu.memref_slice %arg10[%add3A_6, %dma_wait3A_184] : memref<10112x128xf32, #tpu.memory_space<vmem_shared>> -> memref<128x128xf32, #tpu.memory_space<vmem_shared>>
      %dma_wait3A_186 = arith.constant 0 : i32
      %dma_wait3A_187 = tpu.memref_slice %arg10[%add3A_6, %dma_wait3A_186] : memref<10112x128xf32, #tpu.memory_space<vmem_shared>> -> memref<128x128xf32, #tpu.memory_space<vmem_shared>>
      %dma_wait3A_188 = arith.constant 0 : i32
      %dma_wait3A_189 = arith.constant 0 : i32
      %dma_wait3A_190 = tpu.memref_slice %arg8[%dma_wait3A_188, %dma_wait3A_189] : memref<128x128xf32, #tpu.memory_space<vmem>> -> memref<128x128xf32, #tpu.memory_space<vmem>>
      tpu.wait_dma2 semaphore(%run_scoped3A : memref<!tpu.dma_semaphore, #tpu.memory_space<semaphore_mem>>) src(%dma_wait3A_190 : memref<128x128xf32, #tpu.memory_space<vmem>>) dst(%dma_wait3A_187 : memref<128x128xf32, #tpu.memory_space<vmem_shared>>)
      tpu.yield
    }) : () -> ()
    %add3A_7 = arith.constant 128 : i32
    %add3A_8 = arith.addi %mul3A_5, %add3A_7 : i32
    "tpu.region"() ({
      %run_scoped3A = tpu.sem_alloc : memref<!tpu.dma_semaphore, #tpu.memory_space<semaphore_mem>>
      %dma_start3A_171 = arith.constant 0 : i32
      %dma_start3A_172 = arith.constant 0 : i32
      %dma_start3A_173 = tpu.memref_slice %arg8[%dma_start3A_171, %dma_start3A_172] : memref<128x128xf32, #tpu.memory_space<vmem>> -> memref<128x128xf32, #tpu.memory_space<vmem>>
      %dma_start3A_174 = arith.constant 0 : i32
      %dma_start3A_175 = tpu.memref_slice %arg10[%add3A_8, %dma_start3A_174] : memref<10112x128xf32, #tpu.memory_space<vmem_shared>> -> memref<128x128xf32, #tpu.memory_space<vmem_shared>>
      %dma_start3A_176 = arith.constant 0 : i32
      %dma_start3A_177 = tpu.memref_slice %arg10[%add3A_8, %dma_start3A_176] : memref<10112x128xf32, #tpu.memory_space<vmem_shared>> -> memref<128x128xf32, #tpu.memory_space<vmem_shared>>
      %dma_start3A_178 = arith.constant 0 : i32
      %dma_start3A_179 = arith.constant 0 : i32
      %dma_start3A_180 = tpu.memref_slice %arg8[%dma_start3A_178, %dma_start3A_179] : memref<128x128xf32, #tpu.memory_space<vmem>> -> memref<128x128xf32, #tpu.memory_space<vmem>>
      tpu.enqueue_dma source(%dma_start3A_180 : memref<128x128xf32, #tpu.memory_space<vmem>>) target(%dma_start3A_177 : memref<128x128xf32, #tpu.memory_space<vmem_shared>>) target_semaphore(%run_scoped3A : memref<!tpu.dma_semaphore, #tpu.memory_space<semaphore_mem>>)
      %dma_wait3A_181 = arith.constant 0 : i32
      %dma_wait3A_182 = arith.constant 0 : i32
      %dma_wait3A_183 = tpu.memref_slice %arg8[%dma_wait3A_181, %dma_wait3A_182] : memref<128x128xf32, #tpu.memory_space<vmem>> -> memref<128x128xf32, #tpu.memory_space<vmem>>
      %dma_wait3A_184 = arith.constant 0 : i32
      %dma_wait3A_185 = tpu.memref_slice %arg10[%add3A_8, %dma_wait3A_184] : memref<10112x128xf32, #tpu.memory_space<vmem_shared>> -> memref<128x128xf32, #tpu.memory_space<vmem_shared>>
      %dma_wait3A_186 = arith.constant 0 : i32
      %dma_wait3A_187 = tpu.memref_slice %arg10[%add3A_8, %dma_wait3A_186] : memref<10112x128xf32, #tpu.memory_space<vmem_shared>> -> memref<128x128xf32, #tpu.memory_space<vmem_shared>>
      %dma_wait3A_188 = arith.constant 0 : i32
      %dma_wait3A_189 = arith.constant 0 : i32
      %dma_wait3A_190 = tpu.memref_slice %arg8[%dma_wait3A_188, %dma_wait3A_189] : memref<128x128xf32, #tpu.memory_space<vmem>> -> memref<128x128xf32, #tpu.memory_space<vmem>>
      tpu.wait_dma2 semaphore(%run_scoped3A : memref<!tpu.dma_semaphore, #tpu.memory_space<semaphore_mem>>) src(%dma_wait3A_190 : memref<128x128xf32, #tpu.memory_space<vmem>>) dst(%dma_wait3A_187 : memref<128x128xf32, #tpu.memory_space<vmem_shared>>)
      tpu.yield
    }) : () -> ()
    %add3A_9 = arith.constant 256 : i32
    %add3A_10 = arith.addi %mul3A_5, %add3A_9 : i32
    "tpu.region"() ({
      %run_scoped3A = tpu.sem_alloc : memref<!tpu.dma_semaphore, #tpu.memory_space<semaphore_mem>>
      %dma_start3A_171 = arith.constant 0 : i32
      %dma_start3A_172 = arith.constant 0 : i32
      %dma_start3A_173 = tpu.memref_slice %arg8[%dma_start3A_171, %dma_start3A_172] : memref<128x128xf32, #tpu.memory_space<vmem>> -> memref<128x128xf32, #tpu.memory_space<vmem>>
      %dma_start3A_174 = arith.constant 0 : i32
      %dma_start3A_175 = tpu.memref_slice %arg10[%add3A_10, %dma_start3A_174] : memref<10112x128xf32, #tpu.memory_space<vmem_shared>> -> memref<128x128xf32, #tpu.memory_space<vmem_shared>>
      %dma_start3A_176 = arith.constant 0 : i32
      %dma_start3A_177 = tpu.memref_slice %arg10[%add3A_10, %dma_start3A_176] : memref<10112x128xf32, #tpu.memory_space<vmem_shared>> -> memref<128x128xf32, #tpu.memory_space<vmem_shared>>
      %dma_start3A_178 = arith.constant 0 : i32
      %dma_start3A_179 = arith.constant 0 : i32
      %dma_start3A_180 = tpu.memref_slice %arg8[%dma_start3A_178, %dma_start3A_179] : memref<128x128xf32, #tpu.memory_space<vmem>> -> memref<128x128xf32, #tpu.memory_space<vmem>>
      tpu.enqueue_dma source(%dma_start3A_180 : memref<128x128xf32, #tpu.memory_space<vmem>>) target(%dma_start3A_177 : memref<128x128xf32, #tpu.memory_space<vmem_shared>>) target_semaphore(%run_scoped3A : memref<!tpu.dma_semaphore, #tpu.memory_space<semaphore_mem>>)
      %dma_wait3A_181 = arith.constant 0 : i32
      %dma_wait3A_182 = arith.constant 0 : i32
      %dma_wait3A_183 = tpu.memref_slice %arg8[%dma_wait3A_181, %dma_wait3A_182] : memref<128x128xf32, #tpu.memory_space<vmem>> -> memref<128x128xf32, #tpu.memory_space<vmem>>
      %dma_wait3A_184 = arith.constant 0 : i32
      %dma_wait3A_185 = tpu.memref_slice %arg10[%add3A_10, %dma_wait3A_184] : memref<10112x128xf32, #tpu.memory_space<vmem_shared>> -> memref<128x128xf32, #tpu.memory_space<vmem_shared>>
      %dma_wait3A_186 = arith.constant 0 : i32
      %dma_wait3A_187 = tpu.memref_slice %arg10[%add3A_10, %dma_wait3A_186] : memref<10112x128xf32, #tpu.memory_space<vmem_shared>> -> memref<128x128xf32, #tpu.memory_space<vmem_shared>>
      %dma_wait3A_188 = arith.constant 0 : i32
      %dma_wait3A_189 = arith.constant 0 : i32
      %dma_wait3A_190 = tpu.memref_slice %arg8[%dma_wait3A_188, %dma_wait3A_189] : memref<128x128xf32, #tpu.memory_space<vmem>> -> memref<128x128xf32, #tpu.memory_space<vmem>>
      tpu.wait_dma2 semaphore(%run_scoped3A : memref<!tpu.dma_semaphore, #tpu.memory_space<semaphore_mem>>) src(%dma_wait3A_190 : memref<128x128xf32, #tpu.memory_space<vmem>>) dst(%dma_wait3A_187 : memref<128x128xf32, #tpu.memory_space<vmem_shared>>)
      tpu.yield
    }) : () -> ()
    %add3A_11 = arith.constant 384 : i32
    %add3A_12 = arith.addi %mul3A_5, %add3A_11 : i32
    "tpu.region"() ({
      %run_scoped3A = tpu.sem_alloc : memref<!tpu.dma_semaphore, #tpu.memory_space<semaphore_mem>>
      %dma_start3A_171 = arith.constant 0 : i32
      %dma_start3A_172 = arith.constant 0 : i32
      %dma_start3A_173 = tpu.memref_slice %arg8[%dma_start3A_171, %dma_start3A_172] : memref<128x128xf32, #tpu.memory_space<vmem>> -> memref<128x128xf32, #tpu.memory_space<vmem>>
      %dma_start3A_174 = arith.constant 0 : i32
      %dma_start3A_175 = tpu.memref_slice %arg10[%add3A_12, %dma_start3A_174] : memref<10112x128xf32, #tpu.memory_space<vmem_shared>> -> memref<128x128xf32, #tpu.memory_space<vmem_shared>>
      %dma_start3A_176 = arith.constant 0 : i32
      %dma_start3A_177 = tpu.memref_slice %arg10[%add3A_12, %dma_start3A_176] : memref<10112x128xf32, #tpu.memory_space<vmem_shared>> -> memref<128x128xf32, #tpu.memory_space<vmem_shared>>
      %dma_start3A_178 = arith.constant 0 : i32
      %dma_start3A_179 = arith.constant 0 : i32
      %dma_start3A_180 = tpu.memref_slice %arg8[%dma_start3A_178, %dma_start3A_179] : memref<128x128xf32, #tpu.memory_space<vmem>> -> memref<128x128xf32, #tpu.memory_space<vmem>>
      tpu.enqueue_dma source(%dma_start3A_180 : memref<128x128xf32, #tpu.memory_space<vmem>>) target(%dma_start3A_177 : memref<128x128xf32, #tpu.memory_space<vmem_shared>>) target_semaphore(%run_scoped3A : memref<!tpu.dma_semaphore, #tpu.memory_space<semaphore_mem>>)
      %dma_wait3A_181 = arith.constant 0 : i32
      %dma_wait3A_182 = arith.constant 0 : i32
      %dma_wait3A_183 = tpu.memref_slice %arg8[%dma_wait3A_181, %dma_wait3A_182] : memref<128x128xf32, #tpu.memory_space<vmem>> -> memref<128x128xf32, #tpu.memory_space<vmem>>
      %dma_wait3A_184 = arith.constant 0 : i32
      %dma_wait3A_185 = tpu.memref_slice %arg10[%add3A_12, %dma_wait3A_184] : memref<10112x128xf32, #tpu.memory_space<vmem_shared>> -> memref<128x128xf32, #tpu.memory_space<vmem_shared>>
      %dma_wait3A_186 = arith.constant 0 : i32
      %dma_wait3A_187 = tpu.memref_slice %arg10[%add3A_12, %dma_wait3A_186] : memref<10112x128xf32, #tpu.memory_space<vmem_shared>> -> memref<128x128xf32, #tpu.memory_space<vmem_shared>>
      %dma_wait3A_188 = arith.constant 0 : i32
      %dma_wait3A_189 = arith.constant 0 : i32
      %dma_wait3A_190 = tpu.memref_slice %arg8[%dma_wait3A_188, %dma_wait3A_189] : memref<128x128xf32, #tpu.memory_space<vmem>> -> memref<128x128xf32, #tpu.memory_space<vmem>>
      tpu.wait_dma2 semaphore(%run_scoped3A : memref<!tpu.dma_semaphore, #tpu.memory_space<semaphore_mem>>) src(%dma_wait3A_190 : memref<128x128xf32, #tpu.memory_space<vmem>>) dst(%dma_wait3A_187 : memref<128x128xf32, #tpu.memory_space<vmem_shared>>)
      tpu.yield
    }) : () -> ()
    %add3A_13 = arith.constant 512 : i32
    %add3A_14 = arith.addi %mul3A_5, %add3A_13 : i32
    "tpu.region"() ({
      %run_scoped3A = tpu.sem_alloc : memref<!tpu.dma_semaphore, #tpu.memory_space<semaphore_mem>>
      %dma_start3A_171 = arith.constant 0 : i32
      %dma_start3A_172 = arith.constant 0 : i32
      %dma_start3A_173 = tpu.memref_slice %arg8[%dma_start3A_171, %dma_start3A_172] : memref<128x128xf32, #tpu.memory_space<vmem>> -> memref<120x128xf32, #tpu.memory_space<vmem>>
      %dma_start3A_174 = arith.constant 0 : i32
      %dma_start3A_175 = tpu.memref_slice %arg10[%add3A_14, %dma_start3A_174] : memref<10112x128xf32, #tpu.memory_space<vmem_shared>> -> memref<120x128xf32, #tpu.memory_space<vmem_shared>>
      %dma_start3A_176 = arith.constant 0 : i32
      %dma_start3A_177 = tpu.memref_slice %arg10[%add3A_14, %dma_start3A_176] : memref<10112x128xf32, #tpu.memory_space<vmem_shared>> -> memref<120x128xf32, #tpu.memory_space<vmem_shared>>
      %dma_start3A_178 = arith.constant 0 : i32
      %dma_start3A_179 = arith.constant 0 : i32
      %dma_start3A_180 = tpu.memref_slice %arg8[%dma_start3A_178, %dma_start3A_179] : memref<128x128xf32, #tpu.memory_space<vmem>> -> memref<120x128xf32, #tpu.memory_space<vmem>>
      tpu.enqueue_dma source(%dma_start3A_180 : memref<120x128xf32, #tpu.memory_space<vmem>>) target(%dma_start3A_177 : memref<120x128xf32, #tpu.memory_space<vmem_shared>>) target_semaphore(%run_scoped3A : memref<!tpu.dma_semaphore, #tpu.memory_space<semaphore_mem>>)
      %dma_wait3A_181 = arith.constant 0 : i32
      %dma_wait3A_182 = arith.constant 0 : i32
      %dma_wait3A_183 = tpu.memref_slice %arg8[%dma_wait3A_181, %dma_wait3A_182] : memref<128x128xf32, #tpu.memory_space<vmem>> -> memref<120x128xf32, #tpu.memory_space<vmem>>
      %dma_wait3A_184 = arith.constant 0 : i32
      %dma_wait3A_185 = tpu.memref_slice %arg10[%add3A_14, %dma_wait3A_184] : memref<10112x128xf32, #tpu.memory_space<vmem_shared>> -> memref<120x128xf32, #tpu.memory_space<vmem_shared>>
      %dma_wait3A_186 = arith.constant 0 : i32
      %dma_wait3A_187 = tpu.memref_slice %arg10[%add3A_14, %dma_wait3A_186] : memref<10112x128xf32, #tpu.memory_space<vmem_shared>> -> memref<120x128xf32, #tpu.memory_space<vmem_shared>>
      %dma_wait3A_188 = arith.constant 0 : i32
      %dma_wait3A_189 = arith.constant 0 : i32
      %dma_wait3A_190 = tpu.memref_slice %arg8[%dma_wait3A_188, %dma_wait3A_189] : memref<128x128xf32, #tpu.memory_space<vmem>> -> memref<120x128xf32, #tpu.memory_space<vmem>>
      tpu.wait_dma2 semaphore(%run_scoped3A : memref<!tpu.dma_semaphore, #tpu.memory_space<semaphore_mem>>) src(%dma_wait3A_190 : memref<120x128xf32, #tpu.memory_space<vmem>>) dst(%dma_wait3A_187 : memref<120x128xf32, #tpu.memory_space<vmem_shared>>)
      tpu.yield
    }) : () -> ()
    %barrier3A = arith.constant 0 : index
    tpu.barrier barrier_id(%barrier3A)
    %eq3A = arith.constant 0 : i32
    %eq3A_15 = arith.cmpi eq, %arg0, %eq3A : i32
    %convert_element_type3A = arith.extui %eq3A_15 : i1 to i32
    %cond3A = arith.constant 0 : i32
    %cond3A_16 = arith.cmpi ne, %convert_element_type3A, %cond3A : i32
    scf.if %cond3A_16 {
      %mul3A_171 = arith.constant 144 : i32
      %mul3A_172 = arith.muli %arg1, %mul3A_171 : i32
      %scan3A_173 = arith.constant 0 : i32
      %scan3A_174 = arith.constant 0 : i32
      %scan3A_175 = arith.constant 18 : i32
      %scan3A_176 = arith.addi %scan3A_174, %scan3A_175 : i32
      %scan3A_177 = arith.constant 1 : i32
      scf.for %scan3A_179 = %scan3A_174 to %scan3A_176 step %scan3A_177  : i32 {
        %mul3A_180 = arith.constant 8 : i32
        %mul3A_181 = arith.muli %scan3A_179, %mul3A_180 : i32
        %add3A_182 = arith.addi %mul3A_172, %mul3A_181 : i32
        %dma_start3A_183 = arith.constant 0 : i32
        %dma_start3A_184 = tpu.memref_slice %arg3[%add3A_182, %dma_start3A_183] : memref<2560x128xi32, #tpu.memory_space<hbm>> -> memref<8x128xi32, #tpu.memory_space<hbm>>
        %dma_start3A_185 = arith.constant 0 : i32
        %dma_start3A_186 = tpu.memref_slice %arg3[%add3A_182, %dma_start3A_185] : memref<2560x128xi32, #tpu.memory_space<hbm>> -> memref<8x128xi32, #tpu.memory_space<hbm>>
        tpu.enqueue_dma source(%dma_start3A_186 : memref<8x128xi32, #tpu.memory_space<hbm>>) target(%arg6 : memref<8x128xi32, #tpu.memory_space<vmem>>) target_semaphore(%arg13 : memref<!tpu.dma_semaphore, #tpu.memory_space<semaphore_mem>>)
        %dma_start3A_187 = arith.constant 0 : i32
        %dma_start3A_188 = tpu.memref_slice %arg4[%add3A_182, %dma_start3A_187] : memref<2560x128xi32, #tpu.memory_space<hbm>> -> memref<8x128xi32, #tpu.memory_space<hbm>>
        %dma_start3A_189 = arith.constant 0 : i32
        %dma_start3A_190 = tpu.memref_slice %arg4[%add3A_182, %dma_start3A_189] : memref<2560x128xi32, #tpu.memory_space<hbm>> -> memref<8x128xi32, #tpu.memory_space<hbm>>
        tpu.enqueue_dma source(%dma_start3A_190 : memref<8x128xi32, #tpu.memory_space<hbm>>) target(%arg7 : memref<8x128xi32, #tpu.memory_space<vmem>>) target_semaphore(%arg14 : memref<!tpu.dma_semaphore, #tpu.memory_space<semaphore_mem>>)
        %dma_wait3A_191 = arith.constant 0 : i32
        %dma_wait3A_192 = tpu.memref_slice %arg3[%add3A_182, %dma_wait3A_191] : memref<2560x128xi32, #tpu.memory_space<hbm>> -> memref<8x128xi32, #tpu.memory_space<hbm>>
        %dma_wait3A_193 = arith.constant 0 : i32
        %dma_wait3A_194 = tpu.memref_slice %arg3[%add3A_182, %dma_wait3A_193] : memref<2560x128xi32, #tpu.memory_space<hbm>> -> memref<8x128xi32, #tpu.memory_space<hbm>>
        tpu.wait_dma2 semaphore(%arg13 : memref<!tpu.dma_semaphore, #tpu.memory_space<semaphore_mem>>) src(%dma_wait3A_194 : memref<8x128xi32, #tpu.memory_space<hbm>>) dst(%arg6 : memref<8x128xi32, #tpu.memory_space<vmem>>)
        %dma_start3A_195 = arith.constant 0 : i32
        %dma_start3A_196 = arith.constant 0 : i32
        %dma_start3A_197 = tpu.memref_slice %arg6[%dma_start3A_195, %dma_start3A_196] : memref<8x128xi32, #tpu.memory_space<vmem>> -> memref<1x128xi32, #tpu.memory_space<vmem>>
        %dma_start3A_198 = tpu.memref_squeeze %dma_start3A_197 : memref<1x128xi32, #tpu.memory_space<vmem>> -> memref<128xi32, #tpu.memory_space<vmem>>
        %dma_start3A_199 = arith.constant 0 : i32
        %dma_start3A_200 = arith.constant 0 : i32
        %dma_start3A_201 = tpu.memref_slice %arg2[%dma_start3A_199, %dma_start3A_200] : memref<10000x128xf32, #tpu.memory_space<hbm>> -> memref<10000x128xf32, #tpu.memory_space<hbm>>
        tpu.enqueue_indirect_dma source(%dma_start3A_201 : memref<10000x128xf32, #tpu.memory_space<hbm>>) target(%arg8 : memref<128x128xf32, #tpu.memory_space<vmem>>) offsets(%dma_start3A_198 : memref<128xi32, #tpu.memory_space<vmem>>) semaphore(%arg11 : memref<!tpu.dma_semaphore, #tpu.memory_space<semaphore_mem>>)
        %dma_wait3A_202 = arith.constant 0 : i32
        %dma_wait3A_203 = tpu.memref_slice %arg4[%add3A_182, %dma_wait3A_202] : memref<2560x128xi32, #tpu.memory_space<hbm>> -> memref<8x128xi32, #tpu.memory_space<hbm>>
        %dma_wait3A_204 = arith.constant 0 : i32
        %dma_wait3A_205 = tpu.memref_slice %arg4[%add3A_182, %dma_wait3A_204] : memref<2560x128xi32, #tpu.memory_space<hbm>> -> memref<8x128xi32, #tpu.memory_space<hbm>>
        tpu.wait_dma2 semaphore(%arg14 : memref<!tpu.dma_semaphore, #tpu.memory_space<semaphore_mem>>) src(%dma_wait3A_205 : memref<8x128xi32, #tpu.memory_space<hbm>>) dst(%arg7 : memref<8x128xi32, #tpu.memory_space<vmem>>)
        %scan3A_206 = arith.constant 0 : i32
        %scan3A_207 = arith.constant 0 : i32
        %scan3A_208 = arith.constant 4 : i32
        %scan3A_209 = arith.addi %scan3A_207, %scan3A_208 : i32
        %scan3A_210 = arith.constant 1 : i32
        scf.for %scan3A_219 = %scan3A_207 to %scan3A_209 step %scan3A_210  : i32 {
          %mul3A_220 = arith.constant 2 : i32
          %mul3A_221 = arith.muli %mul3A_220, %scan3A_219 : i32
          %add3A_222 = arith.constant 1 : i32
          %add3A_223 = arith.addi %mul3A_221, %add3A_222 : i32
          %dma_wait3A_224 = arith.constant 0 : i32
          %dma_wait3A_225 = tpu.memref_slice %arg6[%mul3A_221, %dma_wait3A_224] : memref<8x128xi32, #tpu.memory_space<vmem>> -> memref<1x128xi32, #tpu.memory_space<vmem>>
          %dma_wait3A_226 = tpu.memref_squeeze %dma_wait3A_225 : memref<1x128xi32, #tpu.memory_space<vmem>> -> memref<128xi32, #tpu.memory_space<vmem>>
          %dma_wait3A_227 = arith.constant 0 : i32
          %dma_wait3A_228 = arith.constant 0 : i32
          %dma_wait3A_229 = tpu.memref_slice %arg2[%dma_wait3A_227, %dma_wait3A_228] : memref<10000x128xf32, #tpu.memory_space<hbm>> -> memref<10000x128xf32, #tpu.memory_space<hbm>>
          tpu.wait_indirect_dma semaphore(%arg11 : memref<!tpu.dma_semaphore, #tpu.memory_space<semaphore_mem>>) src(%dma_wait3A_229 : memref<10000x128xf32, #tpu.memory_space<hbm>>) dst(%arg8 : memref<128x128xf32, #tpu.memory_space<vmem>>)
          %dma_start3A_230 = arith.constant 0 : i32
          %dma_start3A_231 = tpu.memref_slice %arg7[%mul3A_221, %dma_start3A_230] : memref<8x128xi32, #tpu.memory_space<vmem>> -> memref<1x128xi32, #tpu.memory_space<vmem>>
          %dma_start3A_232 = tpu.memref_squeeze %dma_start3A_231 : memref<1x128xi32, #tpu.memory_space<vmem>> -> memref<128xi32, #tpu.memory_space<vmem>>
          %dma_start3A_233 = arith.constant 0 : i32
          %dma_start3A_234 = arith.constant 0 : i32
          %dma_start3A_235 = tpu.memref_slice %arg10[%dma_start3A_233, %dma_start3A_234] : memref<10112x128xf32, #tpu.memory_space<vmem_shared>> -> memref<10112x128xf32, #tpu.memory_space<vmem_shared>>
          tpu.enqueue_indirect_dma source(%arg8 : memref<128x128xf32, #tpu.memory_space<vmem>>) target(%dma_start3A_235 : memref<10112x128xf32, #tpu.memory_space<vmem_shared>>) offsets(%dma_start3A_232 : memref<128xi32, #tpu.memory_space<vmem>>) semaphore(%arg13 : memref<!tpu.dma_semaphore, #tpu.memory_space<semaphore_mem>>) {add = true}
          %gt3A = arith.constant 0 : i32
          %gt3A_236 = arith.cmpi sgt, %scan3A_219, %gt3A : i32
          %convert_element_type3A_237 = arith.extui %gt3A_236 : i1 to i32
          %cond3A_238 = arith.constant 0 : i32
          %cond3A_239 = arith.cmpi ne, %convert_element_type3A_237, %cond3A_238 : i32
          scf.if %cond3A_239 {
            %dma_wait3A_270 = arith.constant 0 : i32
            %dma_wait3A_271 = tpu.memref_slice %arg7[%add3A_223, %dma_wait3A_270] : memref<8x128xi32, #tpu.memory_space<vmem>> -> memref<1x128xi32, #tpu.memory_space<vmem>>
            %dma_wait3A_272 = tpu.memref_squeeze %dma_wait3A_271 : memref<1x128xi32, #tpu.memory_space<vmem>> -> memref<128xi32, #tpu.memory_space<vmem>>
            %dma_wait3A_273 = arith.constant 0 : i32
            %dma_wait3A_274 = arith.constant 0 : i32
            %dma_wait3A_275 = tpu.memref_slice %arg10[%dma_wait3A_273, %dma_wait3A_274] : memref<10112x128xf32, #tpu.memory_space<vmem_shared>> -> memref<10112x128xf32, #tpu.memory_space<vmem_shared>>
            tpu.wait_indirect_dma semaphore(%arg14 : memref<!tpu.dma_semaphore, #tpu.memory_space<semaphore_mem>>) src(%arg9 : memref<128x128xf32, #tpu.memory_space<vmem>>) dst(%dma_wait3A_275 : memref<10112x128xf32, #tpu.memory_space<vmem_shared>>)
          } else {
          }
          %dma_start3A_240 = arith.constant 0 : i32
          %dma_start3A_241 = tpu.memref_slice %arg6[%add3A_223, %dma_start3A_240] : memref<8x128xi32, #tpu.memory_space<vmem>> -> memref<1x128xi32, #tpu.memory_space<vmem>>
          %dma_start3A_242 = tpu.memref_squeeze %dma_start3A_241 : memref<1x128xi32, #tpu.memory_space<vmem>> -> memref<128xi32, #tpu.memory_space<vmem>>
          %dma_start3A_243 = arith.constant 0 : i32
          %dma_start3A_244 = arith.constant 0 : i32
          %dma_start3A_245 = tpu.memref_slice %arg2[%dma_start3A_243, %dma_start3A_244] : memref<10000x128xf32, #tpu.memory_space<hbm>> -> memref<10000x128xf32, #tpu.memory_space<hbm>>
          tpu.enqueue_indirect_dma source(%dma_start3A_245 : memref<10000x128xf32, #tpu.memory_space<hbm>>) target(%arg9 : memref<128x128xf32, #tpu.memory_space<vmem>>) offsets(%dma_start3A_242 : memref<128xi32, #tpu.memory_space<vmem>>) semaphore(%arg12 : memref<!tpu.dma_semaphore, #tpu.memory_space<semaphore_mem>>)
          %dma_wait3A_246 = arith.constant 0 : i32
          %dma_wait3A_247 = tpu.memref_slice %arg6[%add3A_223, %dma_wait3A_246] : memref<8x128xi32, #tpu.memory_space<vmem>> -> memref<1x128xi32, #tpu.memory_space<vmem>>
          %dma_wait3A_248 = tpu.memref_squeeze %dma_wait3A_247 : memref<1x128xi32, #tpu.memory_space<vmem>> -> memref<128xi32, #tpu.memory_space<vmem>>
          %dma_wait3A_249 = arith.constant 0 : i32
          %dma_wait3A_250 = arith.constant 0 : i32
          %dma_wait3A_251 = tpu.memref_slice %arg2[%dma_wait3A_249, %dma_wait3A_250] : memref<10000x128xf32, #tpu.memory_space<hbm>> -> memref<10000x128xf32, #tpu.memory_space<hbm>>
          tpu.wait_indirect_dma semaphore(%arg12 : memref<!tpu.dma_semaphore, #tpu.memory_space<semaphore_mem>>) src(%dma_wait3A_251 : memref<10000x128xf32, #tpu.memory_space<hbm>>) dst(%arg9 : memref<128x128xf32, #tpu.memory_space<vmem>>)
          %dma_start3A_252 = arith.constant 0 : i32
          %dma_start3A_253 = tpu.memref_slice %arg7[%add3A_223, %dma_start3A_252] : memref<8x128xi32, #tpu.memory_space<vmem>> -> memref<1x128xi32, #tpu.memory_space<vmem>>
          %dma_start3A_254 = tpu.memref_squeeze %dma_start3A_253 : memref<1x128xi32, #tpu.memory_space<vmem>> -> memref<128xi32, #tpu.memory_space<vmem>>
          %dma_start3A_255 = arith.constant 0 : i32
          %dma_start3A_256 = arith.constant 0 : i32
          %dma_start3A_257 = tpu.memref_slice %arg10[%dma_start3A_255, %dma_start3A_256] : memref<10112x128xf32, #tpu.memory_space<vmem_shared>> -> memref<10112x128xf32, #tpu.memory_space<vmem_shared>>
          tpu.enqueue_indirect_dma source(%arg9 : memref<128x128xf32, #tpu.memory_space<vmem>>) target(%dma_start3A_257 : memref<10112x128xf32, #tpu.memory_space<vmem_shared>>) offsets(%dma_start3A_254 : memref<128xi32, #tpu.memory_space<vmem>>) semaphore(%arg14 : memref<!tpu.dma_semaphore, #tpu.memory_space<semaphore_mem>>) {add = true}
          %dma_wait3A_258 = arith.constant 0 : i32
          %dma_wait3A_259 = tpu.memref_slice %arg7[%mul3A_221, %dma_wait3A_258] : memref<8x128xi32, #tpu.memory_space<vmem>> -> memref<1x128xi32, #tpu.memory_space<vmem>>
          %dma_wait3A_260 = tpu.memref_squeeze %dma_wait3A_259 : memref<1x128xi32, #tpu.memory_space<vmem>> -> memref<128xi32, #tpu.memory_space<vmem>>
          %dma_wait3A_261 = arith.constant 0 : i32
          %dma_wait3A_262 = arith.constant 0 : i32
          %dma_wait3A_263 = tpu.memref_slice %arg10[%dma_wait3A_261, %dma_wait3A_262] : memref<10112x128xf32, #tpu.memory_space<vmem_shared>> -> memref<10112x128xf32, #tpu.memory_space<vmem_shared>>
          tpu.wait_indirect_dma semaphore(%arg13 : memref<!tpu.dma_semaphore, #tpu.memory_space<semaphore_mem>>) src(%arg8 : memref<128x128xf32, #tpu.memory_space<vmem>>) dst(%dma_wait3A_263 : memref<10112x128xf32, #tpu.memory_space<vmem_shared>>)
          %add3A_264 = arith.constant 1 : i32
          %add3A_265 = arith.addi %add3A_223, %add3A_264 : i32
          %lt3A = arith.constant 8 : i32
          %lt3A_266 = arith.cmpi slt, %add3A_265, %lt3A : i32
          %convert_element_type3A_267 = arith.extui %lt3A_266 : i1 to i32
          %cond3A_268 = arith.constant 0 : i32
          %cond3A_269 = arith.cmpi ne, %convert_element_type3A_267, %cond3A_268 : i32
          scf.if %cond3A_269 {
            %add3A_270 = arith.constant 1 : i32
            %add3A_271 = arith.addi %add3A_223, %add3A_270 : i32
            %dma_start3A_272 = arith.constant 0 : i32
            %dma_start3A_273 = tpu.memref_slice %arg6[%add3A_271, %dma_start3A_272] : memref<8x128xi32, #tpu.memory_space<vmem>> -> memref<1x128xi32, #tpu.memory_space<vmem>>
            %dma_start3A_274 = tpu.memref_squeeze %dma_start3A_273 : memref<1x128xi32, #tpu.memory_space<vmem>> -> memref<128xi32, #tpu.memory_space<vmem>>
            %dma_start3A_275 = arith.constant 0 : i32
            %dma_start3A_276 = arith.constant 0 : i32
            %dma_start3A_277 = tpu.memref_slice %arg2[%dma_start3A_275, %dma_start3A_276] : memref<10000x128xf32, #tpu.memory_space<hbm>> -> memref<10000x128xf32, #tpu.memory_space<hbm>>
            tpu.enqueue_indirect_dma source(%dma_start3A_277 : memref<10000x128xf32, #tpu.memory_space<hbm>>) target(%arg8 : memref<128x128xf32, #tpu.memory_space<vmem>>) offsets(%dma_start3A_274 : memref<128xi32, #tpu.memory_space<vmem>>) semaphore(%arg11 : memref<!tpu.dma_semaphore, #tpu.memory_space<semaphore_mem>>)
          } else {
          }
        }
        %scan3A_211 = arith.constant 4 : i32
        %dma_wait3A_212 = arith.constant 7 : i32
        %dma_wait3A_213 = arith.constant 0 : i32
        %dma_wait3A_214 = tpu.memref_slice %arg7[%dma_wait3A_212, %dma_wait3A_213] : memref<8x128xi32, #tpu.memory_space<vmem>> -> memref<1x128xi32, #tpu.memory_space<vmem>>
        %dma_wait3A_215 = tpu.memref_squeeze %dma_wait3A_214 : memref<1x128xi32, #tpu.memory_space<vmem>> -> memref<128xi32, #tpu.memory_space<vmem>>
        %dma_wait3A_216 = arith.constant 0 : i32
        %dma_wait3A_217 = arith.constant 0 : i32
        %dma_wait3A_218 = tpu.memref_slice %arg10[%dma_wait3A_216, %dma_wait3A_217] : memref<10112x128xf32, #tpu.memory_space<vmem_shared>> -> memref<10112x128xf32, #tpu.memory_space<vmem_shared>>
        tpu.wait_indirect_dma semaphore(%arg14 : memref<!tpu.dma_semaphore, #tpu.memory_space<semaphore_mem>>) src(%arg9 : memref<128x128xf32, #tpu.memory_space<vmem>>) dst(%dma_wait3A_218 : memref<10112x128xf32, #tpu.memory_space<vmem_shared>>)
      }
      %scan3A_178 = arith.constant 18 : i32
    } else {
    }
    %eq3A_17 = arith.constant 1 : i32
    %eq3A_18 = arith.cmpi eq, %arg0, %eq3A_17 : i32
    %convert_element_type3A_19 = arith.extui %eq3A_18 : i1 to i32
    %cond3A_20 = arith.constant 0 : i32
    %cond3A_21 = arith.cmpi ne, %convert_element_type3A_19, %cond3A_20 : i32
    scf.if %cond3A_21 {
      %mul3A_171 = arith.constant 16 : i32
      %mul3A_172 = arith.muli %arg1, %mul3A_171 : i32
      %add3A_173 = arith.constant 2304 : i32
      %add3A_174 = arith.addi %add3A_173, %mul3A_172 : i32
      %scan3A_175 = arith.constant 0 : i32
      %scan3A_176 = arith.constant 0 : i32
      %scan3A_177 = arith.constant 2 : i32
      %scan3A_178 = arith.addi %scan3A_176, %scan3A_177 : i32
      %scan3A_179 = arith.constant 1 : i32
      scf.for %scan3A_181 = %scan3A_176 to %scan3A_178 step %scan3A_179  : i32 {
        %mul3A_182 = arith.constant 8 : i32
        %mul3A_183 = arith.muli %scan3A_181, %mul3A_182 : i32
        %add3A_184 = arith.addi %add3A_174, %mul3A_183 : i32
        %dma_start3A_185 = arith.constant 0 : i32
        %dma_start3A_186 = tpu.memref_slice %arg3[%add3A_184, %dma_start3A_185] : memref<2560x128xi32, #tpu.memory_space<hbm>> -> memref<8x128xi32, #tpu.memory_space<hbm>>
        %dma_start3A_187 = arith.constant 0 : i32
        %dma_start3A_188 = tpu.memref_slice %arg3[%add3A_184, %dma_start3A_187] : memref<2560x128xi32, #tpu.memory_space<hbm>> -> memref<8x128xi32, #tpu.memory_space<hbm>>
        tpu.enqueue_dma source(%dma_start3A_188 : memref<8x128xi32, #tpu.memory_space<hbm>>) target(%arg6 : memref<8x128xi32, #tpu.memory_space<vmem>>) target_semaphore(%arg13 : memref<!tpu.dma_semaphore, #tpu.memory_space<semaphore_mem>>)
        %dma_start3A_189 = arith.constant 0 : i32
        %dma_start3A_190 = tpu.memref_slice %arg4[%add3A_184, %dma_start3A_189] : memref<2560x128xi32, #tpu.memory_space<hbm>> -> memref<8x128xi32, #tpu.memory_space<hbm>>
        %dma_start3A_191 = arith.constant 0 : i32
        %dma_start3A_192 = tpu.memref_slice %arg4[%add3A_184, %dma_start3A_191] : memref<2560x128xi32, #tpu.memory_space<hbm>> -> memref<8x128xi32, #tpu.memory_space<hbm>>
        tpu.enqueue_dma source(%dma_start3A_192 : memref<8x128xi32, #tpu.memory_space<hbm>>) target(%arg7 : memref<8x128xi32, #tpu.memory_space<vmem>>) target_semaphore(%arg14 : memref<!tpu.dma_semaphore, #tpu.memory_space<semaphore_mem>>)
        %dma_wait3A_193 = arith.constant 0 : i32
        %dma_wait3A_194 = tpu.memref_slice %arg3[%add3A_184, %dma_wait3A_193] : memref<2560x128xi32, #tpu.memory_space<hbm>> -> memref<8x128xi32, #tpu.memory_space<hbm>>
        %dma_wait3A_195 = arith.constant 0 : i32
        %dma_wait3A_196 = tpu.memref_slice %arg3[%add3A_184, %dma_wait3A_195] : memref<2560x128xi32, #tpu.memory_space<hbm>> -> memref<8x128xi32, #tpu.memory_space<hbm>>
        tpu.wait_dma2 semaphore(%arg13 : memref<!tpu.dma_semaphore, #tpu.memory_space<semaphore_mem>>) src(%dma_wait3A_196 : memref<8x128xi32, #tpu.memory_space<hbm>>) dst(%arg6 : memref<8x128xi32, #tpu.memory_space<vmem>>)
        %dma_start3A_197 = arith.constant 0 : i32
        %dma_start3A_198 = arith.constant 0 : i32
        %dma_start3A_199 = tpu.memref_slice %arg6[%dma_start3A_197, %dma_start3A_198] : memref<8x128xi32, #tpu.memory_space<vmem>> -> memref<1x128xi32, #tpu.memory_space<vmem>>
        %dma_start3A_200 = tpu.memref_squeeze %dma_start3A_199 : memref<1x128xi32, #tpu.memory_space<vmem>> -> memref<128xi32, #tpu.memory_space<vmem>>
        %dma_start3A_201 = arith.constant 0 : i32
        %dma_start3A_202 = arith.constant 0 : i32
        %dma_start3A_203 = tpu.memref_slice %arg2[%dma_start3A_201, %dma_start3A_202] : memref<10000x128xf32, #tpu.memory_space<hbm>> -> memref<10000x128xf32, #tpu.memory_space<hbm>>
        tpu.enqueue_indirect_dma source(%dma_start3A_203 : memref<10000x128xf32, #tpu.memory_space<hbm>>) target(%arg8 : memref<128x128xf32, #tpu.memory_space<vmem>>) offsets(%dma_start3A_200 : memref<128xi32, #tpu.memory_space<vmem>>) semaphore(%arg11 : memref<!tpu.dma_semaphore, #tpu.memory_space<semaphore_mem>>)
        %dma_wait3A_204 = arith.constant 0 : i32
        %dma_wait3A_205 = tpu.memref_slice %arg4[%add3A_184, %dma_wait3A_204] : memref<2560x128xi32, #tpu.memory_space<hbm>> -> memref<8x128xi32, #tpu.memory_space<hbm>>
        %dma_wait3A_206 = arith.constant 0 : i32
        %dma_wait3A_207 = tpu.memref_slice %arg4[%add3A_184, %dma_wait3A_206] : memref<2560x128xi32, #tpu.memory_space<hbm>> -> memref<8x128xi32, #tpu.memory_space<hbm>>
        tpu.wait_dma2 semaphore(%arg14 : memref<!tpu.dma_semaphore, #tpu.memory_space<semaphore_mem>>) src(%dma_wait3A_207 : memref<8x128xi32, #tpu.memory_space<hbm>>) dst(%arg7 : memref<8x128xi32, #tpu.memory_space<vmem>>)
        %scan3A_208 = arith.constant 0 : i32
        %scan3A_209 = arith.constant 0 : i32
        %scan3A_210 = arith.constant 4 : i32
        %scan3A_211 = arith.addi %scan3A_209, %scan3A_210 : i32
        %scan3A_212 = arith.constant 1 : i32
        scf.for %scan3A_221 = %scan3A_209 to %scan3A_211 step %scan3A_212  : i32 {
          %mul3A_222 = arith.constant 2 : i32
          %mul3A_223 = arith.muli %mul3A_222, %scan3A_221 : i32
          %add3A_224 = arith.constant 1 : i32
          %add3A_225 = arith.addi %mul3A_223, %add3A_224 : i32
          %dma_wait3A_226 = arith.constant 0 : i32
          %dma_wait3A_227 = tpu.memref_slice %arg6[%mul3A_223, %dma_wait3A_226] : memref<8x128xi32, #tpu.memory_space<vmem>> -> memref<1x128xi32, #tpu.memory_space<vmem>>
          %dma_wait3A_228 = tpu.memref_squeeze %dma_wait3A_227 : memref<1x128xi32, #tpu.memory_space<vmem>> -> memref<128xi32, #tpu.memory_space<vmem>>
          %dma_wait3A_229 = arith.constant 0 : i32
          %dma_wait3A_230 = arith.constant 0 : i32
          %dma_wait3A_231 = tpu.memref_slice %arg2[%dma_wait3A_229, %dma_wait3A_230] : memref<10000x128xf32, #tpu.memory_space<hbm>> -> memref<10000x128xf32, #tpu.memory_space<hbm>>
          tpu.wait_indirect_dma semaphore(%arg11 : memref<!tpu.dma_semaphore, #tpu.memory_space<semaphore_mem>>) src(%dma_wait3A_231 : memref<10000x128xf32, #tpu.memory_space<hbm>>) dst(%arg8 : memref<128x128xf32, #tpu.memory_space<vmem>>)
          %dma_start3A_232 = arith.constant 0 : i32
          %dma_start3A_233 = tpu.memref_slice %arg7[%mul3A_223, %dma_start3A_232] : memref<8x128xi32, #tpu.memory_space<vmem>> -> memref<1x128xi32, #tpu.memory_space<vmem>>
          %dma_start3A_234 = tpu.memref_squeeze %dma_start3A_233 : memref<1x128xi32, #tpu.memory_space<vmem>> -> memref<128xi32, #tpu.memory_space<vmem>>
          %dma_start3A_235 = arith.constant 0 : i32
          %dma_start3A_236 = arith.constant 0 : i32
          %dma_start3A_237 = tpu.memref_slice %arg10[%dma_start3A_235, %dma_start3A_236] : memref<10112x128xf32, #tpu.memory_space<vmem_shared>> -> memref<10112x128xf32, #tpu.memory_space<vmem_shared>>
          tpu.enqueue_indirect_dma source(%arg8 : memref<128x128xf32, #tpu.memory_space<vmem>>) target(%dma_start3A_237 : memref<10112x128xf32, #tpu.memory_space<vmem_shared>>) offsets(%dma_start3A_234 : memref<128xi32, #tpu.memory_space<vmem>>) semaphore(%arg13 : memref<!tpu.dma_semaphore, #tpu.memory_space<semaphore_mem>>) {add = true}
          %gt3A = arith.constant 0 : i32
          %gt3A_238 = arith.cmpi sgt, %scan3A_221, %gt3A : i32
          %convert_element_type3A_239 = arith.extui %gt3A_238 : i1 to i32
          %cond3A_240 = arith.constant 0 : i32
          %cond3A_241 = arith.cmpi ne, %convert_element_type3A_239, %cond3A_240 : i32
          scf.if %cond3A_241 {
            %dma_wait3A_272 = arith.constant 0 : i32
            %dma_wait3A_273 = tpu.memref_slice %arg7[%add3A_225, %dma_wait3A_272] : memref<8x128xi32, #tpu.memory_space<vmem>> -> memref<1x128xi32, #tpu.memory_space<vmem>>
            %dma_wait3A_274 = tpu.memref_squeeze %dma_wait3A_273 : memref<1x128xi32, #tpu.memory_space<vmem>> -> memref<128xi32, #tpu.memory_space<vmem>>
            %dma_wait3A_275 = arith.constant 0 : i32
            %dma_wait3A_276 = arith.constant 0 : i32
            %dma_wait3A_277 = tpu.memref_slice %arg10[%dma_wait3A_275, %dma_wait3A_276] : memref<10112x128xf32, #tpu.memory_space<vmem_shared>> -> memref<10112x128xf32, #tpu.memory_space<vmem_shared>>
            tpu.wait_indirect_dma semaphore(%arg14 : memref<!tpu.dma_semaphore, #tpu.memory_space<semaphore_mem>>) src(%arg9 : memref<128x128xf32, #tpu.memory_space<vmem>>) dst(%dma_wait3A_277 : memref<10112x128xf32, #tpu.memory_space<vmem_shared>>)
          } else {
          }
          %dma_start3A_242 = arith.constant 0 : i32
          %dma_start3A_243 = tpu.memref_slice %arg6[%add3A_225, %dma_start3A_242] : memref<8x128xi32, #tpu.memory_space<vmem>> -> memref<1x128xi32, #tpu.memory_space<vmem>>
          %dma_start3A_244 = tpu.memref_squeeze %dma_start3A_243 : memref<1x128xi32, #tpu.memory_space<vmem>> -> memref<128xi32, #tpu.memory_space<vmem>>
          %dma_start3A_245 = arith.constant 0 : i32
          %dma_start3A_246 = arith.constant 0 : i32
          %dma_start3A_247 = tpu.memref_slice %arg2[%dma_start3A_245, %dma_start3A_246] : memref<10000x128xf32, #tpu.memory_space<hbm>> -> memref<10000x128xf32, #tpu.memory_space<hbm>>
          tpu.enqueue_indirect_dma source(%dma_start3A_247 : memref<10000x128xf32, #tpu.memory_space<hbm>>) target(%arg9 : memref<128x128xf32, #tpu.memory_space<vmem>>) offsets(%dma_start3A_244 : memref<128xi32, #tpu.memory_space<vmem>>) semaphore(%arg12 : memref<!tpu.dma_semaphore, #tpu.memory_space<semaphore_mem>>)
          %dma_wait3A_248 = arith.constant 0 : i32
          %dma_wait3A_249 = tpu.memref_slice %arg6[%add3A_225, %dma_wait3A_248] : memref<8x128xi32, #tpu.memory_space<vmem>> -> memref<1x128xi32, #tpu.memory_space<vmem>>
          %dma_wait3A_250 = tpu.memref_squeeze %dma_wait3A_249 : memref<1x128xi32, #tpu.memory_space<vmem>> -> memref<128xi32, #tpu.memory_space<vmem>>
          %dma_wait3A_251 = arith.constant 0 : i32
          %dma_wait3A_252 = arith.constant 0 : i32
          %dma_wait3A_253 = tpu.memref_slice %arg2[%dma_wait3A_251, %dma_wait3A_252] : memref<10000x128xf32, #tpu.memory_space<hbm>> -> memref<10000x128xf32, #tpu.memory_space<hbm>>
          tpu.wait_indirect_dma semaphore(%arg12 : memref<!tpu.dma_semaphore, #tpu.memory_space<semaphore_mem>>) src(%dma_wait3A_253 : memref<10000x128xf32, #tpu.memory_space<hbm>>) dst(%arg9 : memref<128x128xf32, #tpu.memory_space<vmem>>)
          %dma_start3A_254 = arith.constant 0 : i32
          %dma_start3A_255 = tpu.memref_slice %arg7[%add3A_225, %dma_start3A_254] : memref<8x128xi32, #tpu.memory_space<vmem>> -> memref<1x128xi32, #tpu.memory_space<vmem>>
          %dma_start3A_256 = tpu.memref_squeeze %dma_start3A_255 : memref<1x128xi32, #tpu.memory_space<vmem>> -> memref<128xi32, #tpu.memory_space<vmem>>
          %dma_start3A_257 = arith.constant 0 : i32
          %dma_start3A_258 = arith.constant 0 : i32
          %dma_start3A_259 = tpu.memref_slice %arg10[%dma_start3A_257, %dma_start3A_258] : memref<10112x128xf32, #tpu.memory_space<vmem_shared>> -> memref<10112x128xf32, #tpu.memory_space<vmem_shared>>
          tpu.enqueue_indirect_dma source(%arg9 : memref<128x128xf32, #tpu.memory_space<vmem>>) target(%dma_start3A_259 : memref<10112x128xf32, #tpu.memory_space<vmem_shared>>) offsets(%dma_start3A_256 : memref<128xi32, #tpu.memory_space<vmem>>) semaphore(%arg14 : memref<!tpu.dma_semaphore, #tpu.memory_space<semaphore_mem>>) {add = true}
          %dma_wait3A_260 = arith.constant 0 : i32
          %dma_wait3A_261 = tpu.memref_slice %arg7[%mul3A_223, %dma_wait3A_260] : memref<8x128xi32, #tpu.memory_space<vmem>> -> memref<1x128xi32, #tpu.memory_space<vmem>>
          %dma_wait3A_262 = tpu.memref_squeeze %dma_wait3A_261 : memref<1x128xi32, #tpu.memory_space<vmem>> -> memref<128xi32, #tpu.memory_space<vmem>>
          %dma_wait3A_263 = arith.constant 0 : i32
          %dma_wait3A_264 = arith.constant 0 : i32
          %dma_wait3A_265 = tpu.memref_slice %arg10[%dma_wait3A_263, %dma_wait3A_264] : memref<10112x128xf32, #tpu.memory_space<vmem_shared>> -> memref<10112x128xf32, #tpu.memory_space<vmem_shared>>
          tpu.wait_indirect_dma semaphore(%arg13 : memref<!tpu.dma_semaphore, #tpu.memory_space<semaphore_mem>>) src(%arg8 : memref<128x128xf32, #tpu.memory_space<vmem>>) dst(%dma_wait3A_265 : memref<10112x128xf32, #tpu.memory_space<vmem_shared>>)
          %add3A_266 = arith.constant 1 : i32
          %add3A_267 = arith.addi %add3A_225, %add3A_266 : i32
          %lt3A = arith.constant 8 : i32
          %lt3A_268 = arith.cmpi slt, %add3A_267, %lt3A : i32
          %convert_element_type3A_269 = arith.extui %lt3A_268 : i1 to i32
          %cond3A_270 = arith.constant 0 : i32
          %cond3A_271 = arith.cmpi ne, %convert_element_type3A_269, %cond3A_270 : i32
          scf.if %cond3A_271 {
            %add3A_272 = arith.constant 1 : i32
            %add3A_273 = arith.addi %add3A_225, %add3A_272 : i32
            %dma_start3A_274 = arith.constant 0 : i32
            %dma_start3A_275 = tpu.memref_slice %arg6[%add3A_273, %dma_start3A_274] : memref<8x128xi32, #tpu.memory_space<vmem>> -> memref<1x128xi32, #tpu.memory_space<vmem>>
            %dma_start3A_276 = tpu.memref_squeeze %dma_start3A_275 : memref<1x128xi32, #tpu.memory_space<vmem>> -> memref<128xi32, #tpu.memory_space<vmem>>
            %dma_start3A_277 = arith.constant 0 : i32
            %dma_start3A_278 = arith.constant 0 : i32
            %dma_start3A_279 = tpu.memref_slice %arg2[%dma_start3A_277, %dma_start3A_278] : memref<10000x128xf32, #tpu.memory_space<hbm>> -> memref<10000x128xf32, #tpu.memory_space<hbm>>
            tpu.enqueue_indirect_dma source(%dma_start3A_279 : memref<10000x128xf32, #tpu.memory_space<hbm>>) target(%arg8 : memref<128x128xf32, #tpu.memory_space<vmem>>) offsets(%dma_start3A_276 : memref<128xi32, #tpu.memory_space<vmem>>) semaphore(%arg11 : memref<!tpu.dma_semaphore, #tpu.memory_space<semaphore_mem>>)
          } else {
          }
        }
        %scan3A_213 = arith.constant 4 : i32
        %dma_wait3A_214 = arith.constant 7 : i32
        %dma_wait3A_215 = arith.constant 0 : i32
        %dma_wait3A_216 = tpu.memref_slice %arg7[%dma_wait3A_214, %dma_wait3A_215] : memref<8x128xi32, #tpu.memory_space<vmem>> -> memref<1x128xi32, #tpu.memory_space<vmem>>
        %dma_wait3A_217 = tpu.memref_squeeze %dma_wait3A_216 : memref<1x128xi32, #tpu.memory_space<vmem>> -> memref<128xi32, #tpu.memory_space<vmem>>
        %dma_wait3A_218 = arith.constant 0 : i32
        %dma_wait3A_219 = arith.constant 0 : i32
        %dma_wait3A_220 = tpu.memref_slice %arg10[%dma_wait3A_218, %dma_wait3A_219] : memref<10112x128xf32, #tpu.memory_space<vmem_shared>> -> memref<10112x128xf32, #tpu.memory_space<vmem_shared>>
        tpu.wait_indirect_dma semaphore(%arg14 : memref<!tpu.dma_semaphore, #tpu.memory_space<semaphore_mem>>) src(%arg9 : memref<128x128xf32, #tpu.memory_space<vmem>>) dst(%dma_wait3A_220 : memref<10112x128xf32, #tpu.memory_space<vmem_shared>>)
      }
      %scan3A_180 = arith.constant 2 : i32
    } else {
    }
    %barrier3A_22 = arith.constant 0 : index
    tpu.barrier barrier_id(%barrier3A_22)
    %add3A_23 = arith.constant 0 : i32
    %add3A_24 = arith.addi %mul3A_5, %add3A_23 : i32
    "tpu.region"() ({
      %run_scoped3A = tpu.sem_alloc : memref<!tpu.dma_semaphore, #tpu.memory_space<semaphore_mem>>
      %dma_start3A_171 = arith.constant 0 : i32
      %dma_start3A_172 = arith.constant 0 : i32
      %dma_start3A_173 = tpu.memref_slice %arg8[%dma_start3A_171, %dma_start3A_172] : memref<128x128xf32, #tpu.memory_space<vmem>> -> memref<128x128xf32, #tpu.memory_space<vmem>>
      %dma_start3A_174 = arith.constant 0 : i32
      %dma_start3A_175 = tpu.memref_slice %arg10[%add3A_24, %dma_start3A_174] : memref<10112x128xf32, #tpu.memory_space<vmem_shared>> -> memref<128x128xf32, #tpu.memory_space<vmem_shared>>
      %dma_start3A_176 = arith.constant 0 : i32
      %dma_start3A_177 = arith.constant 0 : i32
      %dma_start3A_178 = tpu.memref_slice %arg8[%dma_start3A_176, %dma_start3A_177] : memref<128x128xf32, #tpu.memory_space<vmem>> -> memref<128x128xf32, #tpu.memory_space<vmem>>
      %dma_start3A_179 = arith.constant 0 : i32
      %dma_start3A_180 = tpu.memref_slice %arg10[%add3A_24, %dma_start3A_179] : memref<10112x128xf32, #tpu.memory_space<vmem_shared>> -> memref<128x128xf32, #tpu.memory_space<vmem_shared>>
      tpu.enqueue_dma source(%dma_start3A_180 : memref<128x128xf32, #tpu.memory_space<vmem_shared>>) target(%dma_start3A_178 : memref<128x128xf32, #tpu.memory_space<vmem>>) target_semaphore(%run_scoped3A : memref<!tpu.dma_semaphore, #tpu.memory_space<semaphore_mem>>)
      %dma_wait3A_181 = arith.constant 0 : i32
      %dma_wait3A_182 = arith.constant 0 : i32
      %dma_wait3A_183 = tpu.memref_slice %arg8[%dma_wait3A_181, %dma_wait3A_182] : memref<128x128xf32, #tpu.memory_space<vmem>> -> memref<128x128xf32, #tpu.memory_space<vmem>>
      %dma_wait3A_184 = arith.constant 0 : i32
      %dma_wait3A_185 = tpu.memref_slice %arg10[%add3A_24, %dma_wait3A_184] : memref<10112x128xf32, #tpu.memory_space<vmem_shared>> -> memref<128x128xf32, #tpu.memory_space<vmem_shared>>
      %dma_wait3A_186 = arith.constant 0 : i32
      %dma_wait3A_187 = arith.constant 0 : i32
      %dma_wait3A_188 = tpu.memref_slice %arg8[%dma_wait3A_186, %dma_wait3A_187] : memref<128x128xf32, #tpu.memory_space<vmem>> -> memref<128x128xf32, #tpu.memory_space<vmem>>
      %dma_wait3A_189 = arith.constant 0 : i32
      %dma_wait3A_190 = tpu.memref_slice %arg10[%add3A_24, %dma_wait3A_189] : memref<10112x128xf32, #tpu.memory_space<vmem_shared>> -> memref<128x128xf32, #tpu.memory_space<vmem_shared>>
      tpu.wait_dma2 semaphore(%run_scoped3A : memref<!tpu.dma_semaphore, #tpu.memory_space<semaphore_mem>>) src(%dma_wait3A_190 : memref<128x128xf32, #tpu.memory_space<vmem_shared>>) dst(%dma_wait3A_188 : memref<128x128xf32, #tpu.memory_space<vmem>>)
      tpu.yield
    }) : () -> ()
    %add3A_25 = arith.constant 0 : i32
    %add3A_26 = arith.addi %mul3A_5, %add3A_25 : i32
    %dma_start3A = arith.constant 0 : i32
    %dma_start3A_27 = arith.constant 0 : i32
    %dma_start3A_28 = tpu.memref_slice %arg8[%dma_start3A, %dma_start3A_27] : memref<128x128xf32, #tpu.memory_space<vmem>> -> memref<128x128xf32, #tpu.memory_space<vmem>>
    %dma_start3A_29 = arith.constant 0 : i32
    %dma_start3A_30 = tpu.memref_slice %arg5[%arg0, %add3A_26, %dma_start3A_29] : memref<2x10112x128xf32, #tpu.memory_space<hbm>> -> memref<1x128x128xf32, #tpu.memory_space<hbm>>
    %dma_start3A_31 = tpu.memref_squeeze %dma_start3A_30 : memref<1x128x128xf32, #tpu.memory_space<hbm>> -> memref<128x128xf32, #tpu.memory_space<hbm>>
    %dma_start3A_32 = arith.constant 0 : i32
    %dma_start3A_33 = tpu.memref_slice %arg5[%arg0, %add3A_26, %dma_start3A_32] : memref<2x10112x128xf32, #tpu.memory_space<hbm>> -> memref<1x128x128xf32, #tpu.memory_space<hbm>>
    %dma_start3A_34 = tpu.memref_squeeze %dma_start3A_33 : memref<1x128x128xf32, #tpu.memory_space<hbm>> -> memref<128x128xf32, #tpu.memory_space<hbm>>
    %dma_start3A_35 = arith.constant 0 : i32
    %dma_start3A_36 = arith.constant 0 : i32
    %dma_start3A_37 = tpu.memref_slice %arg8[%dma_start3A_35, %dma_start3A_36] : memref<128x128xf32, #tpu.memory_space<vmem>> -> memref<128x128xf32, #tpu.memory_space<vmem>>
    tpu.enqueue_dma source(%dma_start3A_37 : memref<128x128xf32, #tpu.memory_space<vmem>>) target(%dma_start3A_34 : memref<128x128xf32, #tpu.memory_space<hbm>>) target_semaphore(%arg11 : memref<!tpu.dma_semaphore, #tpu.memory_space<semaphore_mem>>)
    %add3A_38 = arith.constant 128 : i32
    %add3A_39 = arith.addi %mul3A_5, %add3A_38 : i32
    "tpu.region"() ({
      %run_scoped3A = tpu.sem_alloc : memref<!tpu.dma_semaphore, #tpu.memory_space<semaphore_mem>>
      %dma_start3A_171 = arith.constant 0 : i32
      %dma_start3A_172 = arith.constant 0 : i32
      %dma_start3A_173 = tpu.memref_slice %arg9[%dma_start3A_171, %dma_start3A_172] : memref<128x128xf32, #tpu.memory_space<vmem>> -> memref<128x128xf32, #tpu.memory_space<vmem>>
      %dma_start3A_174 = arith.constant 0 : i32
      %dma_start3A_175 = tpu.memref_slice %arg10[%add3A_39, %dma_start3A_174] : memref<10112x128xf32, #tpu.memory_space<vmem_shared>> -> memref<128x128xf32, #tpu.memory_space<vmem_shared>>
      %dma_start3A_176 = arith.constant 0 : i32
      %dma_start3A_177 = arith.constant 0 : i32
      %dma_start3A_178 = tpu.memref_slice %arg9[%dma_start3A_176, %dma_start3A_177] : memref<128x128xf32, #tpu.memory_space<vmem>> -> memref<128x128xf32, #tpu.memory_space<vmem>>
      %dma_start3A_179 = arith.constant 0 : i32
      %dma_start3A_180 = tpu.memref_slice %arg10[%add3A_39, %dma_start3A_179] : memref<10112x128xf32, #tpu.memory_space<vmem_shared>> -> memref<128x128xf32, #tpu.memory_space<vmem_shared>>
      tpu.enqueue_dma source(%dma_start3A_180 : memref<128x128xf32, #tpu.memory_space<vmem_shared>>) target(%dma_start3A_178 : memref<128x128xf32, #tpu.memory_space<vmem>>) target_semaphore(%run_scoped3A : memref<!tpu.dma_semaphore, #tpu.memory_space<semaphore_mem>>)
      %dma_wait3A_181 = arith.constant 0 : i32
      %dma_wait3A_182 = arith.constant 0 : i32
      %dma_wait3A_183 = tpu.memref_slice %arg9[%dma_wait3A_181, %dma_wait3A_182] : memref<128x128xf32, #tpu.memory_space<vmem>> -> memref<128x128xf32, #tpu.memory_space<vmem>>
      %dma_wait3A_184 = arith.constant 0 : i32
      %dma_wait3A_185 = tpu.memref_slice %arg10[%add3A_39, %dma_wait3A_184] : memref<10112x128xf32, #tpu.memory_space<vmem_shared>> -> memref<128x128xf32, #tpu.memory_space<vmem_shared>>
      %dma_wait3A_186 = arith.constant 0 : i32
      %dma_wait3A_187 = arith.constant 0 : i32
      %dma_wait3A_188 = tpu.memref_slice %arg9[%dma_wait3A_186, %dma_wait3A_187] : memref<128x128xf32, #tpu.memory_space<vmem>> -> memref<128x128xf32, #tpu.memory_space<vmem>>
      %dma_wait3A_189 = arith.constant 0 : i32
      %dma_wait3A_190 = tpu.memref_slice %arg10[%add3A_39, %dma_wait3A_189] : memref<10112x128xf32, #tpu.memory_space<vmem_shared>> -> memref<128x128xf32, #tpu.memory_space<vmem_shared>>
      tpu.wait_dma2 semaphore(%run_scoped3A : memref<!tpu.dma_semaphore, #tpu.memory_space<semaphore_mem>>) src(%dma_wait3A_190 : memref<128x128xf32, #tpu.memory_space<vmem_shared>>) dst(%dma_wait3A_188 : memref<128x128xf32, #tpu.memory_space<vmem>>)
      tpu.yield
    }) : () -> ()
    %add3A_40 = arith.constant 128 : i32
    %add3A_41 = arith.addi %mul3A_5, %add3A_40 : i32
    %dma_start3A_42 = arith.constant 0 : i32
    %dma_start3A_43 = arith.constant 0 : i32
    %dma_start3A_44 = tpu.memref_slice %arg9[%dma_start3A_42, %dma_start3A_43] : memref<128x128xf32, #tpu.memory_space<vmem>> -> memref<128x128xf32, #tpu.memory_space<vmem>>
    %dma_start3A_45 = arith.constant 0 : i32
    %dma_start3A_46 = tpu.memref_slice %arg5[%arg0, %add3A_41, %dma_start3A_45] : memref<2x10112x128xf32, #tpu.memory_space<hbm>> -> memref<1x128x128xf32, #tpu.memory_space<hbm>>
    %dma_start3A_47 = tpu.memref_squeeze %dma_start3A_46 : memref<1x128x128xf32, #tpu.memory_space<hbm>> -> memref<128x128xf32, #tpu.memory_space<hbm>>
    %dma_start3A_48 = arith.constant 0 : i32
    %dma_start3A_49 = tpu.memref_slice %arg5[%arg0, %add3A_41, %dma_start3A_48] : memref<2x10112x128xf32, #tpu.memory_space<hbm>> -> memref<1x128x128xf32, #tpu.memory_space<hbm>>
    %dma_start3A_50 = tpu.memref_squeeze %dma_start3A_49 : memref<1x128x128xf32, #tpu.memory_space<hbm>> -> memref<128x128xf32, #tpu.memory_space<hbm>>
    %dma_start3A_51 = arith.constant 0 : i32
    %dma_start3A_52 = arith.constant 0 : i32
    %dma_start3A_53 = tpu.memref_slice %arg9[%dma_start3A_51, %dma_start3A_52] : memref<128x128xf32, #tpu.memory_space<vmem>> -> memref<128x128xf32, #tpu.memory_space<vmem>>
    tpu.enqueue_dma source(%dma_start3A_53 : memref<128x128xf32, #tpu.memory_space<vmem>>) target(%dma_start3A_50 : memref<128x128xf32, #tpu.memory_space<hbm>>) target_semaphore(%arg12 : memref<!tpu.dma_semaphore, #tpu.memory_space<semaphore_mem>>)
    %add3A_54 = arith.constant 0 : i32
    %add3A_55 = arith.addi %mul3A_5, %add3A_54 : i32
    %dma_wait3A = arith.constant 0 : i32
    %dma_wait3A_56 = arith.constant 0 : i32
    %dma_wait3A_57 = tpu.memref_slice %arg8[%dma_wait3A, %dma_wait3A_56] : memref<128x128xf32, #tpu.memory_space<vmem>> -> memref<128x128xf32, #tpu.memory_space<vmem>>
    %dma_wait3A_58 = arith.constant 0 : i32
    %dma_wait3A_59 = tpu.memref_slice %arg5[%arg0, %add3A_55, %dma_wait3A_58] : memref<2x10112x128xf32, #tpu.memory_space<hbm>> -> memref<1x128x128xf32, #tpu.memory_space<hbm>>
    %dma_wait3A_60 = tpu.memref_squeeze %dma_wait3A_59 : memref<1x128x128xf32, #tpu.memory_space<hbm>> -> memref<128x128xf32, #tpu.memory_space<hbm>>
    %dma_wait3A_61 = arith.constant 0 : i32
    %dma_wait3A_62 = tpu.memref_slice %arg5[%arg0, %add3A_55, %dma_wait3A_61] : memref<2x10112x128xf32, #tpu.memory_space<hbm>> -> memref<1x128x128xf32, #tpu.memory_space<hbm>>
    %dma_wait3A_63 = tpu.memref_squeeze %dma_wait3A_62 : memref<1x128x128xf32, #tpu.memory_space<hbm>> -> memref<128x128xf32, #tpu.memory_space<hbm>>
    %dma_wait3A_64 = arith.constant 0 : i32
    %dma_wait3A_65 = arith.constant 0 : i32
    %dma_wait3A_66 = tpu.memref_slice %arg8[%dma_wait3A_64, %dma_wait3A_65] : memref<128x128xf32, #tpu.memory_space<vmem>> -> memref<128x128xf32, #tpu.memory_space<vmem>>
    tpu.wait_dma2 semaphore(%arg11 : memref<!tpu.dma_semaphore, #tpu.memory_space<semaphore_mem>>) src(%dma_wait3A_66 : memref<128x128xf32, #tpu.memory_space<vmem>>) dst(%dma_wait3A_63 : memref<128x128xf32, #tpu.memory_space<hbm>>)
    %add3A_67 = arith.constant 256 : i32
    %add3A_68 = arith.addi %mul3A_5, %add3A_67 : i32
    "tpu.region"() ({
      %run_scoped3A = tpu.sem_alloc : memref<!tpu.dma_semaphore, #tpu.memory_space<semaphore_mem>>
      %dma_start3A_171 = arith.constant 0 : i32
      %dma_start3A_172 = arith.constant 0 : i32
      %dma_start3A_173 = tpu.memref_slice %arg8[%dma_start3A_171, %dma_start3A_172] : memref<128x128xf32, #tpu.memory_space<vmem>> -> memref<128x128xf32, #tpu.memory_space<vmem>>
      %dma_start3A_174 = arith.constant 0 : i32
      %dma_start3A_175 = tpu.memref_slice %arg10[%add3A_68, %dma_start3A_174] : memref<10112x128xf32, #tpu.memory_space<vmem_shared>> -> memref<128x128xf32, #tpu.memory_space<vmem_shared>>
      %dma_start3A_176 = arith.constant 0 : i32
      %dma_start3A_177 = arith.constant 0 : i32
      %dma_start3A_178 = tpu.memref_slice %arg8[%dma_start3A_176, %dma_start3A_177] : memref<128x128xf32, #tpu.memory_space<vmem>> -> memref<128x128xf32, #tpu.memory_space<vmem>>
      %dma_start3A_179 = arith.constant 0 : i32
      %dma_start3A_180 = tpu.memref_slice %arg10[%add3A_68, %dma_start3A_179] : memref<10112x128xf32, #tpu.memory_space<vmem_shared>> -> memref<128x128xf32, #tpu.memory_space<vmem_shared>>
      tpu.enqueue_dma source(%dma_start3A_180 : memref<128x128xf32, #tpu.memory_space<vmem_shared>>) target(%dma_start3A_178 : memref<128x128xf32, #tpu.memory_space<vmem>>) target_semaphore(%run_scoped3A : memref<!tpu.dma_semaphore, #tpu.memory_space<semaphore_mem>>)
      %dma_wait3A_181 = arith.constant 0 : i32
      %dma_wait3A_182 = arith.constant 0 : i32
      %dma_wait3A_183 = tpu.memref_slice %arg8[%dma_wait3A_181, %dma_wait3A_182] : memref<128x128xf32, #tpu.memory_space<vmem>> -> memref<128x128xf32, #tpu.memory_space<vmem>>
      %dma_wait3A_184 = arith.constant 0 : i32
      %dma_wait3A_185 = tpu.memref_slice %arg10[%add3A_68, %dma_wait3A_184] : memref<10112x128xf32, #tpu.memory_space<vmem_shared>> -> memref<128x128xf32, #tpu.memory_space<vmem_shared>>
      %dma_wait3A_186 = arith.constant 0 : i32
      %dma_wait3A_187 = arith.constant 0 : i32
      %dma_wait3A_188 = tpu.memref_slice %arg8[%dma_wait3A_186, %dma_wait3A_187] : memref<128x128xf32, #tpu.memory_space<vmem>> -> memref<128x128xf32, #tpu.memory_space<vmem>>
      %dma_wait3A_189 = arith.constant 0 : i32
      %dma_wait3A_190 = tpu.memref_slice %arg10[%add3A_68, %dma_wait3A_189] : memref<10112x128xf32, #tpu.memory_space<vmem_shared>> -> memref<128x128xf32, #tpu.memory_space<vmem_shared>>
      tpu.wait_dma2 semaphore(%run_scoped3A : memref<!tpu.dma_semaphore, #tpu.memory_space<semaphore_mem>>) src(%dma_wait3A_190 : memref<128x128xf32, #tpu.memory_space<vmem_shared>>) dst(%dma_wait3A_188 : memref<128x128xf32, #tpu.memory_space<vmem>>)
      tpu.yield
    }) : () -> ()
    %add3A_69 = arith.constant 256 : i32
    %add3A_70 = arith.addi %mul3A_5, %add3A_69 : i32
    %dma_start3A_71 = arith.constant 0 : i32
    %dma_start3A_72 = arith.constant 0 : i32
    %dma_start3A_73 = tpu.memref_slice %arg8[%dma_start3A_71, %dma_start3A_72] : memref<128x128xf32, #tpu.memory_space<vmem>> -> memref<128x128xf32, #tpu.memory_space<vmem>>
    %dma_start3A_74 = arith.constant 0 : i32
    %dma_start3A_75 = tpu.memref_slice %arg5[%arg0, %add3A_70, %dma_start3A_74] : memref<2x10112x128xf32, #tpu.memory_space<hbm>> -> memref<1x128x128xf32, #tpu.memory_space<hbm>>
    %dma_start3A_76 = tpu.memref_squeeze %dma_start3A_75 : memref<1x128x128xf32, #tpu.memory_space<hbm>> -> memref<128x128xf32, #tpu.memory_space<hbm>>
    %dma_start3A_77 = arith.constant 0 : i32
    %dma_start3A_78 = tpu.memref_slice %arg5[%arg0, %add3A_70, %dma_start3A_77] : memref<2x10112x128xf32, #tpu.memory_space<hbm>> -> memref<1x128x128xf32, #tpu.memory_space<hbm>>
    %dma_start3A_79 = tpu.memref_squeeze %dma_start3A_78 : memref<1x128x128xf32, #tpu.memory_space<hbm>> -> memref<128x128xf32, #tpu.memory_space<hbm>>
    %dma_start3A_80 = arith.constant 0 : i32
    %dma_start3A_81 = arith.constant 0 : i32
    %dma_start3A_82 = tpu.memref_slice %arg8[%dma_start3A_80, %dma_start3A_81] : memref<128x128xf32, #tpu.memory_space<vmem>> -> memref<128x128xf32, #tpu.memory_space<vmem>>
    tpu.enqueue_dma source(%dma_start3A_82 : memref<128x128xf32, #tpu.memory_space<vmem>>) target(%dma_start3A_79 : memref<128x128xf32, #tpu.memory_space<hbm>>) target_semaphore(%arg11 : memref<!tpu.dma_semaphore, #tpu.memory_space<semaphore_mem>>)
    %add3A_83 = arith.constant 128 : i32
    %add3A_84 = arith.addi %mul3A_5, %add3A_83 : i32
    %dma_wait3A_85 = arith.constant 0 : i32
    %dma_wait3A_86 = arith.constant 0 : i32
    %dma_wait3A_87 = tpu.memref_slice %arg9[%dma_wait3A_85, %dma_wait3A_86] : memref<128x128xf32, #tpu.memory_space<vmem>> -> memref<128x128xf32, #tpu.memory_space<vmem>>
    %dma_wait3A_88 = arith.constant 0 : i32
    %dma_wait3A_89 = tpu.memref_slice %arg5[%arg0, %add3A_84, %dma_wait3A_88] : memref<2x10112x128xf32, #tpu.memory_space<hbm>> -> memref<1x128x128xf32, #tpu.memory_space<hbm>>
    %dma_wait3A_90 = tpu.memref_squeeze %dma_wait3A_89 : memref<1x128x128xf32, #tpu.memory_space<hbm>> -> memref<128x128xf32, #tpu.memory_space<hbm>>
    %dma_wait3A_91 = arith.constant 0 : i32
    %dma_wait3A_92 = tpu.memref_slice %arg5[%arg0, %add3A_84, %dma_wait3A_91] : memref<2x10112x128xf32, #tpu.memory_space<hbm>> -> memref<1x128x128xf32, #tpu.memory_space<hbm>>
    %dma_wait3A_93 = tpu.memref_squeeze %dma_wait3A_92 : memref<1x128x128xf32, #tpu.memory_space<hbm>> -> memref<128x128xf32, #tpu.memory_space<hbm>>
    %dma_wait3A_94 = arith.constant 0 : i32
    %dma_wait3A_95 = arith.constant 0 : i32
    %dma_wait3A_96 = tpu.memref_slice %arg9[%dma_wait3A_94, %dma_wait3A_95] : memref<128x128xf32, #tpu.memory_space<vmem>> -> memref<128x128xf32, #tpu.memory_space<vmem>>
    tpu.wait_dma2 semaphore(%arg12 : memref<!tpu.dma_semaphore, #tpu.memory_space<semaphore_mem>>) src(%dma_wait3A_96 : memref<128x128xf32, #tpu.memory_space<vmem>>) dst(%dma_wait3A_93 : memref<128x128xf32, #tpu.memory_space<hbm>>)
    %add3A_97 = arith.constant 384 : i32
    %add3A_98 = arith.addi %mul3A_5, %add3A_97 : i32
    "tpu.region"() ({
      %run_scoped3A = tpu.sem_alloc : memref<!tpu.dma_semaphore, #tpu.memory_space<semaphore_mem>>
      %dma_start3A_171 = arith.constant 0 : i32
      %dma_start3A_172 = arith.constant 0 : i32
      %dma_start3A_173 = tpu.memref_slice %arg9[%dma_start3A_171, %dma_start3A_172] : memref<128x128xf32, #tpu.memory_space<vmem>> -> memref<128x128xf32, #tpu.memory_space<vmem>>
      %dma_start3A_174 = arith.constant 0 : i32
      %dma_start3A_175 = tpu.memref_slice %arg10[%add3A_98, %dma_start3A_174] : memref<10112x128xf32, #tpu.memory_space<vmem_shared>> -> memref<128x128xf32, #tpu.memory_space<vmem_shared>>
      %dma_start3A_176 = arith.constant 0 : i32
      %dma_start3A_177 = arith.constant 0 : i32
      %dma_start3A_178 = tpu.memref_slice %arg9[%dma_start3A_176, %dma_start3A_177] : memref<128x128xf32, #tpu.memory_space<vmem>> -> memref<128x128xf32, #tpu.memory_space<vmem>>
      %dma_start3A_179 = arith.constant 0 : i32
      %dma_start3A_180 = tpu.memref_slice %arg10[%add3A_98, %dma_start3A_179] : memref<10112x128xf32, #tpu.memory_space<vmem_shared>> -> memref<128x128xf32, #tpu.memory_space<vmem_shared>>
      tpu.enqueue_dma source(%dma_start3A_180 : memref<128x128xf32, #tpu.memory_space<vmem_shared>>) target(%dma_start3A_178 : memref<128x128xf32, #tpu.memory_space<vmem>>) target_semaphore(%run_scoped3A : memref<!tpu.dma_semaphore, #tpu.memory_space<semaphore_mem>>)
      %dma_wait3A_181 = arith.constant 0 : i32
      %dma_wait3A_182 = arith.constant 0 : i32
      %dma_wait3A_183 = tpu.memref_slice %arg9[%dma_wait3A_181, %dma_wait3A_182] : memref<128x128xf32, #tpu.memory_space<vmem>> -> memref<128x128xf32, #tpu.memory_space<vmem>>
      %dma_wait3A_184 = arith.constant 0 : i32
      %dma_wait3A_185 = tpu.memref_slice %arg10[%add3A_98, %dma_wait3A_184] : memref<10112x128xf32, #tpu.memory_space<vmem_shared>> -> memref<128x128xf32, #tpu.memory_space<vmem_shared>>
      %dma_wait3A_186 = arith.constant 0 : i32
      %dma_wait3A_187 = arith.constant 0 : i32
      %dma_wait3A_188 = tpu.memref_slice %arg9[%dma_wait3A_186, %dma_wait3A_187] : memref<128x128xf32, #tpu.memory_space<vmem>> -> memref<128x128xf32, #tpu.memory_space<vmem>>
      %dma_wait3A_189 = arith.constant 0 : i32
      %dma_wait3A_190 = tpu.memref_slice %arg10[%add3A_98, %dma_wait3A_189] : memref<10112x128xf32, #tpu.memory_space<vmem_shared>> -> memref<128x128xf32, #tpu.memory_space<vmem_shared>>
      tpu.wait_dma2 semaphore(%run_scoped3A : memref<!tpu.dma_semaphore, #tpu.memory_space<semaphore_mem>>) src(%dma_wait3A_190 : memref<128x128xf32, #tpu.memory_space<vmem_shared>>) dst(%dma_wait3A_188 : memref<128x128xf32, #tpu.memory_space<vmem>>)
      tpu.yield
    }) : () -> ()
    %add3A_99 = arith.constant 384 : i32
    %add3A_100 = arith.addi %mul3A_5, %add3A_99 : i32
    %dma_start3A_101 = arith.constant 0 : i32
    %dma_start3A_102 = arith.constant 0 : i32
    %dma_start3A_103 = tpu.memref_slice %arg9[%dma_start3A_101, %dma_start3A_102] : memref<128x128xf32, #tpu.memory_space<vmem>> -> memref<128x128xf32, #tpu.memory_space<vmem>>
    %dma_start3A_104 = arith.constant 0 : i32
    %dma_start3A_105 = tpu.memref_slice %arg5[%arg0, %add3A_100, %dma_start3A_104] : memref<2x10112x128xf32, #tpu.memory_space<hbm>> -> memref<1x128x128xf32, #tpu.memory_space<hbm>>
    %dma_start3A_106 = tpu.memref_squeeze %dma_start3A_105 : memref<1x128x128xf32, #tpu.memory_space<hbm>> -> memref<128x128xf32, #tpu.memory_space<hbm>>
    %dma_start3A_107 = arith.constant 0 : i32
    %dma_start3A_108 = tpu.memref_slice %arg5[%arg0, %add3A_100, %dma_start3A_107] : memref<2x10112x128xf32, #tpu.memory_space<hbm>> -> memref<1x128x128xf32, #tpu.memory_space<hbm>>
    %dma_start3A_109 = tpu.memref_squeeze %dma_start3A_108 : memref<1x128x128xf32, #tpu.memory_space<hbm>> -> memref<128x128xf32, #tpu.memory_space<hbm>>
    %dma_start3A_110 = arith.constant 0 : i32
    %dma_start3A_111 = arith.constant 0 : i32
    %dma_start3A_112 = tpu.memref_slice %arg9[%dma_start3A_110, %dma_start3A_111] : memref<128x128xf32, #tpu.memory_space<vmem>> -> memref<128x128xf32, #tpu.memory_space<vmem>>
    tpu.enqueue_dma source(%dma_start3A_112 : memref<128x128xf32, #tpu.memory_space<vmem>>) target(%dma_start3A_109 : memref<128x128xf32, #tpu.memory_space<hbm>>) target_semaphore(%arg12 : memref<!tpu.dma_semaphore, #tpu.memory_space<semaphore_mem>>)
    %add3A_113 = arith.constant 256 : i32
    %add3A_114 = arith.addi %mul3A_5, %add3A_113 : i32
    %dma_wait3A_115 = arith.constant 0 : i32
    %dma_wait3A_116 = arith.constant 0 : i32
    %dma_wait3A_117 = tpu.memref_slice %arg8[%dma_wait3A_115, %dma_wait3A_116] : memref<128x128xf32, #tpu.memory_space<vmem>> -> memref<128x128xf32, #tpu.memory_space<vmem>>
    %dma_wait3A_118 = arith.constant 0 : i32
    %dma_wait3A_119 = tpu.memref_slice %arg5[%arg0, %add3A_114, %dma_wait3A_118] : memref<2x10112x128xf32, #tpu.memory_space<hbm>> -> memref<1x128x128xf32, #tpu.memory_space<hbm>>
    %dma_wait3A_120 = tpu.memref_squeeze %dma_wait3A_119 : memref<1x128x128xf32, #tpu.memory_space<hbm>> -> memref<128x128xf32, #tpu.memory_space<hbm>>
    %dma_wait3A_121 = arith.constant 0 : i32
    %dma_wait3A_122 = tpu.memref_slice %arg5[%arg0, %add3A_114, %dma_wait3A_121] : memref<2x10112x128xf32, #tpu.memory_space<hbm>> -> memref<1x128x128xf32, #tpu.memory_space<hbm>>
    %dma_wait3A_123 = tpu.memref_squeeze %dma_wait3A_122 : memref<1x128x128xf32, #tpu.memory_space<hbm>> -> memref<128x128xf32, #tpu.memory_space<hbm>>
    %dma_wait3A_124 = arith.constant 0 : i32
    %dma_wait3A_125 = arith.constant 0 : i32
    %dma_wait3A_126 = tpu.memref_slice %arg8[%dma_wait3A_124, %dma_wait3A_125] : memref<128x128xf32, #tpu.memory_space<vmem>> -> memref<128x128xf32, #tpu.memory_space<vmem>>
    tpu.wait_dma2 semaphore(%arg11 : memref<!tpu.dma_semaphore, #tpu.memory_space<semaphore_mem>>) src(%dma_wait3A_126 : memref<128x128xf32, #tpu.memory_space<vmem>>) dst(%dma_wait3A_123 : memref<128x128xf32, #tpu.memory_space<hbm>>)
    %add3A_127 = arith.constant 512 : i32
    %add3A_128 = arith.addi %mul3A_5, %add3A_127 : i32
    "tpu.region"() ({
      %run_scoped3A = tpu.sem_alloc : memref<!tpu.dma_semaphore, #tpu.memory_space<semaphore_mem>>
      %dma_start3A_171 = arith.constant 0 : i32
      %dma_start3A_172 = arith.constant 0 : i32
      %dma_start3A_173 = tpu.memref_slice %arg8[%dma_start3A_171, %dma_start3A_172] : memref<128x128xf32, #tpu.memory_space<vmem>> -> memref<120x128xf32, #tpu.memory_space<vmem>>
      %dma_start3A_174 = arith.constant 0 : i32
      %dma_start3A_175 = tpu.memref_slice %arg10[%add3A_128, %dma_start3A_174] : memref<10112x128xf32, #tpu.memory_space<vmem_shared>> -> memref<120x128xf32, #tpu.memory_space<vmem_shared>>
      %dma_start3A_176 = arith.constant 0 : i32
      %dma_start3A_177 = arith.constant 0 : i32
      %dma_start3A_178 = tpu.memref_slice %arg8[%dma_start3A_176, %dma_start3A_177] : memref<128x128xf32, #tpu.memory_space<vmem>> -> memref<120x128xf32, #tpu.memory_space<vmem>>
      %dma_start3A_179 = arith.constant 0 : i32
      %dma_start3A_180 = tpu.memref_slice %arg10[%add3A_128, %dma_start3A_179] : memref<10112x128xf32, #tpu.memory_space<vmem_shared>> -> memref<120x128xf32, #tpu.memory_space<vmem_shared>>
      tpu.enqueue_dma source(%dma_start3A_180 : memref<120x128xf32, #tpu.memory_space<vmem_shared>>) target(%dma_start3A_178 : memref<120x128xf32, #tpu.memory_space<vmem>>) target_semaphore(%run_scoped3A : memref<!tpu.dma_semaphore, #tpu.memory_space<semaphore_mem>>)
      %dma_wait3A_181 = arith.constant 0 : i32
      %dma_wait3A_182 = arith.constant 0 : i32
      %dma_wait3A_183 = tpu.memref_slice %arg8[%dma_wait3A_181, %dma_wait3A_182] : memref<128x128xf32, #tpu.memory_space<vmem>> -> memref<120x128xf32, #tpu.memory_space<vmem>>
      %dma_wait3A_184 = arith.constant 0 : i32
      %dma_wait3A_185 = tpu.memref_slice %arg10[%add3A_128, %dma_wait3A_184] : memref<10112x128xf32, #tpu.memory_space<vmem_shared>> -> memref<120x128xf32, #tpu.memory_space<vmem_shared>>
      %dma_wait3A_186 = arith.constant 0 : i32
      %dma_wait3A_187 = arith.constant 0 : i32
      %dma_wait3A_188 = tpu.memref_slice %arg8[%dma_wait3A_186, %dma_wait3A_187] : memref<128x128xf32, #tpu.memory_space<vmem>> -> memref<120x128xf32, #tpu.memory_space<vmem>>
      %dma_wait3A_189 = arith.constant 0 : i32
      %dma_wait3A_190 = tpu.memref_slice %arg10[%add3A_128, %dma_wait3A_189] : memref<10112x128xf32, #tpu.memory_space<vmem_shared>> -> memref<120x128xf32, #tpu.memory_space<vmem_shared>>
      tpu.wait_dma2 semaphore(%run_scoped3A : memref<!tpu.dma_semaphore, #tpu.memory_space<semaphore_mem>>) src(%dma_wait3A_190 : memref<120x128xf32, #tpu.memory_space<vmem_shared>>) dst(%dma_wait3A_188 : memref<120x128xf32, #tpu.memory_space<vmem>>)
      tpu.yield
    }) : () -> ()
    %add3A_129 = arith.constant 512 : i32
    %add3A_130 = arith.addi %mul3A_5, %add3A_129 : i32
    %dma_start3A_131 = arith.constant 0 : i32
    %dma_start3A_132 = arith.constant 0 : i32
    %dma_start3A_133 = tpu.memref_slice %arg8[%dma_start3A_131, %dma_start3A_132] : memref<128x128xf32, #tpu.memory_space<vmem>> -> memref<120x128xf32, #tpu.memory_space<vmem>>
    %dma_start3A_134 = arith.constant 0 : i32
    %dma_start3A_135 = tpu.memref_slice %arg5[%arg0, %add3A_130, %dma_start3A_134] : memref<2x10112x128xf32, #tpu.memory_space<hbm>> -> memref<1x120x128xf32, #tpu.memory_space<hbm>>
    %dma_start3A_136 = tpu.memref_squeeze %dma_start3A_135 : memref<1x120x128xf32, #tpu.memory_space<hbm>> -> memref<120x128xf32, #tpu.memory_space<hbm>>
    %dma_start3A_137 = arith.constant 0 : i32
    %dma_start3A_138 = tpu.memref_slice %arg5[%arg0, %add3A_130, %dma_start3A_137] : memref<2x10112x128xf32, #tpu.memory_space<hbm>> -> memref<1x120x128xf32, #tpu.memory_space<hbm>>
    %dma_start3A_139 = tpu.memref_squeeze %dma_start3A_138 : memref<1x120x128xf32, #tpu.memory_space<hbm>> -> memref<120x128xf32, #tpu.memory_space<hbm>>
    %dma_start3A_140 = arith.constant 0 : i32
    %dma_start3A_141 = arith.constant 0 : i32
    %dma_start3A_142 = tpu.memref_slice %arg8[%dma_start3A_140, %dma_start3A_141] : memref<128x128xf32, #tpu.memory_space<vmem>> -> memref<120x128xf32, #tpu.memory_space<vmem>>
    tpu.enqueue_dma source(%dma_start3A_142 : memref<120x128xf32, #tpu.memory_space<vmem>>) target(%dma_start3A_139 : memref<120x128xf32, #tpu.memory_space<hbm>>) target_semaphore(%arg11 : memref<!tpu.dma_semaphore, #tpu.memory_space<semaphore_mem>>)
    %add3A_143 = arith.constant 384 : i32
    %add3A_144 = arith.addi %mul3A_5, %add3A_143 : i32
    %dma_wait3A_145 = arith.constant 0 : i32
    %dma_wait3A_146 = arith.constant 0 : i32
    %dma_wait3A_147 = tpu.memref_slice %arg9[%dma_wait3A_145, %dma_wait3A_146] : memref<128x128xf32, #tpu.memory_space<vmem>> -> memref<128x128xf32, #tpu.memory_space<vmem>>
    %dma_wait3A_148 = arith.constant 0 : i32
    %dma_wait3A_149 = tpu.memref_slice %arg5[%arg0, %add3A_144, %dma_wait3A_148] : memref<2x10112x128xf32, #tpu.memory_space<hbm>> -> memref<1x128x128xf32, #tpu.memory_space<hbm>>
    %dma_wait3A_150 = tpu.memref_squeeze %dma_wait3A_149 : memref<1x128x128xf32, #tpu.memory_space<hbm>> -> memref<128x128xf32, #tpu.memory_space<hbm>>
    %dma_wait3A_151 = arith.constant 0 : i32
    %dma_wait3A_152 = tpu.memref_slice %arg5[%arg0, %add3A_144, %dma_wait3A_151] : memref<2x10112x128xf32, #tpu.memory_space<hbm>> -> memref<1x128x128xf32, #tpu.memory_space<hbm>>
    %dma_wait3A_153 = tpu.memref_squeeze %dma_wait3A_152 : memref<1x128x128xf32, #tpu.memory_space<hbm>> -> memref<128x128xf32, #tpu.memory_space<hbm>>
    %dma_wait3A_154 = arith.constant 0 : i32
    %dma_wait3A_155 = arith.constant 0 : i32
    %dma_wait3A_156 = tpu.memref_slice %arg9[%dma_wait3A_154, %dma_wait3A_155] : memref<128x128xf32, #tpu.memory_space<vmem>> -> memref<128x128xf32, #tpu.memory_space<vmem>>
    tpu.wait_dma2 semaphore(%arg12 : memref<!tpu.dma_semaphore, #tpu.memory_space<semaphore_mem>>) src(%dma_wait3A_156 : memref<128x128xf32, #tpu.memory_space<vmem>>) dst(%dma_wait3A_153 : memref<128x128xf32, #tpu.memory_space<hbm>>)
    %add3A_157 = arith.constant 512 : i32
    %add3A_158 = arith.addi %mul3A_5, %add3A_157 : i32
    %dma_wait3A_159 = arith.constant 0 : i32
    %dma_wait3A_160 = arith.constant 0 : i32
    %dma_wait3A_161 = tpu.memref_slice %arg8[%dma_wait3A_159, %dma_wait3A_160] : memref<128x128xf32, #tpu.memory_space<vmem>> -> memref<120x128xf32, #tpu.memory_space<vmem>>
    %dma_wait3A_162 = arith.constant 0 : i32
    %dma_wait3A_163 = tpu.memref_slice %arg5[%arg0, %add3A_158, %dma_wait3A_162] : memref<2x10112x128xf32, #tpu.memory_space<hbm>> -> memref<1x120x128xf32, #tpu.memory_space<hbm>>
    %dma_wait3A_164 = tpu.memref_squeeze %dma_wait3A_163 : memref<1x120x128xf32, #tpu.memory_space<hbm>> -> memref<120x128xf32, #tpu.memory_space<hbm>>
    %dma_wait3A_165 = arith.constant 0 : i32
    %dma_wait3A_166 = tpu.memref_slice %arg5[%arg0, %add3A_158, %dma_wait3A_165] : memref<2x10112x128xf32, #tpu.memory_space<hbm>> -> memref<1x120x128xf32, #tpu.memory_space<hbm>>
    %dma_wait3A_167 = tpu.memref_squeeze %dma_wait3A_166 : memref<1x120x128xf32, #tpu.memory_space<hbm>> -> memref<120x128xf32, #tpu.memory_space<hbm>>
    %dma_wait3A_168 = arith.constant 0 : i32
    %dma_wait3A_169 = arith.constant 0 : i32
    %dma_wait3A_170 = tpu.memref_slice %arg8[%dma_wait3A_168, %dma_wait3A_169] : memref<128x128xf32, #tpu.memory_space<vmem>> -> memref<120x128xf32, #tpu.memory_space<vmem>>
    tpu.wait_dma2 semaphore(%arg11 : memref<!tpu.dma_semaphore, #tpu.memory_space<semaphore_mem>>) src(%dma_wait3A_170 : memref<120x128xf32, #tpu.memory_space<vmem>>) dst(%dma_wait3A_167 : memref<120x128xf32, #tpu.memory_space<hbm>>)
    return
  }
}

#map = affine_map<(d0, d1) -> (0, 0)>
#map1 = affine_map<(d0, d1) -> (0, 0, 0)>
module attributes {stable_mosaic.version = 14 : i64} {
  func.func @segsum(%arg0: i32, %arg1: i32, %arg2: memref<10000x128xf32, #tpu.memory_space<hbm>>, %arg3: memref<2560x128xi32, #tpu.memory_space<hbm>>, %arg4: memref<2560x128xi32, #tpu.memory_space<hbm>>, %arg5: memref<2x10112x128xf32, #tpu.memory_space<hbm>>, %arg6: memref<8x128xi32, #tpu.memory_space<vmem>>, %arg7: memref<8x128xi32, #tpu.memory_space<vmem>>, %arg8: memref<128x128xf32, #tpu.memory_space<vmem>>, %arg9: memref<128x128xf32, #tpu.memory_space<vmem>>, %arg10: memref<10112x128xf32, #tpu.memory_space<vmem_shared>>, %arg11: memref<!tpu.dma_semaphore, #tpu.memory_space<semaphore_mem>>, %arg12: memref<!tpu.dma_semaphore, #tpu.memory_space<semaphore_mem>>, %arg13: memref<!tpu.dma_semaphore, #tpu.memory_space<semaphore_mem>>, %arg14: memref<!tpu.dma_semaphore, #tpu.memory_space<semaphore_mem>>) attributes {dimension_semantics = [#tpu.dimension_semantics<core_parallel>, #tpu.dimension_semantics<subcore_parallel>], iteration_bounds = array<i64: 2, 16>, scalar_prefetch = 0 : i64, scratch_operands = 9 : i64, tpu.core_type = #tpu.core_type<sc_vector_subcore>, window_params = [{transform_indices = #map}, {transform_indices = #map}, {transform_indices = #map}, {transform_indices = #map1}]} {
    %scan3A = arith.constant 0 : i32
    %scan3A_0 = arith.constant 0 : i32
    %scan3A_1 = arith.constant 1024 : i32
    %scan3A_2 = arith.addi %scan3A_0, %scan3A_1 : i32
    %scan3A_3 = arith.constant 1 : i32
    scf.for %scan3A_171 = %scan3A_0 to %scan3A_2 step %scan3A_3  : i32 {
      %jit3A = arith.constant 8 : i32
      %div3A = arith.divsi %scan3A_171, %jit3A : i32
      %sign3A = arith.constant 0 : i32
      %sign3A_172 = arith.cmpi sgt, %scan3A_171, %sign3A : i32
      %sign3A_173 = arith.extui %sign3A_172 : i1 to i32
      %sign3A_174 = arith.constant 0 : i32
      %sign3A_175 = arith.cmpi slt, %scan3A_171, %sign3A_174 : i32
      %sign3A_176 = arith.extui %sign3A_175 : i1 to i32
      %sign3A_177 = arith.subi %sign3A_173, %sign3A_176 : i32
      %sign3A_178 = arith.constant 0 : i32
      %sign3A_179 = arith.cmpi sgt, %jit3A, %sign3A_178 : i32
      %sign3A_180 = arith.extui %sign3A_179 : i1 to i32
      %sign3A_181 = arith.constant 0 : i32
      %sign3A_182 = arith.cmpi slt, %jit3A, %sign3A_181 : i32
      %sign3A_183 = arith.extui %sign3A_182 : i1 to i32
      %sign3A_184 = arith.subi %sign3A_180, %sign3A_183 : i32
      %ne3A = arith.cmpi ne, %sign3A_177, %sign3A_184 : i32
      %rem3A = arith.remsi %scan3A_171, %jit3A : i32
      %ne3A_185 = arith.constant 0 : i32
      %ne3A_186 = arith.cmpi ne, %rem3A, %ne3A_185 : i32
      %and3A = arith.andi %ne3A, %ne3A_186 : i1
      %sub3A = arith.constant 1 : i32
      %sub3A_187 = arith.subi %div3A, %sub3A : i32
      %select_n3A = arith.select %and3A, %sub3A_187, %div3A : i32
      %jit3A_188 = arith.constant 8 : i32
      %eq3A_189 = arith.constant 0 : i32
      %eq3A_190 = arith.cmpi eq, %jit3A_188, %eq3A_189 : i32
      %jit3A_191 = arith.constant 1 : i32
      %select_n3A_192 = arith.select %eq3A_190, %jit3A_191, %jit3A_188 : i32
      %rem3A_193 = arith.remsi %scan3A_171, %select_n3A_192 : i32
      %ne3A_194 = arith.constant 0 : i32
      %ne3A_195 = arith.cmpi ne, %rem3A_193, %ne3A_194 : i32
      %lt3A = arith.constant 0 : i32
      %lt3A_196 = arith.cmpi slt, %rem3A_193, %lt3A : i32
      %lt3A_197 = arith.constant 0 : i32
      %lt3A_198 = arith.cmpi slt, %select_n3A_192, %lt3A_197 : i32
      %ne3A_199 = arith.xori %lt3A_196, %lt3A_198 : i1
      %and3A_200 = arith.andi %ne3A_199, %ne3A_195 : i1
      %add3A_201 = arith.addi %rem3A_193, %select_n3A_192 : i32
      %select_n3A_202 = arith.select %and3A_200, %add3A_201, %rem3A_193 : i32
      %broadcast_in_dim3A = arith.constant 0.000000e+00 : f32
      %broadcast_in_dim3A_203 = vector.broadcast %broadcast_in_dim3A : f32 to vector<16xf32>
      %mul3A_204 = arith.constant 16 : i32
      %mul3A_205 = arith.muli %select_n3A_202, %mul3A_204 : i32
      %swap3A = arith.index_cast %select_n3A : i32 to index
      %swap3A_206 = arith.index_cast %mul3A_205 : i32 to index
      %swap3A_207 = tpu.vector_load %arg8[%swap3A, %swap3A_206] {strides = array<i32>} : memref<128x128xf32, #tpu.memory_space<vmem>>, vector<1x16xf32>,
      %swap3A_208 = vector.shape_cast %swap3A_207 : vector<1x16xf32> to vector<16xf32>
      %swap3A_209 = vector.shape_cast %broadcast_in_dim3A_203 : vector<16xf32> to vector<1x16xf32>
      tpu.vector_store %arg8[%swap3A, %swap3A_206], %swap3A_209 {strides = array<i32>} : memref<128x128xf32, #tpu.memory_space<vmem>>, vector<1x16xf32>,
    }
    %scan3A_4 = arith.constant 1024 : i32
    %mul3A = arith.constant 632 : i32
    %mul3A_5 = arith.muli %arg1, %mul3A : i32
    %add3A = arith.constant 0 : i32
    %add3A_6 = arith.addi %mul3A_5, %add3A : i32
    "tpu.region"() ({
      %run_scoped3A = tpu.sem_alloc : memref<!tpu.dma_semaphore, #tpu.memory_space<semaphore_mem>>
      %dma_start3A_171 = arith.constant 0 : i32
      %dma_start3A_172 = arith.constant 0 : i32
      %dma_start3A_173 = tpu.memref_slice %arg8[%dma_start3A_171, %dma_start3A_172] : memref<128x128xf32, #tpu.memory_space<vmem>> -> memref<128x128xf32, #tpu.memory_space<vmem>>
      %dma_start3A_174 = arith.constant 0 : i32
      %dma_start3A_175 = tpu.memref_slice %arg10[%add3A_6, %dma_start3A_174] : memref<10112x128xf32, #tpu.memory_space<vmem_shared>> -> memref<128x128xf32, #tpu.memory_space<vmem_shared>>
      %dma_start3A_176 = arith.constant 0 : i32
      %dma_start3A_177 = tpu.memref_slice %arg10[%add3A_6, %dma_start3A_176] : memref<10112x128xf32, #tpu.memory_space<vmem_shared>> -> memref<128x128xf32, #tpu.memory_space<vmem_shared>>
      %dma_start3A_178 = arith.constant 0 : i32
      %dma_start3A_179 = arith.constant 0 : i32
      %dma_start3A_180 = tpu.memref_slice %arg8[%dma_start3A_178, %dma_start3A_179] : memref<128x128xf32, #tpu.memory_space<vmem>> -> memref<128x128xf32, #tpu.memory_space<vmem>>
      tpu.enqueue_dma source(%dma_start3A_180 : memref<128x128xf32, #tpu.memory_space<vmem>>) target(%dma_start3A_177 : memref<128x128xf32, #tpu.memory_space<vmem_shared>>) target_semaphore(%run_scoped3A : memref<!tpu.dma_semaphore, #tpu.memory_space<semaphore_mem>>)
      %dma_wait3A_181 = arith.constant 0 : i32
      %dma_wait3A_182 = arith.constant 0 : i32
      %dma_wait3A_183 = tpu.memref_slice %arg8[%dma_wait3A_181, %dma_wait3A_182] : memref<128x128xf32, #tpu.memory_space<vmem>> -> memref<128x128xf32, #tpu.memory_space<vmem>>
      %dma_wait3A_184 = arith.constant 0 : i32
      %dma_wait3A_185 = tpu.memref_slice %arg10[%add3A_6, %dma_wait3A_184] : memref<10112x128xf32, #tpu.memory_space<vmem_shared>> -> memref<128x128xf32, #tpu.memory_space<vmem_shared>>
      %dma_wait3A_186 = arith.constant 0 : i32
      %dma_wait3A_187 = tpu.memref_slice %arg10[%add3A_6, %dma_wait3A_186] : memref<10112x128xf32, #tpu.memory_space<vmem_shared>> -> memref<128x128xf32, #tpu.memory_space<vmem_shared>>
      %dma_wait3A_188 = arith.constant 0 : i32
      %dma_wait3A_189 = arith.constant 0 : i32
      %dma_wait3A_190 = tpu.memref_slice %arg8[%dma_wait3A_188, %dma_wait3A_189] : memref<128x128xf32, #tpu.memory_space<vmem>> -> memref<128x128xf32, #tpu.memory_space<vmem>>
      tpu.wait_dma2 semaphore(%run_scoped3A : memref<!tpu.dma_semaphore, #tpu.memory_space<semaphore_mem>>) src(%dma_wait3A_190 : memref<128x128xf32, #tpu.memory_space<vmem>>) dst(%dma_wait3A_187 : memref<128x128xf32, #tpu.memory_space<vmem_shared>>)
      tpu.yield
    }) : () -> ()
    %add3A_7 = arith.constant 128 : i32
    %add3A_8 = arith.addi %mul3A_5, %add3A_7 : i32
    "tpu.region"() ({
      %run_scoped3A = tpu.sem_alloc : memref<!tpu.dma_semaphore, #tpu.memory_space<semaphore_mem>>
      %dma_start3A_171 = arith.constant 0 : i32
      %dma_start3A_172 = arith.constant 0 : i32
      %dma_start3A_173 = tpu.memref_slice %arg8[%dma_start3A_171, %dma_start3A_172] : memref<128x128xf32, #tpu.memory_space<vmem>> -> memref<128x128xf32, #tpu.memory_space<vmem>>
      %dma_start3A_174 = arith.constant 0 : i32
      %dma_start3A_175 = tpu.memref_slice %arg10[%add3A_8, %dma_start3A_174] : memref<10112x128xf32, #tpu.memory_space<vmem_shared>> -> memref<128x128xf32, #tpu.memory_space<vmem_shared>>
      %dma_start3A_176 = arith.constant 0 : i32
      %dma_start3A_177 = tpu.memref_slice %arg10[%add3A_8, %dma_start3A_176] : memref<10112x128xf32, #tpu.memory_space<vmem_shared>> -> memref<128x128xf32, #tpu.memory_space<vmem_shared>>
      %dma_start3A_178 = arith.constant 0 : i32
      %dma_start3A_179 = arith.constant 0 : i32
      %dma_start3A_180 = tpu.memref_slice %arg8[%dma_start3A_178, %dma_start3A_179] : memref<128x128xf32, #tpu.memory_space<vmem>> -> memref<128x128xf32, #tpu.memory_space<vmem>>
      tpu.enqueue_dma source(%dma_start3A_180 : memref<128x128xf32, #tpu.memory_space<vmem>>) target(%dma_start3A_177 : memref<128x128xf32, #tpu.memory_space<vmem_shared>>) target_semaphore(%run_scoped3A : memref<!tpu.dma_semaphore, #tpu.memory_space<semaphore_mem>>)
      %dma_wait3A_181 = arith.constant 0 : i32
      %dma_wait3A_182 = arith.constant 0 : i32
      %dma_wait3A_183 = tpu.memref_slice %arg8[%dma_wait3A_181, %dma_wait3A_182] : memref<128x128xf32, #tpu.memory_space<vmem>> -> memref<128x128xf32, #tpu.memory_space<vmem>>
      %dma_wait3A_184 = arith.constant 0 : i32
      %dma_wait3A_185 = tpu.memref_slice %arg10[%add3A_8, %dma_wait3A_184] : memref<10112x128xf32, #tpu.memory_space<vmem_shared>> -> memref<128x128xf32, #tpu.memory_space<vmem_shared>>
      %dma_wait3A_186 = arith.constant 0 : i32
      %dma_wait3A_187 = tpu.memref_slice %arg10[%add3A_8, %dma_wait3A_186] : memref<10112x128xf32, #tpu.memory_space<vmem_shared>> -> memref<128x128xf32, #tpu.memory_space<vmem_shared>>
      %dma_wait3A_188 = arith.constant 0 : i32
      %dma_wait3A_189 = arith.constant 0 : i32
      %dma_wait3A_190 = tpu.memref_slice %arg8[%dma_wait3A_188, %dma_wait3A_189] : memref<128x128xf32, #tpu.memory_space<vmem>> -> memref<128x128xf32, #tpu.memory_space<vmem>>
      tpu.wait_dma2 semaphore(%run_scoped3A : memref<!tpu.dma_semaphore, #tpu.memory_space<semaphore_mem>>) src(%dma_wait3A_190 : memref<128x128xf32, #tpu.memory_space<vmem>>) dst(%dma_wait3A_187 : memref<128x128xf32, #tpu.memory_space<vmem_shared>>)
      tpu.yield
    }) : () -> ()
    %add3A_9 = arith.constant 256 : i32
    %add3A_10 = arith.addi %mul3A_5, %add3A_9 : i32
    "tpu.region"() ({
      %run_scoped3A = tpu.sem_alloc : memref<!tpu.dma_semaphore, #tpu.memory_space<semaphore_mem>>
      %dma_start3A_171 = arith.constant 0 : i32
      %dma_start3A_172 = arith.constant 0 : i32
      %dma_start3A_173 = tpu.memref_slice %arg8[%dma_start3A_171, %dma_start3A_172] : memref<128x128xf32, #tpu.memory_space<vmem>> -> memref<128x128xf32, #tpu.memory_space<vmem>>
      %dma_start3A_174 = arith.constant 0 : i32
      %dma_start3A_175 = tpu.memref_slice %arg10[%add3A_10, %dma_start3A_174] : memref<10112x128xf32, #tpu.memory_space<vmem_shared>> -> memref<128x128xf32, #tpu.memory_space<vmem_shared>>
      %dma_start3A_176 = arith.constant 0 : i32
      %dma_start3A_177 = tpu.memref_slice %arg10[%add3A_10, %dma_start3A_176] : memref<10112x128xf32, #tpu.memory_space<vmem_shared>> -> memref<128x128xf32, #tpu.memory_space<vmem_shared>>
      %dma_start3A_178 = arith.constant 0 : i32
      %dma_start3A_179 = arith.constant 0 : i32
      %dma_start3A_180 = tpu.memref_slice %arg8[%dma_start3A_178, %dma_start3A_179] : memref<128x128xf32, #tpu.memory_space<vmem>> -> memref<128x128xf32, #tpu.memory_space<vmem>>
      tpu.enqueue_dma source(%dma_start3A_180 : memref<128x128xf32, #tpu.memory_space<vmem>>) target(%dma_start3A_177 : memref<128x128xf32, #tpu.memory_space<vmem_shared>>) target_semaphore(%run_scoped3A : memref<!tpu.dma_semaphore, #tpu.memory_space<semaphore_mem>>)
      %dma_wait3A_181 = arith.constant 0 : i32
      %dma_wait3A_182 = arith.constant 0 : i32
      %dma_wait3A_183 = tpu.memref_slice %arg8[%dma_wait3A_181, %dma_wait3A_182] : memref<128x128xf32, #tpu.memory_space<vmem>> -> memref<128x128xf32, #tpu.memory_space<vmem>>
      %dma_wait3A_184 = arith.constant 0 : i32
      %dma_wait3A_185 = tpu.memref_slice %arg10[%add3A_10, %dma_wait3A_184] : memref<10112x128xf32, #tpu.memory_space<vmem_shared>> -> memref<128x128xf32, #tpu.memory_space<vmem_shared>>
      %dma_wait3A_186 = arith.constant 0 : i32
      %dma_wait3A_187 = tpu.memref_slice %arg10[%add3A_10, %dma_wait3A_186] : memref<10112x128xf32, #tpu.memory_space<vmem_shared>> -> memref<128x128xf32, #tpu.memory_space<vmem_shared>>
      %dma_wait3A_188 = arith.constant 0 : i32
      %dma_wait3A_189 = arith.constant 0 : i32
      %dma_wait3A_190 = tpu.memref_slice %arg8[%dma_wait3A_188, %dma_wait3A_189] : memref<128x128xf32, #tpu.memory_space<vmem>> -> memref<128x128xf32, #tpu.memory_space<vmem>>
      tpu.wait_dma2 semaphore(%run_scoped3A : memref<!tpu.dma_semaphore, #tpu.memory_space<semaphore_mem>>) src(%dma_wait3A_190 : memref<128x128xf32, #tpu.memory_space<vmem>>) dst(%dma_wait3A_187 : memref<128x128xf32, #tpu.memory_space<vmem_shared>>)
      tpu.yield
    }) : () -> ()
    %add3A_11 = arith.constant 384 : i32
    %add3A_12 = arith.addi %mul3A_5, %add3A_11 : i32
    "tpu.region"() ({
      %run_scoped3A = tpu.sem_alloc : memref<!tpu.dma_semaphore, #tpu.memory_space<semaphore_mem>>
      %dma_start3A_171 = arith.constant 0 : i32
      %dma_start3A_172 = arith.constant 0 : i32
      %dma_start3A_173 = tpu.memref_slice %arg8[%dma_start3A_171, %dma_start3A_172] : memref<128x128xf32, #tpu.memory_space<vmem>> -> memref<128x128xf32, #tpu.memory_space<vmem>>
      %dma_start3A_174 = arith.constant 0 : i32
      %dma_start3A_175 = tpu.memref_slice %arg10[%add3A_12, %dma_start3A_174] : memref<10112x128xf32, #tpu.memory_space<vmem_shared>> -> memref<128x128xf32, #tpu.memory_space<vmem_shared>>
      %dma_start3A_176 = arith.constant 0 : i32
      %dma_start3A_177 = tpu.memref_slice %arg10[%add3A_12, %dma_start3A_176] : memref<10112x128xf32, #tpu.memory_space<vmem_shared>> -> memref<128x128xf32, #tpu.memory_space<vmem_shared>>
      %dma_start3A_178 = arith.constant 0 : i32
      %dma_start3A_179 = arith.constant 0 : i32
      %dma_start3A_180 = tpu.memref_slice %arg8[%dma_start3A_178, %dma_start3A_179] : memref<128x128xf32, #tpu.memory_space<vmem>> -> memref<128x128xf32, #tpu.memory_space<vmem>>
      tpu.enqueue_dma source(%dma_start3A_180 : memref<128x128xf32, #tpu.memory_space<vmem>>) target(%dma_start3A_177 : memref<128x128xf32, #tpu.memory_space<vmem_shared>>) target_semaphore(%run_scoped3A : memref<!tpu.dma_semaphore, #tpu.memory_space<semaphore_mem>>)
      %dma_wait3A_181 = arith.constant 0 : i32
      %dma_wait3A_182 = arith.constant 0 : i32
      %dma_wait3A_183 = tpu.memref_slice %arg8[%dma_wait3A_181, %dma_wait3A_182] : memref<128x128xf32, #tpu.memory_space<vmem>> -> memref<128x128xf32, #tpu.memory_space<vmem>>
      %dma_wait3A_184 = arith.constant 0 : i32
      %dma_wait3A_185 = tpu.memref_slice %arg10[%add3A_12, %dma_wait3A_184] : memref<10112x128xf32, #tpu.memory_space<vmem_shared>> -> memref<128x128xf32, #tpu.memory_space<vmem_shared>>
      %dma_wait3A_186 = arith.constant 0 : i32
      %dma_wait3A_187 = tpu.memref_slice %arg10[%add3A_12, %dma_wait3A_186] : memref<10112x128xf32, #tpu.memory_space<vmem_shared>> -> memref<128x128xf32, #tpu.memory_space<vmem_shared>>
      %dma_wait3A_188 = arith.constant 0 : i32
      %dma_wait3A_189 = arith.constant 0 : i32
      %dma_wait3A_190 = tpu.memref_slice %arg8[%dma_wait3A_188, %dma_wait3A_189] : memref<128x128xf32, #tpu.memory_space<vmem>> -> memref<128x128xf32, #tpu.memory_space<vmem>>
      tpu.wait_dma2 semaphore(%run_scoped3A : memref<!tpu.dma_semaphore, #tpu.memory_space<semaphore_mem>>) src(%dma_wait3A_190 : memref<128x128xf32, #tpu.memory_space<vmem>>) dst(%dma_wait3A_187 : memref<128x128xf32, #tpu.memory_space<vmem_shared>>)
      tpu.yield
    }) : () -> ()
    %add3A_13 = arith.constant 512 : i32
    %add3A_14 = arith.addi %mul3A_5, %add3A_13 : i32
    "tpu.region"() ({
      %run_scoped3A = tpu.sem_alloc : memref<!tpu.dma_semaphore, #tpu.memory_space<semaphore_mem>>
      %dma_start3A_171 = arith.constant 0 : i32
      %dma_start3A_172 = arith.constant 0 : i32
      %dma_start3A_173 = tpu.memref_slice %arg8[%dma_start3A_171, %dma_start3A_172] : memref<128x128xf32, #tpu.memory_space<vmem>> -> memref<120x128xf32, #tpu.memory_space<vmem>>
      %dma_start3A_174 = arith.constant 0 : i32
      %dma_start3A_175 = tpu.memref_slice %arg10[%add3A_14, %dma_start3A_174] : memref<10112x128xf32, #tpu.memory_space<vmem_shared>> -> memref<120x128xf32, #tpu.memory_space<vmem_shared>>
      %dma_start3A_176 = arith.constant 0 : i32
      %dma_start3A_177 = tpu.memref_slice %arg10[%add3A_14, %dma_start3A_176] : memref<10112x128xf32, #tpu.memory_space<vmem_shared>> -> memref<120x128xf32, #tpu.memory_space<vmem_shared>>
      %dma_start3A_178 = arith.constant 0 : i32
      %dma_start3A_179 = arith.constant 0 : i32
      %dma_start3A_180 = tpu.memref_slice %arg8[%dma_start3A_178, %dma_start3A_179] : memref<128x128xf32, #tpu.memory_space<vmem>> -> memref<120x128xf32, #tpu.memory_space<vmem>>
      tpu.enqueue_dma source(%dma_start3A_180 : memref<120x128xf32, #tpu.memory_space<vmem>>) target(%dma_start3A_177 : memref<120x128xf32, #tpu.memory_space<vmem_shared>>) target_semaphore(%run_scoped3A : memref<!tpu.dma_semaphore, #tpu.memory_space<semaphore_mem>>)
      %dma_wait3A_181 = arith.constant 0 : i32
      %dma_wait3A_182 = arith.constant 0 : i32
      %dma_wait3A_183 = tpu.memref_slice %arg8[%dma_wait3A_181, %dma_wait3A_182] : memref<128x128xf32, #tpu.memory_space<vmem>> -> memref<120x128xf32, #tpu.memory_space<vmem>>
      %dma_wait3A_184 = arith.constant 0 : i32
      %dma_wait3A_185 = tpu.memref_slice %arg10[%add3A_14, %dma_wait3A_184] : memref<10112x128xf32, #tpu.memory_space<vmem_shared>> -> memref<120x128xf32, #tpu.memory_space<vmem_shared>>
      %dma_wait3A_186 = arith.constant 0 : i32
      %dma_wait3A_187 = tpu.memref_slice %arg10[%add3A_14, %dma_wait3A_186] : memref<10112x128xf32, #tpu.memory_space<vmem_shared>> -> memref<120x128xf32, #tpu.memory_space<vmem_shared>>
      %dma_wait3A_188 = arith.constant 0 : i32
      %dma_wait3A_189 = arith.constant 0 : i32
      %dma_wait3A_190 = tpu.memref_slice %arg8[%dma_wait3A_188, %dma_wait3A_189] : memref<128x128xf32, #tpu.memory_space<vmem>> -> memref<120x128xf32, #tpu.memory_space<vmem>>
      tpu.wait_dma2 semaphore(%run_scoped3A : memref<!tpu.dma_semaphore, #tpu.memory_space<semaphore_mem>>) src(%dma_wait3A_190 : memref<120x128xf32, #tpu.memory_space<vmem>>) dst(%dma_wait3A_187 : memref<120x128xf32, #tpu.memory_space<vmem_shared>>)
      tpu.yield
    }) : () -> ()
    %barrier3A = arith.constant 0 : index
    tpu.barrier barrier_id(%barrier3A)
    %eq3A = arith.constant 0 : i32
    %eq3A_15 = arith.cmpi eq, %arg0, %eq3A : i32
    %convert_element_type3A = arith.extui %eq3A_15 : i1 to i32
    %cond3A = arith.constant 0 : i32
    %cond3A_16 = arith.cmpi ne, %convert_element_type3A, %cond3A : i32
    scf.if %cond3A_16 {
      %mul3A_171 = arith.constant 144 : i32
      %mul3A_172 = arith.muli %arg1, %mul3A_171 : i32
      %scan3A_173 = arith.constant 0 : i32
      %scan3A_174 = arith.constant 0 : i32
      %scan3A_175 = arith.constant 18 : i32
      %scan3A_176 = arith.addi %scan3A_174, %scan3A_175 : i32
      %scan3A_177 = arith.constant 1 : i32
      scf.for %scan3A_179 = %scan3A_174 to %scan3A_176 step %scan3A_177  : i32 {
        %mul3A_180 = arith.constant 8 : i32
        %mul3A_181 = arith.muli %scan3A_179, %mul3A_180 : i32
        %add3A_182 = arith.addi %mul3A_172, %mul3A_181 : i32
        %dma_start3A_183 = arith.constant 0 : i32
        %dma_start3A_184 = tpu.memref_slice %arg3[%add3A_182, %dma_start3A_183] : memref<2560x128xi32, #tpu.memory_space<hbm>> -> memref<8x128xi32, #tpu.memory_space<hbm>>
        %dma_start3A_185 = arith.constant 0 : i32
        %dma_start3A_186 = tpu.memref_slice %arg3[%add3A_182, %dma_start3A_185] : memref<2560x128xi32, #tpu.memory_space<hbm>> -> memref<8x128xi32, #tpu.memory_space<hbm>>
        tpu.enqueue_dma source(%dma_start3A_186 : memref<8x128xi32, #tpu.memory_space<hbm>>) target(%arg6 : memref<8x128xi32, #tpu.memory_space<vmem>>) target_semaphore(%arg13 : memref<!tpu.dma_semaphore, #tpu.memory_space<semaphore_mem>>)
        %dma_start3A_187 = arith.constant 0 : i32
        %dma_start3A_188 = tpu.memref_slice %arg4[%add3A_182, %dma_start3A_187] : memref<2560x128xi32, #tpu.memory_space<hbm>> -> memref<8x128xi32, #tpu.memory_space<hbm>>
        %dma_start3A_189 = arith.constant 0 : i32
        %dma_start3A_190 = tpu.memref_slice %arg4[%add3A_182, %dma_start3A_189] : memref<2560x128xi32, #tpu.memory_space<hbm>> -> memref<8x128xi32, #tpu.memory_space<hbm>>
        tpu.enqueue_dma source(%dma_start3A_190 : memref<8x128xi32, #tpu.memory_space<hbm>>) target(%arg7 : memref<8x128xi32, #tpu.memory_space<vmem>>) target_semaphore(%arg14 : memref<!tpu.dma_semaphore, #tpu.memory_space<semaphore_mem>>)
        %dma_wait3A_191 = arith.constant 0 : i32
        %dma_wait3A_192 = tpu.memref_slice %arg3[%add3A_182, %dma_wait3A_191] : memref<2560x128xi32, #tpu.memory_space<hbm>> -> memref<8x128xi32, #tpu.memory_space<hbm>>
        %dma_wait3A_193 = arith.constant 0 : i32
        %dma_wait3A_194 = tpu.memref_slice %arg3[%add3A_182, %dma_wait3A_193] : memref<2560x128xi32, #tpu.memory_space<hbm>> -> memref<8x128xi32, #tpu.memory_space<hbm>>
        tpu.wait_dma2 semaphore(%arg13 : memref<!tpu.dma_semaphore, #tpu.memory_space<semaphore_mem>>) src(%dma_wait3A_194 : memref<8x128xi32, #tpu.memory_space<hbm>>) dst(%arg6 : memref<8x128xi32, #tpu.memory_space<vmem>>)
        %dma_start3A_195 = arith.constant 0 : i32
        %dma_start3A_196 = arith.constant 0 : i32
        %dma_start3A_197 = tpu.memref_slice %arg6[%dma_start3A_195, %dma_start3A_196] : memref<8x128xi32, #tpu.memory_space<vmem>> -> memref<1x128xi32, #tpu.memory_space<vmem>>
        %dma_start3A_198 = tpu.memref_squeeze %dma_start3A_197 : memref<1x128xi32, #tpu.memory_space<vmem>> -> memref<128xi32, #tpu.memory_space<vmem>>
        %dma_start3A_199 = arith.constant 0 : i32
        %dma_start3A_200 = arith.constant 0 : i32
        %dma_start3A_201 = tpu.memref_slice %arg2[%dma_start3A_199, %dma_start3A_200] : memref<10000x128xf32, #tpu.memory_space<hbm>> -> memref<10000x128xf32, #tpu.memory_space<hbm>>
        tpu.enqueue_indirect_dma source(%dma_start3A_201 : memref<10000x128xf32, #tpu.memory_space<hbm>>) target(%arg8 : memref<128x128xf32, #tpu.memory_space<vmem>>) offsets(%dma_start3A_198 : memref<128xi32, #tpu.memory_space<vmem>>) semaphore(%arg11 : memref<!tpu.dma_semaphore, #tpu.memory_space<semaphore_mem>>)
        %dma_wait3A_202 = arith.constant 0 : i32
        %dma_wait3A_203 = tpu.memref_slice %arg4[%add3A_182, %dma_wait3A_202] : memref<2560x128xi32, #tpu.memory_space<hbm>> -> memref<8x128xi32, #tpu.memory_space<hbm>>
        %dma_wait3A_204 = arith.constant 0 : i32
        %dma_wait3A_205 = tpu.memref_slice %arg4[%add3A_182, %dma_wait3A_204] : memref<2560x128xi32, #tpu.memory_space<hbm>> -> memref<8x128xi32, #tpu.memory_space<hbm>>
        tpu.wait_dma2 semaphore(%arg14 : memref<!tpu.dma_semaphore, #tpu.memory_space<semaphore_mem>>) src(%dma_wait3A_205 : memref<8x128xi32, #tpu.memory_space<hbm>>) dst(%arg7 : memref<8x128xi32, #tpu.memory_space<vmem>>)
        %scan3A_206 = arith.constant 0 : i32
        %scan3A_207 = arith.constant 0 : i32
        %scan3A_208 = arith.constant 4 : i32
        %scan3A_209 = arith.addi %scan3A_207, %scan3A_208 : i32
        %scan3A_210 = arith.constant 1 : i32
        scf.for %scan3A_219 = %scan3A_207 to %scan3A_209 step %scan3A_210  : i32 {
          %mul3A_220 = arith.constant 2 : i32
          %mul3A_221 = arith.muli %mul3A_220, %scan3A_219 : i32
          %add3A_222 = arith.constant 1 : i32
          %add3A_223 = arith.addi %mul3A_221, %add3A_222 : i32
          %dma_wait3A_224 = arith.constant 0 : i32
          %dma_wait3A_225 = tpu.memref_slice %arg6[%mul3A_221, %dma_wait3A_224] : memref<8x128xi32, #tpu.memory_space<vmem>> -> memref<1x128xi32, #tpu.memory_space<vmem>>
          %dma_wait3A_226 = tpu.memref_squeeze %dma_wait3A_225 : memref<1x128xi32, #tpu.memory_space<vmem>> -> memref<128xi32, #tpu.memory_space<vmem>>
          %dma_wait3A_227 = arith.constant 0 : i32
          %dma_wait3A_228 = arith.constant 0 : i32
          %dma_wait3A_229 = tpu.memref_slice %arg2[%dma_wait3A_227, %dma_wait3A_228] : memref<10000x128xf32, #tpu.memory_space<hbm>> -> memref<10000x128xf32, #tpu.memory_space<hbm>>
          tpu.wait_indirect_dma semaphore(%arg11 : memref<!tpu.dma_semaphore, #tpu.memory_space<semaphore_mem>>) src(%dma_wait3A_229 : memref<10000x128xf32, #tpu.memory_space<hbm>>) dst(%arg8 : memref<128x128xf32, #tpu.memory_space<vmem>>)
          %dma_start3A_230 = arith.constant 0 : i32
          %dma_start3A_231 = tpu.memref_slice %arg7[%mul3A_221, %dma_start3A_230] : memref<8x128xi32, #tpu.memory_space<vmem>> -> memref<1x128xi32, #tpu.memory_space<vmem>>
          %dma_start3A_232 = tpu.memref_squeeze %dma_start3A_231 : memref<1x128xi32, #tpu.memory_space<vmem>> -> memref<128xi32, #tpu.memory_space<vmem>>
          %dma_start3A_233 = arith.constant 0 : i32
          %dma_start3A_234 = arith.constant 0 : i32
          %dma_start3A_235 = tpu.memref_slice %arg10[%dma_start3A_233, %dma_start3A_234] : memref<10112x128xf32, #tpu.memory_space<vmem_shared>> -> memref<10112x128xf32, #tpu.memory_space<vmem_shared>>
          tpu.enqueue_indirect_dma source(%arg8 : memref<128x128xf32, #tpu.memory_space<vmem>>) target(%dma_start3A_235 : memref<10112x128xf32, #tpu.memory_space<vmem_shared>>) offsets(%dma_start3A_232 : memref<128xi32, #tpu.memory_space<vmem>>) semaphore(%arg13 : memref<!tpu.dma_semaphore, #tpu.memory_space<semaphore_mem>>) {add = true}
          %gt3A = arith.constant 0 : i32
          %gt3A_236 = arith.cmpi sgt, %scan3A_219, %gt3A : i32
          %convert_element_type3A_237 = arith.extui %gt3A_236 : i1 to i32
          %cond3A_238 = arith.constant 0 : i32
          %cond3A_239 = arith.cmpi ne, %convert_element_type3A_237, %cond3A_238 : i32
          scf.if %cond3A_239 {
            %dma_wait3A_270 = arith.constant 0 : i32
            %dma_wait3A_271 = tpu.memref_slice %arg7[%add3A_223, %dma_wait3A_270] : memref<8x128xi32, #tpu.memory_space<vmem>> -> memref<1x128xi32, #tpu.memory_space<vmem>>
            %dma_wait3A_272 = tpu.memref_squeeze %dma_wait3A_271 : memref<1x128xi32, #tpu.memory_space<vmem>> -> memref<128xi32, #tpu.memory_space<vmem>>
            %dma_wait3A_273 = arith.constant 0 : i32
            %dma_wait3A_274 = arith.constant 0 : i32
            %dma_wait3A_275 = tpu.memref_slice %arg10[%dma_wait3A_273, %dma_wait3A_274] : memref<10112x128xf32, #tpu.memory_space<vmem_shared>> -> memref<10112x128xf32, #tpu.memory_space<vmem_shared>>
            tpu.wait_indirect_dma semaphore(%arg14 : memref<!tpu.dma_semaphore, #tpu.memory_space<semaphore_mem>>) src(%arg9 : memref<128x128xf32, #tpu.memory_space<vmem>>) dst(%dma_wait3A_275 : memref<10112x128xf32, #tpu.memory_space<vmem_shared>>)
          } else {
          }
          %dma_start3A_240 = arith.constant 0 : i32
          %dma_start3A_241 = tpu.memref_slice %arg6[%add3A_223, %dma_start3A_240] : memref<8x128xi32, #tpu.memory_space<vmem>> -> memref<1x128xi32, #tpu.memory_space<vmem>>
          %dma_start3A_242 = tpu.memref_squeeze %dma_start3A_241 : memref<1x128xi32, #tpu.memory_space<vmem>> -> memref<128xi32, #tpu.memory_space<vmem>>
          %dma_start3A_243 = arith.constant 0 : i32
          %dma_start3A_244 = arith.constant 0 : i32
          %dma_start3A_245 = tpu.memref_slice %arg2[%dma_start3A_243, %dma_start3A_244] : memref<10000x128xf32, #tpu.memory_space<hbm>> -> memref<10000x128xf32, #tpu.memory_space<hbm>>
          tpu.enqueue_indirect_dma source(%dma_start3A_245 : memref<10000x128xf32, #tpu.memory_space<hbm>>) target(%arg9 : memref<128x128xf32, #tpu.memory_space<vmem>>) offsets(%dma_start3A_242 : memref<128xi32, #tpu.memory_space<vmem>>) semaphore(%arg12 : memref<!tpu.dma_semaphore, #tpu.memory_space<semaphore_mem>>)
          %dma_wait3A_246 = arith.constant 0 : i32
          %dma_wait3A_247 = tpu.memref_slice %arg6[%add3A_223, %dma_wait3A_246] : memref<8x128xi32, #tpu.memory_space<vmem>> -> memref<1x128xi32, #tpu.memory_space<vmem>>
          %dma_wait3A_248 = tpu.memref_squeeze %dma_wait3A_247 : memref<1x128xi32, #tpu.memory_space<vmem>> -> memref<128xi32, #tpu.memory_space<vmem>>
          %dma_wait3A_249 = arith.constant 0 : i32
          %dma_wait3A_250 = arith.constant 0 : i32
          %dma_wait3A_251 = tpu.memref_slice %arg2[%dma_wait3A_249, %dma_wait3A_250] : memref<10000x128xf32, #tpu.memory_space<hbm>> -> memref<10000x128xf32, #tpu.memory_space<hbm>>
          tpu.wait_indirect_dma semaphore(%arg12 : memref<!tpu.dma_semaphore, #tpu.memory_space<semaphore_mem>>) src(%dma_wait3A_251 : memref<10000x128xf32, #tpu.memory_space<hbm>>) dst(%arg9 : memref<128x128xf32, #tpu.memory_space<vmem>>)
          %dma_start3A_252 = arith.constant 0 : i32
          %dma_start3A_253 = tpu.memref_slice %arg7[%add3A_223, %dma_start3A_252] : memref<8x128xi32, #tpu.memory_space<vmem>> -> memref<1x128xi32, #tpu.memory_space<vmem>>
          %dma_start3A_254 = tpu.memref_squeeze %dma_start3A_253 : memref<1x128xi32, #tpu.memory_space<vmem>> -> memref<128xi32, #tpu.memory_space<vmem>>
          %dma_start3A_255 = arith.constant 0 : i32
          %dma_start3A_256 = arith.constant 0 : i32
          %dma_start3A_257 = tpu.memref_slice %arg10[%dma_start3A_255, %dma_start3A_256] : memref<10112x128xf32, #tpu.memory_space<vmem_shared>> -> memref<10112x128xf32, #tpu.memory_space<vmem_shared>>
          tpu.enqueue_indirect_dma source(%arg9 : memref<128x128xf32, #tpu.memory_space<vmem>>) target(%dma_start3A_257 : memref<10112x128xf32, #tpu.memory_space<vmem_shared>>) offsets(%dma_start3A_254 : memref<128xi32, #tpu.memory_space<vmem>>) semaphore(%arg14 : memref<!tpu.dma_semaphore, #tpu.memory_space<semaphore_mem>>) {add = true}
          %dma_wait3A_258 = arith.constant 0 : i32
          %dma_wait3A_259 = tpu.memref_slice %arg7[%mul3A_221, %dma_wait3A_258] : memref<8x128xi32, #tpu.memory_space<vmem>> -> memref<1x128xi32, #tpu.memory_space<vmem>>
          %dma_wait3A_260 = tpu.memref_squeeze %dma_wait3A_259 : memref<1x128xi32, #tpu.memory_space<vmem>> -> memref<128xi32, #tpu.memory_space<vmem>>
          %dma_wait3A_261 = arith.constant 0 : i32
          %dma_wait3A_262 = arith.constant 0 : i32
          %dma_wait3A_263 = tpu.memref_slice %arg10[%dma_wait3A_261, %dma_wait3A_262] : memref<10112x128xf32, #tpu.memory_space<vmem_shared>> -> memref<10112x128xf32, #tpu.memory_space<vmem_shared>>
          tpu.wait_indirect_dma semaphore(%arg13 : memref<!tpu.dma_semaphore, #tpu.memory_space<semaphore_mem>>) src(%arg8 : memref<128x128xf32, #tpu.memory_space<vmem>>) dst(%dma_wait3A_263 : memref<10112x128xf32, #tpu.memory_space<vmem_shared>>)
          %add3A_264 = arith.constant 1 : i32
          %add3A_265 = arith.addi %add3A_223, %add3A_264 : i32
          %lt3A = arith.constant 8 : i32
          %lt3A_266 = arith.cmpi slt, %add3A_265, %lt3A : i32
          %convert_element_type3A_267 = arith.extui %lt3A_266 : i1 to i32
          %cond3A_268 = arith.constant 0 : i32
          %cond3A_269 = arith.cmpi ne, %convert_element_type3A_267, %cond3A_268 : i32
          scf.if %cond3A_269 {
            %add3A_270 = arith.constant 1 : i32
            %add3A_271 = arith.addi %add3A_223, %add3A_270 : i32
            %dma_start3A_272 = arith.constant 0 : i32
            %dma_start3A_273 = tpu.memref_slice %arg6[%add3A_271, %dma_start3A_272] : memref<8x128xi32, #tpu.memory_space<vmem>> -> memref<1x128xi32, #tpu.memory_space<vmem>>
            %dma_start3A_274 = tpu.memref_squeeze %dma_start3A_273 : memref<1x128xi32, #tpu.memory_space<vmem>> -> memref<128xi32, #tpu.memory_space<vmem>>
            %dma_start3A_275 = arith.constant 0 : i32
            %dma_start3A_276 = arith.constant 0 : i32
            %dma_start3A_277 = tpu.memref_slice %arg2[%dma_start3A_275, %dma_start3A_276] : memref<10000x128xf32, #tpu.memory_space<hbm>> -> memref<10000x128xf32, #tpu.memory_space<hbm>>
            tpu.enqueue_indirect_dma source(%dma_start3A_277 : memref<10000x128xf32, #tpu.memory_space<hbm>>) target(%arg8 : memref<128x128xf32, #tpu.memory_space<vmem>>) offsets(%dma_start3A_274 : memref<128xi32, #tpu.memory_space<vmem>>) semaphore(%arg11 : memref<!tpu.dma_semaphore, #tpu.memory_space<semaphore_mem>>)
          } else {
          }
        }
        %scan3A_211 = arith.constant 4 : i32
        %dma_wait3A_212 = arith.constant 7 : i32
        %dma_wait3A_213 = arith.constant 0 : i32
        %dma_wait3A_214 = tpu.memref_slice %arg7[%dma_wait3A_212, %dma_wait3A_213] : memref<8x128xi32, #tpu.memory_space<vmem>> -> memref<1x128xi32, #tpu.memory_space<vmem>>
        %dma_wait3A_215 = tpu.memref_squeeze %dma_wait3A_214 : memref<1x128xi32, #tpu.memory_space<vmem>> -> memref<128xi32, #tpu.memory_space<vmem>>
        %dma_wait3A_216 = arith.constant 0 : i32
        %dma_wait3A_217 = arith.constant 0 : i32
        %dma_wait3A_218 = tpu.memref_slice %arg10[%dma_wait3A_216, %dma_wait3A_217] : memref<10112x128xf32, #tpu.memory_space<vmem_shared>> -> memref<10112x128xf32, #tpu.memory_space<vmem_shared>>
        tpu.wait_indirect_dma semaphore(%arg14 : memref<!tpu.dma_semaphore, #tpu.memory_space<semaphore_mem>>) src(%arg9 : memref<128x128xf32, #tpu.memory_space<vmem>>) dst(%dma_wait3A_218 : memref<10112x128xf32, #tpu.memory_space<vmem_shared>>)
      }
      %scan3A_178 = arith.constant 18 : i32
    } else {
    }
    %eq3A_17 = arith.constant 1 : i32
    %eq3A_18 = arith.cmpi eq, %arg0, %eq3A_17 : i32
    %convert_element_type3A_19 = arith.extui %eq3A_18 : i1 to i32
    %cond3A_20 = arith.constant 0 : i32
    %cond3A_21 = arith.cmpi ne, %convert_element_type3A_19, %cond3A_20 : i32
    scf.if %cond3A_21 {
      %mul3A_171 = arith.constant 16 : i32
      %mul3A_172 = arith.muli %arg1, %mul3A_171 : i32
      %add3A_173 = arith.constant 2304 : i32
      %add3A_174 = arith.addi %add3A_173, %mul3A_172 : i32
      %scan3A_175 = arith.constant 0 : i32
      %scan3A_176 = arith.constant 0 : i32
      %scan3A_177 = arith.constant 2 : i32
      %scan3A_178 = arith.addi %scan3A_176, %scan3A_177 : i32
      %scan3A_179 = arith.constant 1 : i32
      scf.for %scan3A_181 = %scan3A_176 to %scan3A_178 step %scan3A_179  : i32 {
        %mul3A_182 = arith.constant 8 : i32
        %mul3A_183 = arith.muli %scan3A_181, %mul3A_182 : i32
        %add3A_184 = arith.addi %add3A_174, %mul3A_183 : i32
        %dma_start3A_185 = arith.constant 0 : i32
        %dma_start3A_186 = tpu.memref_slice %arg3[%add3A_184, %dma_start3A_185] : memref<2560x128xi32, #tpu.memory_space<hbm>> -> memref<8x128xi32, #tpu.memory_space<hbm>>
        %dma_start3A_187 = arith.constant 0 : i32
        %dma_start3A_188 = tpu.memref_slice %arg3[%add3A_184, %dma_start3A_187] : memref<2560x128xi32, #tpu.memory_space<hbm>> -> memref<8x128xi32, #tpu.memory_space<hbm>>
        tpu.enqueue_dma source(%dma_start3A_188 : memref<8x128xi32, #tpu.memory_space<hbm>>) target(%arg6 : memref<8x128xi32, #tpu.memory_space<vmem>>) target_semaphore(%arg13 : memref<!tpu.dma_semaphore, #tpu.memory_space<semaphore_mem>>)
        %dma_start3A_189 = arith.constant 0 : i32
        %dma_start3A_190 = tpu.memref_slice %arg4[%add3A_184, %dma_start3A_189] : memref<2560x128xi32, #tpu.memory_space<hbm>> -> memref<8x128xi32, #tpu.memory_space<hbm>>
        %dma_start3A_191 = arith.constant 0 : i32
        %dma_start3A_192 = tpu.memref_slice %arg4[%add3A_184, %dma_start3A_191] : memref<2560x128xi32, #tpu.memory_space<hbm>> -> memref<8x128xi32, #tpu.memory_space<hbm>>
        tpu.enqueue_dma source(%dma_start3A_192 : memref<8x128xi32, #tpu.memory_space<hbm>>) target(%arg7 : memref<8x128xi32, #tpu.memory_space<vmem>>) target_semaphore(%arg14 : memref<!tpu.dma_semaphore, #tpu.memory_space<semaphore_mem>>)
        %dma_wait3A_193 = arith.constant 0 : i32
        %dma_wait3A_194 = tpu.memref_slice %arg3[%add3A_184, %dma_wait3A_193] : memref<2560x128xi32, #tpu.memory_space<hbm>> -> memref<8x128xi32, #tpu.memory_space<hbm>>
        %dma_wait3A_195 = arith.constant 0 : i32
        %dma_wait3A_196 = tpu.memref_slice %arg3[%add3A_184, %dma_wait3A_195] : memref<2560x128xi32, #tpu.memory_space<hbm>> -> memref<8x128xi32, #tpu.memory_space<hbm>>
        tpu.wait_dma2 semaphore(%arg13 : memref<!tpu.dma_semaphore, #tpu.memory_space<semaphore_mem>>) src(%dma_wait3A_196 : memref<8x128xi32, #tpu.memory_space<hbm>>) dst(%arg6 : memref<8x128xi32, #tpu.memory_space<vmem>>)
        %dma_start3A_197 = arith.constant 0 : i32
        %dma_start3A_198 = arith.constant 0 : i32
        %dma_start3A_199 = tpu.memref_slice %arg6[%dma_start3A_197, %dma_start3A_198] : memref<8x128xi32, #tpu.memory_space<vmem>> -> memref<1x128xi32, #tpu.memory_space<vmem>>
        %dma_start3A_200 = tpu.memref_squeeze %dma_start3A_199 : memref<1x128xi32, #tpu.memory_space<vmem>> -> memref<128xi32, #tpu.memory_space<vmem>>
        %dma_start3A_201 = arith.constant 0 : i32
        %dma_start3A_202 = arith.constant 0 : i32
        %dma_start3A_203 = tpu.memref_slice %arg2[%dma_start3A_201, %dma_start3A_202] : memref<10000x128xf32, #tpu.memory_space<hbm>> -> memref<10000x128xf32, #tpu.memory_space<hbm>>
        tpu.enqueue_indirect_dma source(%dma_start3A_203 : memref<10000x128xf32, #tpu.memory_space<hbm>>) target(%arg8 : memref<128x128xf32, #tpu.memory_space<vmem>>) offsets(%dma_start3A_200 : memref<128xi32, #tpu.memory_space<vmem>>) semaphore(%arg11 : memref<!tpu.dma_semaphore, #tpu.memory_space<semaphore_mem>>)
        %dma_wait3A_204 = arith.constant 0 : i32
        %dma_wait3A_205 = tpu.memref_slice %arg4[%add3A_184, %dma_wait3A_204] : memref<2560x128xi32, #tpu.memory_space<hbm>> -> memref<8x128xi32, #tpu.memory_space<hbm>>
        %dma_wait3A_206 = arith.constant 0 : i32
        %dma_wait3A_207 = tpu.memref_slice %arg4[%add3A_184, %dma_wait3A_206] : memref<2560x128xi32, #tpu.memory_space<hbm>> -> memref<8x128xi32, #tpu.memory_space<hbm>>
        tpu.wait_dma2 semaphore(%arg14 : memref<!tpu.dma_semaphore, #tpu.memory_space<semaphore_mem>>) src(%dma_wait3A_207 : memref<8x128xi32, #tpu.memory_space<hbm>>) dst(%arg7 : memref<8x128xi32, #tpu.memory_space<vmem>>)
        %scan3A_208 = arith.constant 0 : i32
        %scan3A_209 = arith.constant 0 : i32
        %scan3A_210 = arith.constant 4 : i32
        %scan3A_211 = arith.addi %scan3A_209, %scan3A_210 : i32
        %scan3A_212 = arith.constant 1 : i32
        scf.for %scan3A_221 = %scan3A_209 to %scan3A_211 step %scan3A_212  : i32 {
          %mul3A_222 = arith.constant 2 : i32
          %mul3A_223 = arith.muli %mul3A_222, %scan3A_221 : i32
          %add3A_224 = arith.constant 1 : i32
          %add3A_225 = arith.addi %mul3A_223, %add3A_224 : i32
          %dma_wait3A_226 = arith.constant 0 : i32
          %dma_wait3A_227 = tpu.memref_slice %arg6[%mul3A_223, %dma_wait3A_226] : memref<8x128xi32, #tpu.memory_space<vmem>> -> memref<1x128xi32, #tpu.memory_space<vmem>>
          %dma_wait3A_228 = tpu.memref_squeeze %dma_wait3A_227 : memref<1x128xi32, #tpu.memory_space<vmem>> -> memref<128xi32, #tpu.memory_space<vmem>>
          %dma_wait3A_229 = arith.constant 0 : i32
          %dma_wait3A_230 = arith.constant 0 : i32
          %dma_wait3A_231 = tpu.memref_slice %arg2[%dma_wait3A_229, %dma_wait3A_230] : memref<10000x128xf32, #tpu.memory_space<hbm>> -> memref<10000x128xf32, #tpu.memory_space<hbm>>
          tpu.wait_indirect_dma semaphore(%arg11 : memref<!tpu.dma_semaphore, #tpu.memory_space<semaphore_mem>>) src(%dma_wait3A_231 : memref<10000x128xf32, #tpu.memory_space<hbm>>) dst(%arg8 : memref<128x128xf32, #tpu.memory_space<vmem>>)
          %dma_start3A_232 = arith.constant 0 : i32
          %dma_start3A_233 = tpu.memref_slice %arg7[%mul3A_223, %dma_start3A_232] : memref<8x128xi32, #tpu.memory_space<vmem>> -> memref<1x128xi32, #tpu.memory_space<vmem>>
          %dma_start3A_234 = tpu.memref_squeeze %dma_start3A_233 : memref<1x128xi32, #tpu.memory_space<vmem>> -> memref<128xi32, #tpu.memory_space<vmem>>
          %dma_start3A_235 = arith.constant 0 : i32
          %dma_start3A_236 = arith.constant 0 : i32
          %dma_start3A_237 = tpu.memref_slice %arg10[%dma_start3A_235, %dma_start3A_236] : memref<10112x128xf32, #tpu.memory_space<vmem_shared>> -> memref<10112x128xf32, #tpu.memory_space<vmem_shared>>
          tpu.enqueue_indirect_dma source(%arg8 : memref<128x128xf32, #tpu.memory_space<vmem>>) target(%dma_start3A_237 : memref<10112x128xf32, #tpu.memory_space<vmem_shared>>) offsets(%dma_start3A_234 : memref<128xi32, #tpu.memory_space<vmem>>) semaphore(%arg13 : memref<!tpu.dma_semaphore, #tpu.memory_space<semaphore_mem>>) {add = true}
          %gt3A = arith.constant 0 : i32
          %gt3A_238 = arith.cmpi sgt, %scan3A_221, %gt3A : i32
          %convert_element_type3A_239 = arith.extui %gt3A_238 : i1 to i32
          %cond3A_240 = arith.constant 0 : i32
          %cond3A_241 = arith.cmpi ne, %convert_element_type3A_239, %cond3A_240 : i32
          scf.if %cond3A_241 {
            %dma_wait3A_272 = arith.constant 0 : i32
            %dma_wait3A_273 = tpu.memref_slice %arg7[%add3A_225, %dma_wait3A_272] : memref<8x128xi32, #tpu.memory_space<vmem>> -> memref<1x128xi32, #tpu.memory_space<vmem>>
            %dma_wait3A_274 = tpu.memref_squeeze %dma_wait3A_273 : memref<1x128xi32, #tpu.memory_space<vmem>> -> memref<128xi32, #tpu.memory_space<vmem>>
            %dma_wait3A_275 = arith.constant 0 : i32
            %dma_wait3A_276 = arith.constant 0 : i32
            %dma_wait3A_277 = tpu.memref_slice %arg10[%dma_wait3A_275, %dma_wait3A_276] : memref<10112x128xf32, #tpu.memory_space<vmem_shared>> -> memref<10112x128xf32, #tpu.memory_space<vmem_shared>>
            tpu.wait_indirect_dma semaphore(%arg14 : memref<!tpu.dma_semaphore, #tpu.memory_space<semaphore_mem>>) src(%arg9 : memref<128x128xf32, #tpu.memory_space<vmem>>) dst(%dma_wait3A_277 : memref<10112x128xf32, #tpu.memory_space<vmem_shared>>)
          } else {
          }
          %dma_start3A_242 = arith.constant 0 : i32
          %dma_start3A_243 = tpu.memref_slice %arg6[%add3A_225, %dma_start3A_242] : memref<8x128xi32, #tpu.memory_space<vmem>> -> memref<1x128xi32, #tpu.memory_space<vmem>>
          %dma_start3A_244 = tpu.memref_squeeze %dma_start3A_243 : memref<1x128xi32, #tpu.memory_space<vmem>> -> memref<128xi32, #tpu.memory_space<vmem>>
          %dma_start3A_245 = arith.constant 0 : i32
          %dma_start3A_246 = arith.constant 0 : i32
          %dma_start3A_247 = tpu.memref_slice %arg2[%dma_start3A_245, %dma_start3A_246] : memref<10000x128xf32, #tpu.memory_space<hbm>> -> memref<10000x128xf32, #tpu.memory_space<hbm>>
          tpu.enqueue_indirect_dma source(%dma_start3A_247 : memref<10000x128xf32, #tpu.memory_space<hbm>>) target(%arg9 : memref<128x128xf32, #tpu.memory_space<vmem>>) offsets(%dma_start3A_244 : memref<128xi32, #tpu.memory_space<vmem>>) semaphore(%arg12 : memref<!tpu.dma_semaphore, #tpu.memory_space<semaphore_mem>>)
          %dma_wait3A_248 = arith.constant 0 : i32
          %dma_wait3A_249 = tpu.memref_slice %arg6[%add3A_225, %dma_wait3A_248] : memref<8x128xi32, #tpu.memory_space<vmem>> -> memref<1x128xi32, #tpu.memory_space<vmem>>
          %dma_wait3A_250 = tpu.memref_squeeze %dma_wait3A_249 : memref<1x128xi32, #tpu.memory_space<vmem>> -> memref<128xi32, #tpu.memory_space<vmem>>
          %dma_wait3A_251 = arith.constant 0 : i32
          %dma_wait3A_252 = arith.constant 0 : i32
          %dma_wait3A_253 = tpu.memref_slice %arg2[%dma_wait3A_251, %dma_wait3A_252] : memref<10000x128xf32, #tpu.memory_space<hbm>> -> memref<10000x128xf32, #tpu.memory_space<hbm>>
          tpu.wait_indirect_dma semaphore(%arg12 : memref<!tpu.dma_semaphore, #tpu.memory_space<semaphore_mem>>) src(%dma_wait3A_253 : memref<10000x128xf32, #tpu.memory_space<hbm>>) dst(%arg9 : memref<128x128xf32, #tpu.memory_space<vmem>>)
          %dma_start3A_254 = arith.constant 0 : i32
          %dma_start3A_255 = tpu.memref_slice %arg7[%add3A_225, %dma_start3A_254] : memref<8x128xi32, #tpu.memory_space<vmem>> -> memref<1x128xi32, #tpu.memory_space<vmem>>
          %dma_start3A_256 = tpu.memref_squeeze %dma_start3A_255 : memref<1x128xi32, #tpu.memory_space<vmem>> -> memref<128xi32, #tpu.memory_space<vmem>>
          %dma_start3A_257 = arith.constant 0 : i32
          %dma_start3A_258 = arith.constant 0 : i32
          %dma_start3A_259 = tpu.memref_slice %arg10[%dma_start3A_257, %dma_start3A_258] : memref<10112x128xf32, #tpu.memory_space<vmem_shared>> -> memref<10112x128xf32, #tpu.memory_space<vmem_shared>>
          tpu.enqueue_indirect_dma source(%arg9 : memref<128x128xf32, #tpu.memory_space<vmem>>) target(%dma_start3A_259 : memref<10112x128xf32, #tpu.memory_space<vmem_shared>>) offsets(%dma_start3A_256 : memref<128xi32, #tpu.memory_space<vmem>>) semaphore(%arg14 : memref<!tpu.dma_semaphore, #tpu.memory_space<semaphore_mem>>) {add = true}
          %dma_wait3A_260 = arith.constant 0 : i32
          %dma_wait3A_261 = tpu.memref_slice %arg7[%mul3A_223, %dma_wait3A_260] : memref<8x128xi32, #tpu.memory_space<vmem>> -> memref<1x128xi32, #tpu.memory_space<vmem>>
          %dma_wait3A_262 = tpu.memref_squeeze %dma_wait3A_261 : memref<1x128xi32, #tpu.memory_space<vmem>> -> memref<128xi32, #tpu.memory_space<vmem>>
          %dma_wait3A_263 = arith.constant 0 : i32
          %dma_wait3A_264 = arith.constant 0 : i32
          %dma_wait3A_265 = tpu.memref_slice %arg10[%dma_wait3A_263, %dma_wait3A_264] : memref<10112x128xf32, #tpu.memory_space<vmem_shared>> -> memref<10112x128xf32, #tpu.memory_space<vmem_shared>>
          tpu.wait_indirect_dma semaphore(%arg13 : memref<!tpu.dma_semaphore, #tpu.memory_space<semaphore_mem>>) src(%arg8 : memref<128x128xf32, #tpu.memory_space<vmem>>) dst(%dma_wait3A_265 : memref<10112x128xf32, #tpu.memory_space<vmem_shared>>)
          %add3A_266 = arith.constant 1 : i32
          %add3A_267 = arith.addi %add3A_225, %add3A_266 : i32
          %lt3A = arith.constant 8 : i32
          %lt3A_268 = arith.cmpi slt, %add3A_267, %lt3A : i32
          %convert_element_type3A_269 = arith.extui %lt3A_268 : i1 to i32
          %cond3A_270 = arith.constant 0 : i32
          %cond3A_271 = arith.cmpi ne, %convert_element_type3A_269, %cond3A_270 : i32
          scf.if %cond3A_271 {
            %add3A_272 = arith.constant 1 : i32
            %add3A_273 = arith.addi %add3A_225, %add3A_272 : i32
            %dma_start3A_274 = arith.constant 0 : i32
            %dma_start3A_275 = tpu.memref_slice %arg6[%add3A_273, %dma_start3A_274] : memref<8x128xi32, #tpu.memory_space<vmem>> -> memref<1x128xi32, #tpu.memory_space<vmem>>
            %dma_start3A_276 = tpu.memref_squeeze %dma_start3A_275 : memref<1x128xi32, #tpu.memory_space<vmem>> -> memref<128xi32, #tpu.memory_space<vmem>>
            %dma_start3A_277 = arith.constant 0 : i32
            %dma_start3A_278 = arith.constant 0 : i32
            %dma_start3A_279 = tpu.memref_slice %arg2[%dma_start3A_277, %dma_start3A_278] : memref<10000x128xf32, #tpu.memory_space<hbm>> -> memref<10000x128xf32, #tpu.memory_space<hbm>>
            tpu.enqueue_indirect_dma source(%dma_start3A_279 : memref<10000x128xf32, #tpu.memory_space<hbm>>) target(%arg8 : memref<128x128xf32, #tpu.memory_space<vmem>>) offsets(%dma_start3A_276 : memref<128xi32, #tpu.memory_space<vmem>>) semaphore(%arg11 : memref<!tpu.dma_semaphore, #tpu.memory_space<semaphore_mem>>)
          } else {
          }
        }
        %scan3A_213 = arith.constant 4 : i32
        %dma_wait3A_214 = arith.constant 7 : i32
        %dma_wait3A_215 = arith.constant 0 : i32
        %dma_wait3A_216 = tpu.memref_slice %arg7[%dma_wait3A_214, %dma_wait3A_215] : memref<8x128xi32, #tpu.memory_space<vmem>> -> memref<1x128xi32, #tpu.memory_space<vmem>>
        %dma_wait3A_217 = tpu.memref_squeeze %dma_wait3A_216 : memref<1x128xi32, #tpu.memory_space<vmem>> -> memref<128xi32, #tpu.memory_space<vmem>>
        %dma_wait3A_218 = arith.constant 0 : i32
        %dma_wait3A_219 = arith.constant 0 : i32
        %dma_wait3A_220 = tpu.memref_slice %arg10[%dma_wait3A_218, %dma_wait3A_219] : memref<10112x128xf32, #tpu.memory_space<vmem_shared>> -> memref<10112x128xf32, #tpu.memory_space<vmem_shared>>
        tpu.wait_indirect_dma semaphore(%arg14 : memref<!tpu.dma_semaphore, #tpu.memory_space<semaphore_mem>>) src(%arg9 : memref<128x128xf32, #tpu.memory_space<vmem>>) dst(%dma_wait3A_220 : memref<10112x128xf32, #tpu.memory_space<vmem_shared>>)
      }
      %scan3A_180 = arith.constant 2 : i32
    } else {
    }
    %barrier3A_22 = arith.constant 0 : index
    tpu.barrier barrier_id(%barrier3A_22)
    %add3A_23 = arith.constant 0 : i32
    %add3A_24 = arith.addi %mul3A_5, %add3A_23 : i32
    "tpu.region"() ({
      %run_scoped3A = tpu.sem_alloc : memref<!tpu.dma_semaphore, #tpu.memory_space<semaphore_mem>>
      %dma_start3A_171 = arith.constant 0 : i32
      %dma_start3A_172 = arith.constant 0 : i32
      %dma_start3A_173 = tpu.memref_slice %arg8[%dma_start3A_171, %dma_start3A_172] : memref<128x128xf32, #tpu.memory_space<vmem>> -> memref<128x128xf32, #tpu.memory_space<vmem>>
      %dma_start3A_174 = arith.constant 0 : i32
      %dma_start3A_175 = tpu.memref_slice %arg10[%add3A_24, %dma_start3A_174] : memref<10112x128xf32, #tpu.memory_space<vmem_shared>> -> memref<128x128xf32, #tpu.memory_space<vmem_shared>>
      %dma_start3A_176 = arith.constant 0 : i32
      %dma_start3A_177 = arith.constant 0 : i32
      %dma_start3A_178 = tpu.memref_slice %arg8[%dma_start3A_176, %dma_start3A_177] : memref<128x128xf32, #tpu.memory_space<vmem>> -> memref<128x128xf32, #tpu.memory_space<vmem>>
      %dma_start3A_179 = arith.constant 0 : i32
      %dma_start3A_180 = tpu.memref_slice %arg10[%add3A_24, %dma_start3A_179] : memref<10112x128xf32, #tpu.memory_space<vmem_shared>> -> memref<128x128xf32, #tpu.memory_space<vmem_shared>>
      tpu.enqueue_dma source(%dma_start3A_180 : memref<128x128xf32, #tpu.memory_space<vmem_shared>>) target(%dma_start3A_178 : memref<128x128xf32, #tpu.memory_space<vmem>>) target_semaphore(%run_scoped3A : memref<!tpu.dma_semaphore, #tpu.memory_space<semaphore_mem>>)
      %dma_wait3A_181 = arith.constant 0 : i32
      %dma_wait3A_182 = arith.constant 0 : i32
      %dma_wait3A_183 = tpu.memref_slice %arg8[%dma_wait3A_181, %dma_wait3A_182] : memref<128x128xf32, #tpu.memory_space<vmem>> -> memref<128x128xf32, #tpu.memory_space<vmem>>
      %dma_wait3A_184 = arith.constant 0 : i32
      %dma_wait3A_185 = tpu.memref_slice %arg10[%add3A_24, %dma_wait3A_184] : memref<10112x128xf32, #tpu.memory_space<vmem_shared>> -> memref<128x128xf32, #tpu.memory_space<vmem_shared>>
      %dma_wait3A_186 = arith.constant 0 : i32
      %dma_wait3A_187 = arith.constant 0 : i32
      %dma_wait3A_188 = tpu.memref_slice %arg8[%dma_wait3A_186, %dma_wait3A_187] : memref<128x128xf32, #tpu.memory_space<vmem>> -> memref<128x128xf32, #tpu.memory_space<vmem>>
      %dma_wait3A_189 = arith.constant 0 : i32
      %dma_wait3A_190 = tpu.memref_slice %arg10[%add3A_24, %dma_wait3A_189] : memref<10112x128xf32, #tpu.memory_space<vmem_shared>> -> memref<128x128xf32, #tpu.memory_space<vmem_shared>>
      tpu.wait_dma2 semaphore(%run_scoped3A : memref<!tpu.dma_semaphore, #tpu.memory_space<semaphore_mem>>) src(%dma_wait3A_190 : memref<128x128xf32, #tpu.memory_space<vmem_shared>>) dst(%dma_wait3A_188 : memref<128x128xf32, #tpu.memory_space<vmem>>)
      tpu.yield
    }) : () -> ()
    %add3A_25 = arith.constant 0 : i32
    %add3A_26 = arith.addi %mul3A_5, %add3A_25 : i32
    %dma_start3A = arith.constant 0 : i32
    %dma_start3A_27 = arith.constant 0 : i32
    %dma_start3A_28 = tpu.memref_slice %arg8[%dma_start3A, %dma_start3A_27] : memref<128x128xf32, #tpu.memory_space<vmem>> -> memref<128x128xf32, #tpu.memory_space<vmem>>
    %dma_start3A_29 = arith.constant 0 : i32
    %dma_start3A_30 = tpu.memref_slice %arg5[%arg0, %add3A_26, %dma_start3A_29] : memref<2x10112x128xf32, #tpu.memory_space<hbm>> -> memref<1x128x128xf32, #tpu.memory_space<hbm>>
    %dma_start3A_31 = tpu.memref_squeeze %dma_start3A_30 : memref<1x128x128xf32, #tpu.memory_space<hbm>> -> memref<128x128xf32, #tpu.memory_space<hbm>>
    %dma_start3A_32 = arith.constant 0 : i32
    %dma_start3A_33 = tpu.memref_slice %arg5[%arg0, %add3A_26, %dma_start3A_32] : memref<2x10112x128xf32, #tpu.memory_space<hbm>> -> memref<1x128x128xf32, #tpu.memory_space<hbm>>
    %dma_start3A_34 = tpu.memref_squeeze %dma_start3A_33 : memref<1x128x128xf32, #tpu.memory_space<hbm>> -> memref<128x128xf32, #tpu.memory_space<hbm>>
    %dma_start3A_35 = arith.constant 0 : i32
    %dma_start3A_36 = arith.constant 0 : i32
    %dma_start3A_37 = tpu.memref_slice %arg8[%dma_start3A_35, %dma_start3A_36] : memref<128x128xf32, #tpu.memory_space<vmem>> -> memref<128x128xf32, #tpu.memory_space<vmem>>
    tpu.enqueue_dma source(%dma_start3A_37 : memref<128x128xf32, #tpu.memory_space<vmem>>) target(%dma_start3A_34 : memref<128x128xf32, #tpu.memory_space<hbm>>) target_semaphore(%arg11 : memref<!tpu.dma_semaphore, #tpu.memory_space<semaphore_mem>>)
    %add3A_38 = arith.constant 128 : i32
    %add3A_39 = arith.addi %mul3A_5, %add3A_38 : i32
    "tpu.region"() ({
      %run_scoped3A = tpu.sem_alloc : memref<!tpu.dma_semaphore, #tpu.memory_space<semaphore_mem>>
      %dma_start3A_171 = arith.constant 0 : i32
      %dma_start3A_172 = arith.constant 0 : i32
      %dma_start3A_173 = tpu.memref_slice %arg9[%dma_start3A_171, %dma_start3A_172] : memref<128x128xf32, #tpu.memory_space<vmem>> -> memref<128x128xf32, #tpu.memory_space<vmem>>
      %dma_start3A_174 = arith.constant 0 : i32
      %dma_start3A_175 = tpu.memref_slice %arg10[%add3A_39, %dma_start3A_174] : memref<10112x128xf32, #tpu.memory_space<vmem_shared>> -> memref<128x128xf32, #tpu.memory_space<vmem_shared>>
      %dma_start3A_176 = arith.constant 0 : i32
      %dma_start3A_177 = arith.constant 0 : i32
      %dma_start3A_178 = tpu.memref_slice %arg9[%dma_start3A_176, %dma_start3A_177] : memref<128x128xf32, #tpu.memory_space<vmem>> -> memref<128x128xf32, #tpu.memory_space<vmem>>
      %dma_start3A_179 = arith.constant 0 : i32
      %dma_start3A_180 = tpu.memref_slice %arg10[%add3A_39, %dma_start3A_179] : memref<10112x128xf32, #tpu.memory_space<vmem_shared>> -> memref<128x128xf32, #tpu.memory_space<vmem_shared>>
      tpu.enqueue_dma source(%dma_start3A_180 : memref<128x128xf32, #tpu.memory_space<vmem_shared>>) target(%dma_start3A_178 : memref<128x128xf32, #tpu.memory_space<vmem>>) target_semaphore(%run_scoped3A : memref<!tpu.dma_semaphore, #tpu.memory_space<semaphore_mem>>)
      %dma_wait3A_181 = arith.constant 0 : i32
      %dma_wait3A_182 = arith.constant 0 : i32
      %dma_wait3A_183 = tpu.memref_slice %arg9[%dma_wait3A_181, %dma_wait3A_182] : memref<128x128xf32, #tpu.memory_space<vmem>> -> memref<128x128xf32, #tpu.memory_space<vmem>>
      %dma_wait3A_184 = arith.constant 0 : i32
      %dma_wait3A_185 = tpu.memref_slice %arg10[%add3A_39, %dma_wait3A_184] : memref<10112x128xf32, #tpu.memory_space<vmem_shared>> -> memref<128x128xf32, #tpu.memory_space<vmem_shared>>
      %dma_wait3A_186 = arith.constant 0 : i32
      %dma_wait3A_187 = arith.constant 0 : i32
      %dma_wait3A_188 = tpu.memref_slice %arg9[%dma_wait3A_186, %dma_wait3A_187] : memref<128x128xf32, #tpu.memory_space<vmem>> -> memref<128x128xf32, #tpu.memory_space<vmem>>
      %dma_wait3A_189 = arith.constant 0 : i32
      %dma_wait3A_190 = tpu.memref_slice %arg10[%add3A_39, %dma_wait3A_189] : memref<10112x128xf32, #tpu.memory_space<vmem_shared>> -> memref<128x128xf32, #tpu.memory_space<vmem_shared>>
      tpu.wait_dma2 semaphore(%run_scoped3A : memref<!tpu.dma_semaphore, #tpu.memory_space<semaphore_mem>>) src(%dma_wait3A_190 : memref<128x128xf32, #tpu.memory_space<vmem_shared>>) dst(%dma_wait3A_188 : memref<128x128xf32, #tpu.memory_space<vmem>>)
      tpu.yield
    }) : () -> ()
    %add3A_40 = arith.constant 128 : i32
    %add3A_41 = arith.addi %mul3A_5, %add3A_40 : i32
    %dma_start3A_42 = arith.constant 0 : i32
    %dma_start3A_43 = arith.constant 0 : i32
    %dma_start3A_44 = tpu.memref_slice %arg9[%dma_start3A_42, %dma_start3A_43] : memref<128x128xf32, #tpu.memory_space<vmem>> -> memref<128x128xf32, #tpu.memory_space<vmem>>
    %dma_start3A_45 = arith.constant 0 : i32
    %dma_start3A_46 = tpu.memref_slice %arg5[%arg0, %add3A_41, %dma_start3A_45] : memref<2x10112x128xf32, #tpu.memory_space<hbm>> -> memref<1x128x128xf32, #tpu.memory_space<hbm>>
    %dma_start3A_47 = tpu.memref_squeeze %dma_start3A_46 : memref<1x128x128xf32, #tpu.memory_space<hbm>> -> memref<128x128xf32, #tpu.memory_space<hbm>>
    %dma_start3A_48 = arith.constant 0 : i32
    %dma_start3A_49 = tpu.memref_slice %arg5[%arg0, %add3A_41, %dma_start3A_48] : memref<2x10112x128xf32, #tpu.memory_space<hbm>> -> memref<1x128x128xf32, #tpu.memory_space<hbm>>
    %dma_start3A_50 = tpu.memref_squeeze %dma_start3A_49 : memref<1x128x128xf32, #tpu.memory_space<hbm>> -> memref<128x128xf32, #tpu.memory_space<hbm>>
    %dma_start3A_51 = arith.constant 0 : i32
    %dma_start3A_52 = arith.constant 0 : i32
    %dma_start3A_53 = tpu.memref_slice %arg9[%dma_start3A_51, %dma_start3A_52] : memref<128x128xf32, #tpu.memory_space<vmem>> -> memref<128x128xf32, #tpu.memory_space<vmem>>
    tpu.enqueue_dma source(%dma_start3A_53 : memref<128x128xf32, #tpu.memory_space<vmem>>) target(%dma_start3A_50 : memref<128x128xf32, #tpu.memory_space<hbm>>) target_semaphore(%arg12 : memref<!tpu.dma_semaphore, #tpu.memory_space<semaphore_mem>>)
    %add3A_54 = arith.constant 0 : i32
    %add3A_55 = arith.addi %mul3A_5, %add3A_54 : i32
    %dma_wait3A = arith.constant 0 : i32
    %dma_wait3A_56 = arith.constant 0 : i32
    %dma_wait3A_57 = tpu.memref_slice %arg8[%dma_wait3A, %dma_wait3A_56] : memref<128x128xf32, #tpu.memory_space<vmem>> -> memref<128x128xf32, #tpu.memory_space<vmem>>
    %dma_wait3A_58 = arith.constant 0 : i32
    %dma_wait3A_59 = tpu.memref_slice %arg5[%arg0, %add3A_55, %dma_wait3A_58] : memref<2x10112x128xf32, #tpu.memory_space<hbm>> -> memref<1x128x128xf32, #tpu.memory_space<hbm>>
    %dma_wait3A_60 = tpu.memref_squeeze %dma_wait3A_59 : memref<1x128x128xf32, #tpu.memory_space<hbm>> -> memref<128x128xf32, #tpu.memory_space<hbm>>
    %dma_wait3A_61 = arith.constant 0 : i32
    %dma_wait3A_62 = tpu.memref_slice %arg5[%arg0, %add3A_55, %dma_wait3A_61] : memref<2x10112x128xf32, #tpu.memory_space<hbm>> -> memref<1x128x128xf32, #tpu.memory_space<hbm>>
    %dma_wait3A_63 = tpu.memref_squeeze %dma_wait3A_62 : memref<1x128x128xf32, #tpu.memory_space<hbm>> -> memref<128x128xf32, #tpu.memory_space<hbm>>
    %dma_wait3A_64 = arith.constant 0 : i32
    %dma_wait3A_65 = arith.constant 0 : i32
    %dma_wait3A_66 = tpu.memref_slice %arg8[%dma_wait3A_64, %dma_wait3A_65] : memref<128x128xf32, #tpu.memory_space<vmem>> -> memref<128x128xf32, #tpu.memory_space<vmem>>
    tpu.wait_dma2 semaphore(%arg11 : memref<!tpu.dma_semaphore, #tpu.memory_space<semaphore_mem>>) src(%dma_wait3A_66 : memref<128x128xf32, #tpu.memory_space<vmem>>) dst(%dma_wait3A_63 : memref<128x128xf32, #tpu.memory_space<hbm>>)
    %add3A_67 = arith.constant 256 : i32
    %add3A_68 = arith.addi %mul3A_5, %add3A_67 : i32
    "tpu.region"() ({
      %run_scoped3A = tpu.sem_alloc : memref<!tpu.dma_semaphore, #tpu.memory_space<semaphore_mem>>
      %dma_start3A_171 = arith.constant 0 : i32
      %dma_start3A_172 = arith.constant 0 : i32
      %dma_start3A_173 = tpu.memref_slice %arg8[%dma_start3A_171, %dma_start3A_172] : memref<128x128xf32, #tpu.memory_space<vmem>> -> memref<128x128xf32, #tpu.memory_space<vmem>>
      %dma_start3A_174 = arith.constant 0 : i32
      %dma_start3A_175 = tpu.memref_slice %arg10[%add3A_68, %dma_start3A_174] : memref<10112x128xf32, #tpu.memory_space<vmem_shared>> -> memref<128x128xf32, #tpu.memory_space<vmem_shared>>
      %dma_start3A_176 = arith.constant 0 : i32
      %dma_start3A_177 = arith.constant 0 : i32
      %dma_start3A_178 = tpu.memref_slice %arg8[%dma_start3A_176, %dma_start3A_177] : memref<128x128xf32, #tpu.memory_space<vmem>> -> memref<128x128xf32, #tpu.memory_space<vmem>>
      %dma_start3A_179 = arith.constant 0 : i32
      %dma_start3A_180 = tpu.memref_slice %arg10[%add3A_68, %dma_start3A_179] : memref<10112x128xf32, #tpu.memory_space<vmem_shared>> -> memref<128x128xf32, #tpu.memory_space<vmem_shared>>
      tpu.enqueue_dma source(%dma_start3A_180 : memref<128x128xf32, #tpu.memory_space<vmem_shared>>) target(%dma_start3A_178 : memref<128x128xf32, #tpu.memory_space<vmem>>) target_semaphore(%run_scoped3A : memref<!tpu.dma_semaphore, #tpu.memory_space<semaphore_mem>>)
      %dma_wait3A_181 = arith.constant 0 : i32
      %dma_wait3A_182 = arith.constant 0 : i32
      %dma_wait3A_183 = tpu.memref_slice %arg8[%dma_wait3A_181, %dma_wait3A_182] : memref<128x128xf32, #tpu.memory_space<vmem>> -> memref<128x128xf32, #tpu.memory_space<vmem>>
      %dma_wait3A_184 = arith.constant 0 : i32
      %dma_wait3A_185 = tpu.memref_slice %arg10[%add3A_68, %dma_wait3A_184] : memref<10112x128xf32, #tpu.memory_space<vmem_shared>> -> memref<128x128xf32, #tpu.memory_space<vmem_shared>>
      %dma_wait3A_186 = arith.constant 0 : i32
      %dma_wait3A_187 = arith.constant 0 : i32
      %dma_wait3A_188 = tpu.memref_slice %arg8[%dma_wait3A_186, %dma_wait3A_187] : memref<128x128xf32, #tpu.memory_space<vmem>> -> memref<128x128xf32, #tpu.memory_space<vmem>>
      %dma_wait3A_189 = arith.constant 0 : i32
      %dma_wait3A_190 = tpu.memref_slice %arg10[%add3A_68, %dma_wait3A_189] : memref<10112x128xf32, #tpu.memory_space<vmem_shared>> -> memref<128x128xf32, #tpu.memory_space<vmem_shared>>
      tpu.wait_dma2 semaphore(%run_scoped3A : memref<!tpu.dma_semaphore, #tpu.memory_space<semaphore_mem>>) src(%dma_wait3A_190 : memref<128x128xf32, #tpu.memory_space<vmem_shared>>) dst(%dma_wait3A_188 : memref<128x128xf32, #tpu.memory_space<vmem>>)
      tpu.yield
    }) : () -> ()
    %add3A_69 = arith.constant 256 : i32
    %add3A_70 = arith.addi %mul3A_5, %add3A_69 : i32
    %dma_start3A_71 = arith.constant 0 : i32
    %dma_start3A_72 = arith.constant 0 : i32
    %dma_start3A_73 = tpu.memref_slice %arg8[%dma_start3A_71, %dma_start3A_72] : memref<128x128xf32, #tpu.memory_space<vmem>> -> memref<128x128xf32, #tpu.memory_space<vmem>>
    %dma_start3A_74 = arith.constant 0 : i32
    %dma_start3A_75 = tpu.memref_slice %arg5[%arg0, %add3A_70, %dma_start3A_74] : memref<2x10112x128xf32, #tpu.memory_space<hbm>> -> memref<1x128x128xf32, #tpu.memory_space<hbm>>
    %dma_start3A_76 = tpu.memref_squeeze %dma_start3A_75 : memref<1x128x128xf32, #tpu.memory_space<hbm>> -> memref<128x128xf32, #tpu.memory_space<hbm>>
    %dma_start3A_77 = arith.constant 0 : i32
    %dma_start3A_78 = tpu.memref_slice %arg5[%arg0, %add3A_70, %dma_start3A_77] : memref<2x10112x128xf32, #tpu.memory_space<hbm>> -> memref<1x128x128xf32, #tpu.memory_space<hbm>>
    %dma_start3A_79 = tpu.memref_squeeze %dma_start3A_78 : memref<1x128x128xf32, #tpu.memory_space<hbm>> -> memref<128x128xf32, #tpu.memory_space<hbm>>
    %dma_start3A_80 = arith.constant 0 : i32
    %dma_start3A_81 = arith.constant 0 : i32
    %dma_start3A_82 = tpu.memref_slice %arg8[%dma_start3A_80, %dma_start3A_81] : memref<128x128xf32, #tpu.memory_space<vmem>> -> memref<128x128xf32, #tpu.memory_space<vmem>>
    tpu.enqueue_dma source(%dma_start3A_82 : memref<128x128xf32, #tpu.memory_space<vmem>>) target(%dma_start3A_79 : memref<128x128xf32, #tpu.memory_space<hbm>>) target_semaphore(%arg11 : memref<!tpu.dma_semaphore, #tpu.memory_space<semaphore_mem>>)
    %add3A_83 = arith.constant 128 : i32
    %add3A_84 = arith.addi %mul3A_5, %add3A_83 : i32
    %dma_wait3A_85 = arith.constant 0 : i32
    %dma_wait3A_86 = arith.constant 0 : i32
    %dma_wait3A_87 = tpu.memref_slice %arg9[%dma_wait3A_85, %dma_wait3A_86] : memref<128x128xf32, #tpu.memory_space<vmem>> -> memref<128x128xf32, #tpu.memory_space<vmem>>
    %dma_wait3A_88 = arith.constant 0 : i32
    %dma_wait3A_89 = tpu.memref_slice %arg5[%arg0, %add3A_84, %dma_wait3A_88] : memref<2x10112x128xf32, #tpu.memory_space<hbm>> -> memref<1x128x128xf32, #tpu.memory_space<hbm>>
    %dma_wait3A_90 = tpu.memref_squeeze %dma_wait3A_89 : memref<1x128x128xf32, #tpu.memory_space<hbm>> -> memref<128x128xf32, #tpu.memory_space<hbm>>
    %dma_wait3A_91 = arith.constant 0 : i32
    %dma_wait3A_92 = tpu.memref_slice %arg5[%arg0, %add3A_84, %dma_wait3A_91] : memref<2x10112x128xf32, #tpu.memory_space<hbm>> -> memref<1x128x128xf32, #tpu.memory_space<hbm>>
    %dma_wait3A_93 = tpu.memref_squeeze %dma_wait3A_92 : memref<1x128x128xf32, #tpu.memory_space<hbm>> -> memref<128x128xf32, #tpu.memory_space<hbm>>
    %dma_wait3A_94 = arith.constant 0 : i32
    %dma_wait3A_95 = arith.constant 0 : i32
    %dma_wait3A_96 = tpu.memref_slice %arg9[%dma_wait3A_94, %dma_wait3A_95] : memref<128x128xf32, #tpu.memory_space<vmem>> -> memref<128x128xf32, #tpu.memory_space<vmem>>
    tpu.wait_dma2 semaphore(%arg12 : memref<!tpu.dma_semaphore, #tpu.memory_space<semaphore_mem>>) src(%dma_wait3A_96 : memref<128x128xf32, #tpu.memory_space<vmem>>) dst(%dma_wait3A_93 : memref<128x128xf32, #tpu.memory_space<hbm>>)
    %add3A_97 = arith.constant 384 : i32
    %add3A_98 = arith.addi %mul3A_5, %add3A_97 : i32
    "tpu.region"() ({
      %run_scoped3A = tpu.sem_alloc : memref<!tpu.dma_semaphore, #tpu.memory_space<semaphore_mem>>
      %dma_start3A_171 = arith.constant 0 : i32
      %dma_start3A_172 = arith.constant 0 : i32
      %dma_start3A_173 = tpu.memref_slice %arg9[%dma_start3A_171, %dma_start3A_172] : memref<128x128xf32, #tpu.memory_space<vmem>> -> memref<128x128xf32, #tpu.memory_space<vmem>>
      %dma_start3A_174 = arith.constant 0 : i32
      %dma_start3A_175 = tpu.memref_slice %arg10[%add3A_98, %dma_start3A_174] : memref<10112x128xf32, #tpu.memory_space<vmem_shared>> -> memref<128x128xf32, #tpu.memory_space<vmem_shared>>
      %dma_start3A_176 = arith.constant 0 : i32
      %dma_start3A_177 = arith.constant 0 : i32
      %dma_start3A_178 = tpu.memref_slice %arg9[%dma_start3A_176, %dma_start3A_177] : memref<128x128xf32, #tpu.memory_space<vmem>> -> memref<128x128xf32, #tpu.memory_space<vmem>>
      %dma_start3A_179 = arith.constant 0 : i32
      %dma_start3A_180 = tpu.memref_slice %arg10[%add3A_98, %dma_start3A_179] : memref<10112x128xf32, #tpu.memory_space<vmem_shared>> -> memref<128x128xf32, #tpu.memory_space<vmem_shared>>
      tpu.enqueue_dma source(%dma_start3A_180 : memref<128x128xf32, #tpu.memory_space<vmem_shared>>) target(%dma_start3A_178 : memref<128x128xf32, #tpu.memory_space<vmem>>) target_semaphore(%run_scoped3A : memref<!tpu.dma_semaphore, #tpu.memory_space<semaphore_mem>>)
      %dma_wait3A_181 = arith.constant 0 : i32
      %dma_wait3A_182 = arith.constant 0 : i32
      %dma_wait3A_183 = tpu.memref_slice %arg9[%dma_wait3A_181, %dma_wait3A_182] : memref<128x128xf32, #tpu.memory_space<vmem>> -> memref<128x128xf32, #tpu.memory_space<vmem>>
      %dma_wait3A_184 = arith.constant 0 : i32
      %dma_wait3A_185 = tpu.memref_slice %arg10[%add3A_98, %dma_wait3A_184] : memref<10112x128xf32, #tpu.memory_space<vmem_shared>> -> memref<128x128xf32, #tpu.memory_space<vmem_shared>>
      %dma_wait3A_186 = arith.constant 0 : i32
      %dma_wait3A_187 = arith.constant 0 : i32
      %dma_wait3A_188 = tpu.memref_slice %arg9[%dma_wait3A_186, %dma_wait3A_187] : memref<128x128xf32, #tpu.memory_space<vmem>> -> memref<128x128xf32, #tpu.memory_space<vmem>>
      %dma_wait3A_189 = arith.constant 0 : i32
      %dma_wait3A_190 = tpu.memref_slice %arg10[%add3A_98, %dma_wait3A_189] : memref<10112x128xf32, #tpu.memory_space<vmem_shared>> -> memref<128x128xf32, #tpu.memory_space<vmem_shared>>
      tpu.wait_dma2 semaphore(%run_scoped3A : memref<!tpu.dma_semaphore, #tpu.memory_space<semaphore_mem>>) src(%dma_wait3A_190 : memref<128x128xf32, #tpu.memory_space<vmem_shared>>) dst(%dma_wait3A_188 : memref<128x128xf32, #tpu.memory_space<vmem>>)
      tpu.yield
    }) : () -> ()
    %add3A_99 = arith.constant 384 : i32
    %add3A_100 = arith.addi %mul3A_5, %add3A_99 : i32
    %dma_start3A_101 = arith.constant 0 : i32
    %dma_start3A_102 = arith.constant 0 : i32
    %dma_start3A_103 = tpu.memref_slice %arg9[%dma_start3A_101, %dma_start3A_102] : memref<128x128xf32, #tpu.memory_space<vmem>> -> memref<128x128xf32, #tpu.memory_space<vmem>>
    %dma_start3A_104 = arith.constant 0 : i32
    %dma_start3A_105 = tpu.memref_slice %arg5[%arg0, %add3A_100, %dma_start3A_104] : memref<2x10112x128xf32, #tpu.memory_space<hbm>> -> memref<1x128x128xf32, #tpu.memory_space<hbm>>
    %dma_start3A_106 = tpu.memref_squeeze %dma_start3A_105 : memref<1x128x128xf32, #tpu.memory_space<hbm>> -> memref<128x128xf32, #tpu.memory_space<hbm>>
    %dma_start3A_107 = arith.constant 0 : i32
    %dma_start3A_108 = tpu.memref_slice %arg5[%arg0, %add3A_100, %dma_start3A_107] : memref<2x10112x128xf32, #tpu.memory_space<hbm>> -> memref<1x128x128xf32, #tpu.memory_space<hbm>>
    %dma_start3A_109 = tpu.memref_squeeze %dma_start3A_108 : memref<1x128x128xf32, #tpu.memory_space<hbm>> -> memref<128x128xf32, #tpu.memory_space<hbm>>
    %dma_start3A_110 = arith.constant 0 : i32
    %dma_start3A_111 = arith.constant 0 : i32
    %dma_start3A_112 = tpu.memref_slice %arg9[%dma_start3A_110, %dma_start3A_111] : memref<128x128xf32, #tpu.memory_space<vmem>> -> memref<128x128xf32, #tpu.memory_space<vmem>>
    tpu.enqueue_dma source(%dma_start3A_112 : memref<128x128xf32, #tpu.memory_space<vmem>>) target(%dma_start3A_109 : memref<128x128xf32, #tpu.memory_space<hbm>>) target_semaphore(%arg12 : memref<!tpu.dma_semaphore, #tpu.memory_space<semaphore_mem>>)
    %add3A_113 = arith.constant 256 : i32
    %add3A_114 = arith.addi %mul3A_5, %add3A_113 : i32
    %dma_wait3A_115 = arith.constant 0 : i32
    %dma_wait3A_116 = arith.constant 0 : i32
    %dma_wait3A_117 = tpu.memref_slice %arg8[%dma_wait3A_115, %dma_wait3A_116] : memref<128x128xf32, #tpu.memory_space<vmem>> -> memref<128x128xf32, #tpu.memory_space<vmem>>
    %dma_wait3A_118 = arith.constant 0 : i32
    %dma_wait3A_119 = tpu.memref_slice %arg5[%arg0, %add3A_114, %dma_wait3A_118] : memref<2x10112x128xf32, #tpu.memory_space<hbm>> -> memref<1x128x128xf32, #tpu.memory_space<hbm>>
    %dma_wait3A_120 = tpu.memref_squeeze %dma_wait3A_119 : memref<1x128x128xf32, #tpu.memory_space<hbm>> -> memref<128x128xf32, #tpu.memory_space<hbm>>
    %dma_wait3A_121 = arith.constant 0 : i32
    %dma_wait3A_122 = tpu.memref_slice %arg5[%arg0, %add3A_114, %dma_wait3A_121] : memref<2x10112x128xf32, #tpu.memory_space<hbm>> -> memref<1x128x128xf32, #tpu.memory_space<hbm>>
    %dma_wait3A_123 = tpu.memref_squeeze %dma_wait3A_122 : memref<1x128x128xf32, #tpu.memory_space<hbm>> -> memref<128x128xf32, #tpu.memory_space<hbm>>
    %dma_wait3A_124 = arith.constant 0 : i32
    %dma_wait3A_125 = arith.constant 0 : i32
    %dma_wait3A_126 = tpu.memref_slice %arg8[%dma_wait3A_124, %dma_wait3A_125] : memref<128x128xf32, #tpu.memory_space<vmem>> -> memref<128x128xf32, #tpu.memory_space<vmem>>
    tpu.wait_dma2 semaphore(%arg11 : memref<!tpu.dma_semaphore, #tpu.memory_space<semaphore_mem>>) src(%dma_wait3A_126 : memref<128x128xf32, #tpu.memory_space<vmem>>) dst(%dma_wait3A_123 : memref<128x128xf32, #tpu.memory_space<hbm>>)
    %add3A_127 = arith.constant 512 : i32
    %add3A_128 = arith.addi %mul3A_5, %add3A_127 : i32
    "tpu.region"() ({
      %run_scoped3A = tpu.sem_alloc : memref<!tpu.dma_semaphore, #tpu.memory_space<semaphore_mem>>
      %dma_start3A_171 = arith.constant 0 : i32
      %dma_start3A_172 = arith.constant 0 : i32
      %dma_start3A_173 = tpu.memref_slice %arg8[%dma_start3A_171, %dma_start3A_172] : memref<128x128xf32, #tpu.memory_space<vmem>> -> memref<120x128xf32, #tpu.memory_space<vmem>>
      %dma_start3A_174 = arith.constant 0 : i32
      %dma_start3A_175 = tpu.memref_slice %arg10[%add3A_128, %dma_start3A_174] : memref<10112x128xf32, #tpu.memory_space<vmem_shared>> -> memref<120x128xf32, #tpu.memory_space<vmem_shared>>
      %dma_start3A_176 = arith.constant 0 : i32
      %dma_start3A_177 = arith.constant 0 : i32
      %dma_start3A_178 = tpu.memref_slice %arg8[%dma_start3A_176, %dma_start3A_177] : memref<128x128xf32, #tpu.memory_space<vmem>> -> memref<120x128xf32, #tpu.memory_space<vmem>>
      %dma_start3A_179 = arith.constant 0 : i32
      %dma_start3A_180 = tpu.memref_slice %arg10[%add3A_128, %dma_start3A_179] : memref<10112x128xf32, #tpu.memory_space<vmem_shared>> -> memref<120x128xf32, #tpu.memory_space<vmem_shared>>
      tpu.enqueue_dma source(%dma_start3A_180 : memref<120x128xf32, #tpu.memory_space<vmem_shared>>) target(%dma_start3A_178 : memref<120x128xf32, #tpu.memory_space<vmem>>) target_semaphore(%run_scoped3A : memref<!tpu.dma_semaphore, #tpu.memory_space<semaphore_mem>>)
      %dma_wait3A_181 = arith.constant 0 : i32
      %dma_wait3A_182 = arith.constant 0 : i32
      %dma_wait3A_183 = tpu.memref_slice %arg8[%dma_wait3A_181, %dma_wait3A_182] : memref<128x128xf32, #tpu.memory_space<vmem>> -> memref<120x128xf32, #tpu.memory_space<vmem>>
      %dma_wait3A_184 = arith.constant 0 : i32
      %dma_wait3A_185 = tpu.memref_slice %arg10[%add3A_128, %dma_wait3A_184] : memref<10112x128xf32, #tpu.memory_space<vmem_shared>> -> memref<120x128xf32, #tpu.memory_space<vmem_shared>>
      %dma_wait3A_186 = arith.constant 0 : i32
      %dma_wait3A_187 = arith.constant 0 : i32
      %dma_wait3A_188 = tpu.memref_slice %arg8[%dma_wait3A_186, %dma_wait3A_187] : memref<128x128xf32, #tpu.memory_space<vmem>> -> memref<120x128xf32, #tpu.memory_space<vmem>>
      %dma_wait3A_189 = arith.constant 0 : i32
      %dma_wait3A_190 = tpu.memref_slice %arg10[%add3A_128, %dma_wait3A_189] : memref<10112x128xf32, #tpu.memory_space<vmem_shared>> -> memref<120x128xf32, #tpu.memory_space<vmem_shared>>
      tpu.wait_dma2 semaphore(%run_scoped3A : memref<!tpu.dma_semaphore, #tpu.memory_space<semaphore_mem>>) src(%dma_wait3A_190 : memref<120x128xf32, #tpu.memory_space<vmem_shared>>) dst(%dma_wait3A_188 : memref<120x128xf32, #tpu.memory_space<vmem>>)
      tpu.yield
    }) : () -> ()
    %add3A_129 = arith.constant 512 : i32
    %add3A_130 = arith.addi %mul3A_5, %add3A_129 : i32
    %dma_start3A_131 = arith.constant 0 : i32
    %dma_start3A_132 = arith.constant 0 : i32
    %dma_start3A_133 = tpu.memref_slice %arg8[%dma_start3A_131, %dma_start3A_132] : memref<128x128xf32, #tpu.memory_space<vmem>> -> memref<120x128xf32, #tpu.memory_space<vmem>>
    %dma_start3A_134 = arith.constant 0 : i32
    %dma_start3A_135 = tpu.memref_slice %arg5[%arg0, %add3A_130, %dma_start3A_134] : memref<2x10112x128xf32, #tpu.memory_space<hbm>> -> memref<1x120x128xf32, #tpu.memory_space<hbm>>
    %dma_start3A_136 = tpu.memref_squeeze %dma_start3A_135 : memref<1x120x128xf32, #tpu.memory_space<hbm>> -> memref<120x128xf32, #tpu.memory_space<hbm>>
    %dma_start3A_137 = arith.constant 0 : i32
    %dma_start3A_138 = tpu.memref_slice %arg5[%arg0, %add3A_130, %dma_start3A_137] : memref<2x10112x128xf32, #tpu.memory_space<hbm>> -> memref<1x120x128xf32, #tpu.memory_space<hbm>>
    %dma_start3A_139 = tpu.memref_squeeze %dma_start3A_138 : memref<1x120x128xf32, #tpu.memory_space<hbm>> -> memref<120x128xf32, #tpu.memory_space<hbm>>
    %dma_start3A_140 = arith.constant 0 : i32
    %dma_start3A_141 = arith.constant 0 : i32
    %dma_start3A_142 = tpu.memref_slice %arg8[%dma_start3A_140, %dma_start3A_141] : memref<128x128xf32, #tpu.memory_space<vmem>> -> memref<120x128xf32, #tpu.memory_space<vmem>>
    tpu.enqueue_dma source(%dma_start3A_142 : memref<120x128xf32, #tpu.memory_space<vmem>>) target(%dma_start3A_139 : memref<120x128xf32, #tpu.memory_space<hbm>>) target_semaphore(%arg11 : memref<!tpu.dma_semaphore, #tpu.memory_space<semaphore_mem>>)
    %add3A_143 = arith.constant 384 : i32
    %add3A_144 = arith.addi %mul3A_5, %add3A_143 : i32
    %dma_wait3A_145 = arith.constant 0 : i32
    %dma_wait3A_146 = arith.constant 0 : i32
    %dma_wait3A_147 = tpu.memref_slice %arg9[%dma_wait3A_145, %dma_wait3A_146] : memref<128x128xf32, #tpu.memory_space<vmem>> -> memref<128x128xf32, #tpu.memory_space<vmem>>
    %dma_wait3A_148 = arith.constant 0 : i32
    %dma_wait3A_149 = tpu.memref_slice %arg5[%arg0, %add3A_144, %dma_wait3A_148] : memref<2x10112x128xf32, #tpu.memory_space<hbm>> -> memref<1x128x128xf32, #tpu.memory_space<hbm>>
    %dma_wait3A_150 = tpu.memref_squeeze %dma_wait3A_149 : memref<1x128x128xf32, #tpu.memory_space<hbm>> -> memref<128x128xf32, #tpu.memory_space<hbm>>
    %dma_wait3A_151 = arith.constant 0 : i32
    %dma_wait3A_152 = tpu.memref_slice %arg5[%arg0, %add3A_144, %dma_wait3A_151] : memref<2x10112x128xf32, #tpu.memory_space<hbm>> -> memref<1x128x128xf32, #tpu.memory_space<hbm>>
    %dma_wait3A_153 = tpu.memref_squeeze %dma_wait3A_152 : memref<1x128x128xf32, #tpu.memory_space<hbm>> -> memref<128x128xf32, #tpu.memory_space<hbm>>
    %dma_wait3A_154 = arith.constant 0 : i32
    %dma_wait3A_155 = arith.constant 0 : i32
    %dma_wait3A_156 = tpu.memref_slice %arg9[%dma_wait3A_154, %dma_wait3A_155] : memref<128x128xf32, #tpu.memory_space<vmem>> -> memref<128x128xf32, #tpu.memory_space<vmem>>
    tpu.wait_dma2 semaphore(%arg12 : memref<!tpu.dma_semaphore, #tpu.memory_space<semaphore_mem>>) src(%dma_wait3A_156 : memref<128x128xf32, #tpu.memory_space<vmem>>) dst(%dma_wait3A_153 : memref<128x128xf32, #tpu.memory_space<hbm>>)
    %add3A_157 = arith.constant 512 : i32
    %add3A_158 = arith.addi %mul3A_5, %add3A_157 : i32
    %dma_wait3A_159 = arith.constant 0 : i32
    %dma_wait3A_160 = arith.constant 0 : i32
    %dma_wait3A_161 = tpu.memref_slice %arg8[%dma_wait3A_159, %dma_wait3A_160] : memref<128x128xf32, #tpu.memory_space<vmem>> -> memref<120x128xf32, #tpu.memory_space<vmem>>
    %dma_wait3A_162 = arith.constant 0 : i32
    %dma_wait3A_163 = tpu.memref_slice %arg5[%arg0, %add3A_158, %dma_wait3A_162] : memref<2x10112x128xf32, #tpu.memory_space<hbm>> -> memref<1x120x128xf32, #tpu.memory_space<hbm>>
    %dma_wait3A_164 = tpu.memref_squeeze %dma_wait3A_163 : memref<1x120x128xf32, #tpu.memory_space<hbm>> -> memref<120x128xf32, #tpu.memory_space<hbm>>
    %dma_wait3A_165 = arith.constant 0 : i32
    %dma_wait3A_166 = tpu.memref_slice %arg5[%arg0, %add3A_158, %dma_wait3A_165] : memref<2x10112x128xf32, #tpu.memory_space<hbm>> -> memref<1x120x128xf32, #tpu.memory_space<hbm>>
    %dma_wait3A_167 = tpu.memref_squeeze %dma_wait3A_166 : memref<1x120x128xf32, #tpu.memory_space<hbm>> -> memref<120x128xf32, #tpu.memory_space<hbm>>
    %dma_wait3A_168 = arith.constant 0 : i32
    %dma_wait3A_169 = arith.constant 0 : i32
    %dma_wait3A_170 = tpu.memref_slice %arg8[%dma_wait3A_168, %dma_wait3A_169] : memref<128x128xf32, #tpu.memory_space<vmem>> -> memref<120x128xf32, #tpu.memory_space<vmem>>
    tpu.wait_dma2 semaphore(%arg11 : memref<!tpu.dma_semaphore, #tpu.memory_space<semaphore_mem>>) src(%dma_wait3A_170 : memref<120x128xf32, #tpu.memory_space<vmem>>) dst(%dma_wait3A_167 : memref<120x128xf32, #tpu.memory_space<hbm>>)
    return
  }
}

module attributes {stable_mosaic.version = 14 : i64} {
  func.func @body(%arg0: memref<2x79x128xf32, #tpu.memory_space<vmem>>, %arg1: memref<79x128xf32, #tpu.memory_space<vmem>>) attributes {dimension_semantics = [], scalar_prefetch = 0 : i64, scratch_operands = 0 : i64, tpu.core_type = #tpu.core_type<tc>} {
    %get3A = arith.constant 0 : index
    %get3A_0 = arith.constant 0 : index
    %get3A_1 = arith.constant 0 : index
    %get3A_2 = vector.load %arg0[%get3A, %get3A_0, %get3A_1] : memref<2x79x128xf32, #tpu.memory_space<vmem>>, vector<1x79x128xf32>
    %get3A_3 = vector.shape_cast %get3A_2 : vector<1x79x128xf32> to vector<79x128xf32>
    %get3A_4 = arith.constant 1 : index
    %get3A_5 = arith.constant 0 : index
    %get3A_6 = arith.constant 0 : index
    %get3A_7 = vector.load %arg0[%get3A_4, %get3A_5, %get3A_6] : memref<2x79x128xf32, #tpu.memory_space<vmem>>, vector<1x79x128xf32>
    %get3A_8 = vector.shape_cast %get3A_7 : vector<1x79x128xf32> to vector<79x128xf32>
    %add3A = arith.addf %get3A_3, %get3A_8 : vector<79x128xf32>
    %add3A_9 = arith.constant 1.000000e+00 : f32
    %add3A_10 = vector.broadcast %add3A_9 : f32 to vector<79x128xf32>
    %add3A_11 = arith.addf %add3A, %add3A_10 : vector<79x128xf32>
    %rsqrt3A = math.rsqrt %add3A_11 : vector<79x128xf32>
    %swap3A = arith.constant 0 : index
    %swap3A_12 = arith.constant 0 : index
    %swap3A_13 = vector.load %arg1[%swap3A, %swap3A_12] : memref<79x128xf32, #tpu.memory_space<vmem>>, vector<79x128xf32>
    tpu.vector_store %arg1[%swap3A, %swap3A_12], %rsqrt3A {strides = array<i32>} : memref<79x128xf32, #tpu.memory_space<vmem>>, vector<79x128xf32>,
    return
  }
}

module attributes {stable_mosaic.version = 14 : i64} {
  func.func @body(%arg0: i32, %arg1: memref<400x128xf32, #tpu.memory_space<vmem>>, %arg2: memref<128x128xf32, #tpu.memory_space<vmem>>, %arg3: memref<400x1xf32, #tpu.memory_space<vmem>>, %arg4: memref<400x128xf32, #tpu.memory_space<vmem>>) attributes {dimension_semantics = [#tpu.dimension_semantics<arbitrary>], iteration_bounds = array<i64: 25>, scalar_prefetch = 0 : i64, scratch_operands = 0 : i64, tpu.core_type = #tpu.core_type<tc>, window_params = [{transform_indices = @transform_0, window_bounds = array<i64: 400, 128>}, {pipeline_mode = #tpu.pipeline_mode<synchronous>, transform_indices = @transform_1, window_bounds = array<i64: 128, 128>}, {transform_indices = @transform_2, window_bounds = array<i64: 400, 1>}, {transform_indices = @transform_3, window_bounds = array<i64: 400, 128>}]} {
    %get3A = arith.constant 0 : index
    %get3A_0 = arith.constant 0 : index
    %get3A_1 = vector.load %arg3[%get3A, %get3A_0] : memref<400x1xf32, #tpu.memory_space<vmem>>, vector<400x1xf32>
    %get3A_2 = arith.constant 0 : index
    %get3A_3 = arith.constant 0 : index
    %get3A_4 = vector.load %arg1[%get3A_2, %get3A_3] : memref<400x128xf32, #tpu.memory_space<vmem>>, vector<400x128xf32>
    %get3A_5 = arith.constant 0 : index
    %get3A_6 = arith.constant 0 : index
    %get3A_7 = vector.load %arg2[%get3A_5, %get3A_6] : memref<128x128xf32, #tpu.memory_space<vmem>>, vector<128x128xf32>
    %dot_general3A = arith.constant dense<0.000000e+00> : vector<400x128xf32>
    %dot_general3A_8 = tpu.matmul %get3A_4, %get3A_7, %dot_general3A {dimension_numbers = #tpu.dot_dimension_numbers<[1], [0], [0], [1], [0, 0, 1, 1], [], []>, transpose_lhs_hint = false} : vector<400x128xf32>, vector<128x128xf32>, vector<400x128xf32> -> vector<400x128xf32>
    %mul3A = vector.broadcast %get3A_1 : vector<400x1xf32> to vector<400x128xf32>
    %mul3A_9 = arith.mulf %mul3A, %dot_general3A_8 : vector<400x128xf32>
    %swap3A = arith.constant 0 : index
    %swap3A_10 = arith.constant 0 : index
    %swap3A_11 = vector.load %arg4[%swap3A, %swap3A_10] : memref<400x128xf32, #tpu.memory_space<vmem>>, vector<400x128xf32>
    tpu.vector_store %arg4[%swap3A, %swap3A_10], %mul3A_9 {strides = array<i32>} : memref<400x128xf32, #tpu.memory_space<vmem>>, vector<400x128xf32>,
    return
  }
  func.func @transform_0(%arg0: i32) -> (i32, i32) {
    %c0_i32 = arith.constant 0 : i32
    %c0_i32_0 = arith.constant 0 : i32
    return %arg0, %c0_i32 : i32, i32
  }
  func.func @transform_1(%arg0: i32) -> (i32, i32) {
    %c0_i32 = arith.constant 0 : i32
    %c0_i32_0 = arith.constant 0 : i32
    %c0_i32_1 = arith.constant 0 : i32
    return %c0_i32, %c0_i32_0 : i32, i32
  }
  func.func @transform_2(%arg0: i32) -> (i32, i32) {
    %c0_i32 = arith.constant 0 : i32
    %c0_i32_0 = arith.constant 0 : i32
    return %arg0, %c0_i32 : i32, i32
  }
  func.func @transform_3(%arg0: i32) -> (i32, i32) {
    %c0_i32 = arith.constant 0 : i32
    %c0_i32_0 = arith.constant 0 : i32
    return %arg0, %c0_i32 : i32, i32
  }
}

module attributes {stable_mosaic.version = 14 : i64} {
  func.func @body(%arg0: i32, %arg1: memref<2x400x128xf32, #tpu.memory_space<vmem>>, %arg2: memref<400x128xf32, #tpu.memory_space<vmem>>, %arg3: memref<400x1xf32, #tpu.memory_space<vmem>>, %arg4: memref<1x128xf32, #tpu.memory_space<vmem>>, %arg5: memref<1x128xf32, #tpu.memory_space<vmem>>, %arg6: memref<1x128xf32, #tpu.memory_space<vmem>>, %arg7: memref<128x128xf32, #tpu.memory_space<vmem>>, %arg8: memref<400x128xf32, #tpu.memory_space<vmem>>, %arg9: memref<400x128xf32, #tpu.memory_space<vmem>>) attributes {dimension_semantics = [#tpu.dimension_semantics<arbitrary>], iteration_bounds = array<i64: 25>, scalar_prefetch = 0 : i64, scratch_operands = 0 : i64, tpu.core_type = #tpu.core_type<tc>, window_params = [{transform_indices = @transform_0, window_bounds = array<i64: 2, 400, 128>}, {transform_indices = @transform_1, window_bounds = array<i64: 400, 128>}, {transform_indices = @transform_2, window_bounds = array<i64: 400, 1>}, {pipeline_mode = #tpu.pipeline_mode<synchronous>, transform_indices = @transform_3, window_bounds = array<i64: 1, 128>}, {pipeline_mode = #tpu.pipeline_mode<synchronous>, transform_indices = @transform_4, window_bounds = array<i64: 1, 128>}, {pipeline_mode = #tpu.pipeline_mode<synchronous>, transform_indices = @transform_5, window_bounds = array<i64: 1, 128>}, {pipeline_mode = #tpu.pipeline_mode<synchronous>, transform_indices = @transform_6, window_bounds = array<i64: 128, 128>}, {transform_indices = @transform_7, window_bounds = array<i64: 400, 128>}, {transform_indices = @transform_8, window_bounds = array<i64: 400, 128>}]} {
    %get3A = arith.constant 0 : index
    %get3A_0 = arith.constant 0 : index
    %get3A_1 = vector.load %arg3[%get3A, %get3A_0] : memref<400x1xf32, #tpu.memory_space<vmem>>, vector<400x1xf32>
    %get3A_2 = arith.constant 0 : index
    %get3A_3 = arith.constant 0 : index
    %get3A_4 = arith.constant 0 : index
    %get3A_5 = vector.load %arg1[%get3A_2, %get3A_3, %get3A_4] : memref<2x400x128xf32, #tpu.memory_space<vmem>>, vector<1x400x128xf32>
    %get3A_6 = vector.shape_cast %get3A_5 : vector<1x400x128xf32> to vector<400x128xf32>
    %get3A_7 = arith.constant 1 : index
    %get3A_8 = arith.constant 0 : index
    %get3A_9 = arith.constant 0 : index
    %get3A_10 = vector.load %arg1[%get3A_7, %get3A_8, %get3A_9] : memref<2x400x128xf32, #tpu.memory_space<vmem>>, vector<1x400x128xf32>
    %get3A_11 = vector.shape_cast %get3A_10 : vector<1x400x128xf32> to vector<400x128xf32>
    %add3A = arith.addf %get3A_6, %get3A_11 : vector<400x128xf32>
    %get3A_12 = arith.constant 0 : index
    %get3A_13 = arith.constant 0 : index
    %get3A_14 = vector.load %arg2[%get3A_12, %get3A_13] : memref<400x128xf32, #tpu.memory_space<vmem>>, vector<400x128xf32>
    %add3A_15 = arith.addf %add3A, %get3A_14 : vector<400x128xf32>
    %mul3A = vector.broadcast %get3A_1 : vector<400x1xf32> to vector<400x128xf32>
    %mul3A_16 = arith.mulf %mul3A, %add3A_15 : vector<400x128xf32>
    %get3A_17 = arith.constant 0 : index
    %get3A_18 = arith.constant 0 : index
    %get3A_19 = vector.load %arg4[%get3A_17, %get3A_18] : memref<1x128xf32, #tpu.memory_space<vmem>>, vector<1x128xf32>
    %add3A_20 = vector.broadcast %get3A_19 : vector<1x128xf32> to vector<400x128xf32>
    %add3A_21 = arith.addf %mul3A_16, %add3A_20 : vector<400x128xf32>
    %get3A_22 = arith.constant 0 : index
    %get3A_23 = arith.constant 0 : index
    %get3A_24 = vector.load %arg5[%get3A_22, %get3A_23] : memref<1x128xf32, #tpu.memory_space<vmem>>, vector<1x128xf32>
    %mul3A_25 = arith.constant 0.999994993 : f32
    %mul3A_26 = vector.broadcast %mul3A_25 : f32 to vector<1x128xf32>
    %mul3A_27 = arith.mulf %get3A_24, %mul3A_26 : vector<1x128xf32>
    %mul3A_28 = vector.broadcast %mul3A_27 : vector<1x128xf32> to vector<400x128xf32>
    %mul3A_29 = arith.mulf %add3A_21, %mul3A_28 : vector<400x128xf32>
    %get3A_30 = arith.constant 0 : index
    %get3A_31 = arith.constant 0 : index
    %get3A_32 = vector.load %arg6[%get3A_30, %get3A_31] : memref<1x128xf32, #tpu.memory_space<vmem>>, vector<1x128xf32>
    %add3A_33 = vector.broadcast %get3A_32 : vector<1x128xf32> to vector<400x128xf32>
    %add3A_34 = arith.addf %mul3A_29, %add3A_33 : vector<400x128xf32>
    %max3A = arith.constant 0.000000e+00 : f32
    %max3A_35 = vector.broadcast %max3A : f32 to vector<400x128xf32>
    %max3A_36 = arith.maximumf %add3A_34, %max3A_35 : vector<400x128xf32>
    %swap3A = arith.constant 0 : index
    %swap3A_37 = arith.constant 0 : index
    %swap3A_38 = vector.load %arg8[%swap3A, %swap3A_37] : memref<400x128xf32, #tpu.memory_space<vmem>>, vector<400x128xf32>
    tpu.vector_store %arg8[%swap3A, %swap3A_37], %max3A_36 {strides = array<i32>} : memref<400x128xf32, #tpu.memory_space<vmem>>, vector<400x128xf32>,
    %get3A_39 = arith.constant 0 : index
    %get3A_40 = arith.constant 0 : index
    %get3A_41 = vector.load %arg7[%get3A_39, %get3A_40] : memref<128x128xf32, #tpu.memory_space<vmem>>, vector<128x128xf32>
    %dot_general3A = arith.constant dense<0.000000e+00> : vector<400x128xf32>
    %dot_general3A_42 = tpu.matmul %max3A_36, %get3A_41, %dot_general3A {dimension_numbers = #tpu.dot_dimension_numbers<[1], [0], [0], [1], [0, 0, 1, 1], [], []>, transpose_lhs_hint = false} : vector<400x128xf32>, vector<128x128xf32>, vector<400x128xf32> -> vector<400x128xf32>
    %mul3A_43 = vector.broadcast %get3A_1 : vector<400x1xf32> to vector<400x128xf32>
    %mul3A_44 = arith.mulf %mul3A_43, %dot_general3A_42 : vector<400x128xf32>
    %swap3A_45 = arith.constant 0 : index
    %swap3A_46 = arith.constant 0 : index
    %swap3A_47 = vector.load %arg9[%swap3A_45, %swap3A_46] : memref<400x128xf32, #tpu.memory_space<vmem>>, vector<400x128xf32>
    tpu.vector_store %arg9[%swap3A_45, %swap3A_46], %mul3A_44 {strides = array<i32>} : memref<400x128xf32, #tpu.memory_space<vmem>>, vector<400x128xf32>,
    return
  }
  func.func @transform_0(%arg0: i32) -> (i32, i32, i32) {
    %c0_i32 = arith.constant 0 : i32
    %c0_i32_0 = arith.constant 0 : i32
    %c0_i32_1 = arith.constant 0 : i32
    return %c0_i32, %arg0, %c0_i32_0 : i32, i32, i32
  }
  func.func @transform_1(%arg0: i32) -> (i32, i32) {
    %c0_i32 = arith.constant 0 : i32
    %c0_i32_0 = arith.constant 0 : i32
    return %arg0, %c0_i32 : i32, i32
  }
  func.func @transform_2(%arg0: i32) -> (i32, i32) {
    %c0_i32 = arith.constant 0 : i32
    %c0_i32_0 = arith.constant 0 : i32
    return %arg0, %c0_i32 : i32, i32
  }
  func.func @transform_3(%arg0: i32) -> (i32, i32) {
    %c0_i32 = arith.constant 0 : i32
    %c0_i32_0 = arith.constant 0 : i32
    %c0_i32_1 = arith.constant 0 : i32
    return %c0_i32, %c0_i32_0 : i32, i32
  }
  func.func @transform_4(%arg0: i32) -> (i32, i32) {
    %c0_i32 = arith.constant 0 : i32
    %c0_i32_0 = arith.constant 0 : i32
    %c0_i32_1 = arith.constant 0 : i32
    return %c0_i32, %c0_i32_0 : i32, i32
  }
  func.func @transform_5(%arg0: i32) -> (i32, i32) {
    %c0_i32 = arith.constant 0 : i32
    %c0_i32_0 = arith.constant 0 : i32
    %c0_i32_1 = arith.constant 0 : i32
    return %c0_i32, %c0_i32_0 : i32, i32
  }
  func.func @transform_6(%arg0: i32) -> (i32, i32) {
    %c0_i32 = arith.constant 0 : i32
    %c0_i32_0 = arith.constant 0 : i32
    %c0_i32_1 = arith.constant 0 : i32
    return %c0_i32, %c0_i32_0 : i32, i32
  }
  func.func @transform_7(%arg0: i32) -> (i32, i32) {
    %c0_i32 = arith.constant 0 : i32
    %c0_i32_0 = arith.constant 0 : i32
    return %arg0, %c0_i32 : i32, i32
  }
  func.func @transform_8(%arg0: i32) -> (i32, i32) {
    %c0_i32 = arith.constant 0 : i32
    %c0_i32_0 = arith.constant 0 : i32
    return %arg0, %c0_i32 : i32, i32
  }
}

module attributes {stable_mosaic.version = 14 : i64} {
  func.func @body(%arg0: i32, %arg1: memref<2x400x128xf32, #tpu.memory_space<vmem>>, %arg2: memref<400x128xf32, #tpu.memory_space<vmem>>, %arg3: memref<400x128xf32, #tpu.memory_space<vmem>>, %arg4: memref<400x1xf32, #tpu.memory_space<vmem>>, %arg5: memref<1x128xf32, #tpu.memory_space<vmem>>, %arg6: memref<128x40xf32, #tpu.memory_space<vmem>>, %arg7: memref<1x40xf32, #tpu.memory_space<vmem>>, %arg8: memref<400x40xf32, #tpu.memory_space<vmem>>) attributes {dimension_semantics = [#tpu.dimension_semantics<arbitrary>], iteration_bounds = array<i64: 25>, scalar_prefetch = 0 : i64, scratch_operands = 0 : i64, tpu.core_type = #tpu.core_type<tc>, window_params = [{transform_indices = @transform_0, window_bounds = array<i64: 2, 400, 128>}, {transform_indices = @transform_1, window_bounds = array<i64: 400, 128>}, {transform_indices = @transform_2, window_bounds = array<i64: 400, 128>}, {transform_indices = @transform_3, window_bounds = array<i64: 400, 1>}, {pipeline_mode = #tpu.pipeline_mode<synchronous>, transform_indices = @transform_4, window_bounds = array<i64: 1, 128>}, {pipeline_mode = #tpu.pipeline_mode<synchronous>, transform_indices = @transform_5, window_bounds = array<i64: 128, 40>}, {pipeline_mode = #tpu.pipeline_mode<synchronous>, transform_indices = @transform_6, window_bounds = array<i64: 1, 40>}, {transform_indices = @transform_7, window_bounds = array<i64: 400, 40>}]} {
    %get3A = arith.constant 0 : index
    %get3A_0 = arith.constant 0 : index
    %get3A_1 = vector.load %arg4[%get3A, %get3A_0] : memref<400x1xf32, #tpu.memory_space<vmem>>, vector<400x1xf32>
    %get3A_2 = arith.constant 0 : index
    %get3A_3 = arith.constant 0 : index
    %get3A_4 = arith.constant 0 : index
    %get3A_5 = vector.load %arg1[%get3A_2, %get3A_3, %get3A_4] : memref<2x400x128xf32, #tpu.memory_space<vmem>>, vector<1x400x128xf32>
    %get3A_6 = vector.shape_cast %get3A_5 : vector<1x400x128xf32> to vector<400x128xf32>
    %get3A_7 = arith.constant 1 : index
    %get3A_8 = arith.constant 0 : index
    %get3A_9 = arith.constant 0 : index
    %get3A_10 = vector.load %arg1[%get3A_7, %get3A_8, %get3A_9] : memref<2x400x128xf32, #tpu.memory_space<vmem>>, vector<1x400x128xf32>
    %get3A_11 = vector.shape_cast %get3A_10 : vector<1x400x128xf32> to vector<400x128xf32>
    %add3A = arith.addf %get3A_6, %get3A_11 : vector<400x128xf32>
    %get3A_12 = arith.constant 0 : index
    %get3A_13 = arith.constant 0 : index
    %get3A_14 = vector.load %arg2[%get3A_12, %get3A_13] : memref<400x128xf32, #tpu.memory_space<vmem>>, vector<400x128xf32>
    %add3A_15 = arith.addf %add3A, %get3A_14 : vector<400x128xf32>
    %mul3A = vector.broadcast %get3A_1 : vector<400x1xf32> to vector<400x128xf32>
    %mul3A_16 = arith.mulf %mul3A, %add3A_15 : vector<400x128xf32>
    %get3A_17 = arith.constant 0 : index
    %get3A_18 = arith.constant 0 : index
    %get3A_19 = vector.load %arg5[%get3A_17, %get3A_18] : memref<1x128xf32, #tpu.memory_space<vmem>>, vector<1x128xf32>
    %add3A_20 = vector.broadcast %get3A_19 : vector<1x128xf32> to vector<400x128xf32>
    %add3A_21 = arith.addf %mul3A_16, %add3A_20 : vector<400x128xf32>
    %get3A_22 = arith.constant 0 : index
    %get3A_23 = arith.constant 0 : index
    %get3A_24 = vector.load %arg3[%get3A_22, %get3A_23] : memref<400x128xf32, #tpu.memory_space<vmem>>, vector<400x128xf32>
    %max3A = arith.maximumf %get3A_24, %add3A_21 : vector<400x128xf32>
    %get3A_25 = arith.constant 0 : index
    %get3A_26 = arith.constant 0 : index
    %get3A_27 = vector.load %arg6[%get3A_25, %get3A_26] : memref<128x40xf32, #tpu.memory_space<vmem>>, vector<128x40xf32>
    %dot_general3A = arith.constant dense<0.000000e+00> : vector<400x40xf32>
    %dot_general3A_28 = tpu.matmul %max3A, %get3A_27, %dot_general3A {dimension_numbers = #tpu.dot_dimension_numbers<[1], [0], [0], [1], [0, 0, 1, 1], [], []>, transpose_lhs_hint = false} : vector<400x128xf32>, vector<128x40xf32>, vector<400x40xf32> -> vector<400x40xf32>
    %get3A_29 = arith.constant 0 : index
    %get3A_30 = arith.constant 0 : index
    %get3A_31 = vector.load %arg7[%get3A_29, %get3A_30] : memref<1x40xf32, #tpu.memory_space<vmem>>, vector<1x40xf32>
    %add3A_32 = vector.broadcast %get3A_31 : vector<1x40xf32> to vector<400x40xf32>
    %add3A_33 = arith.addf %dot_general3A_28, %add3A_32 : vector<400x40xf32>
    %reduce_max3A = arith.constant dense<0xFF800000> : vector<400xf32>
    %reduce_max3A_34 = vector.multi_reduction <maximumf>, %add3A_33, %reduce_max3A [1] : vector<400x40xf32> to vector<400xf32>
    %broadcast_in_dim3A = vector.shape_cast %reduce_max3A_34 : vector<400xf32> to vector<400x1xf32>
    %sub3A = vector.broadcast %broadcast_in_dim3A : vector<400x1xf32> to vector<400x40xf32>
    %sub3A_35 = arith.subf %add3A_33, %sub3A : vector<400x40xf32>
    %exp3A = math.exp %sub3A_35 : vector<400x40xf32>
    %sub3A_36 = vector.broadcast %broadcast_in_dim3A : vector<400x1xf32> to vector<400x40xf32>
    %sub3A_37 = arith.subf %add3A_33, %sub3A_36 : vector<400x40xf32>
    %reduce_sum3A = arith.constant dense<0.000000e+00> : vector<400xf32>
    %reduce_sum3A_38 = vector.multi_reduction <add>, %exp3A, %reduce_sum3A [1] : vector<400x40xf32> to vector<400xf32>
    %broadcast_in_dim3A_39 = vector.shape_cast %reduce_sum3A_38 : vector<400xf32> to vector<400x1xf32>
    %log3A = math.log %broadcast_in_dim3A_39 : vector<400x1xf32>
    %sub3A_40 = vector.broadcast %log3A : vector<400x1xf32> to vector<400x40xf32>
    %sub3A_41 = arith.subf %sub3A_37, %sub3A_40 : vector<400x40xf32>
    %swap3A = arith.constant 0 : index
    %swap3A_42 = arith.constant 0 : index
    %swap3A_43 = vector.load %arg8[%swap3A, %swap3A_42] : memref<400x40xf32, #tpu.memory_space<vmem>>, vector<400x40xf32>
    tpu.vector_store %arg8[%swap3A, %swap3A_42], %sub3A_41 {strides = array<i32>} : memref<400x40xf32, #tpu.memory_space<vmem>>, vector<400x40xf32>,
    return
  }
  func.func @transform_0(%arg0: i32) -> (i32, i32, i32) {
    %c0_i32 = arith.constant 0 : i32
    %c0_i32_0 = arith.constant 0 : i32
    %c0_i32_1 = arith.constant 0 : i32
    return %c0_i32, %arg0, %c0_i32_0 : i32, i32, i32
  }
  func.func @transform_1(%arg0: i32) -> (i32, i32) {
    %c0_i32 = arith.constant 0 : i32
    %c0_i32_0 = arith.constant 0 : i32
    return %arg0, %c0_i32 : i32, i32
  }
  func.func @transform_2(%arg0: i32) -> (i32, i32) {
    %c0_i32 = arith.constant 0 : i32
    %c0_i32_0 = arith.constant 0 : i32
    return %arg0, %c0_i32 : i32, i32
  }
  func.func @transform_3(%arg0: i32) -> (i32, i32) {
    %c0_i32 = arith.constant 0 : i32
    %c0_i32_0 = arith.constant 0 : i32
    return %arg0, %c0_i32 : i32, i32
  }
  func.func @transform_4(%arg0: i32) -> (i32, i32) {
    %c0_i32 = arith.constant 0 : i32
    %c0_i32_0 = arith.constant 0 : i32
    %c0_i32_1 = arith.constant 0 : i32
    return %c0_i32, %c0_i32_0 : i32, i32
  }
  func.func @transform_5(%arg0: i32) -> (i32, i32) {
    %c0_i32 = arith.constant 0 : i32
    %c0_i32_0 = arith.constant 0 : i32
    %c0_i32_1 = arith.constant 0 : i32
    return %c0_i32, %c0_i32_0 : i32, i32
  }
  func.func @transform_6(%arg0: i32) -> (i32, i32) {
    %c0_i32 = arith.constant 0 : i32
    %c0_i32_0 = arith.constant 0 : i32
    %c0_i32_1 = arith.constant 0 : i32
    return %c0_i32, %c0_i32_0 : i32, i32
  }
  func.func @transform_7(%arg0: i32) -> (i32, i32) {
    %c0_i32 = arith.constant 0 : i32
    %c0_i32_0 = arith.constant 0 : i32
    return %arg0, %c0_i32 : i32, i32
  }
}

</mosaic_0001>

<sc_bundles>
// kernel: kernel.12.cloned.1.call-start
scs
__scs_entry_jumppad:
0x0: {  	(pc) =	sbr.rel $0x88, $3  }
0x1: {  	(tag) =	ssettag $0x0;
	lr =	simm.s32 $0x1  }
0x2: {  	[smem:$0x3F97] =	sst lr;
	_ =	strace $0xD0000000  }
0x3: {  	_ = 	snop  }
0x4: {  	_ = 	snop  }
0x5: {  	_ = 	snop  }
0x6: {  	_ = 	snop  }
0x7: {  	_ = 	snop  }
__scs_overlays_trampoline_lowered:
0x8: {  	[smem:$0x3FA6] =	sst s0  }
0x9: {  	[smem:$0x3FA7] =	sst s1  }
0xa: {  	[smem:$0x3FA8] =	sst s2  }
0xb: {  	[smem:$0x3FA9] =	sst s3  }
0xc: {  	[smem:$0x3FAA] =	sst s4  }
0xd: {  	[smem:$0x3FAB] =	sst s5  }
0xe: {  	[smem:$0x3FAC] =	sst s6  }
0xf: {  	[smem:$0x3FAD] =	sst s7  }
0x10: {  	[smem:$0x3FAE] =	sst s8  }
0x11: {  	[smem:$0x3FAF] =	sst s9;
	s0 =	simm.s32 @!p0 $0x0  }
0x12: {  	s1 =	sld [smem:$0x3F95];
	s0 =	simm.s32 @p0 $0x1  }
0x13: {  	[smem:$0x3FB0] =	sst s0;
	s0 =	simm.s32 @!p1 $0x0  }
0x14: {  	s2 =	sld [smem:$0x3F94];
	s0 =	simm.s32 @p1 $0x1  }
0x15: {  	[smem:$0x3FB1] =	sst s0;
	s0 =	simm.s32 @!p2 $0x0  }
0x16: {  	s3 =	sld [smem:$0x3FDB];
	s0 =	simm.s32 @p2 $0x1  }
0x17: {  	s4 =	simm.s32 $0x1BF5;
	[smem:$0x3FB3] =	sst s0  }
0x18: {  	s0 =	sld [smem:$0x3F96];
	_ =	swait.ge [sflag:s4], $0x0  }
0x19: {  	s7 =	sld [smem:$0x3F97]  }
0x1a: {  	s8 =	sadd.s32 $0xFFFFE003, lr  }
0x1b: {  	s9 =	sadd.s32 $0xFFFFFEF7, lr;
	s5 =	simm.s32 $0xFFFFFFFF;
	p2 =	slt.u32 s8, $0xFFFFF086  }
0x1c: {  	p1 =	slt.u32 s9, $0xF7A;
	s5 =	simm.s32 @!p2 $0x0  }
0x1d: {  	s5 =	simm.s32 @p1 $0x1;
	p0 =	seq.s32 s7, s2  }
0x1e: {  	s7 =	smul.u32 @!p0 $0xF7A, s2;
	p2 =	seq.s32 @!p0 s5, $0x0  }
0x1f: {  	s9 =	smul.u32 $0xF7A, s1;
	s8 =	simm.s32 @!p0 $0x1BF5;
	p2 =	por !p2, p0  }
0x20: {  	[sflag:s8] =	ssyncset.s32 @!p0 $0xFFFFF086;
	s6 =	sadd.s32 @!p0 s3, s7;
	s7 =	simm.s32 @!p0 $0x108  }
0x21: {  	s3 =	sadd.s32 s3, s9;
	s6 =	sadd.s32 @!p0 $0x88, s6;
	s7 =	simm.s32 @p2 $0x1082  }
0x22: {  	[simem:s7], [sflag:s8] =	dma.local @!p0 [hbm:s6], $0xF7A  }
0x23: {  	s9 =	sor.u32 $0xD0000000, s2;
	s6 =	simm.s32 $0x108;
	_ =	swait.ge @!p0 [sflag:s8], $0x0  }
0x24: {  	s3 =	sadd.s32 $0x88, s3;
	s6 =	simm.s32 @!p1 $0x1082;
	[sflag:s4] =	ssyncset.s32 $0xFFFFF086  }
0x25: {  	[simem:s6], [sflag:s4] =	dma.local [hbm:s3], $0xF7A  }
0x26: {  	[smem:$0x3F97] =	sst s1;
	(tag) =	ssettag s2;
	_ =	strace s9  }
0x27: {  	s1 =	sld [smem:$0x3FA7]  }
0x28: {  	s2 =	sld [smem:$0x3FA8]  }
0x29: {  	s4 =	sld [smem:$0x3FAA]  }
0x2a: {  	p0 =	seq.s32 s5, $0x0;
	s5 =	sld [smem:$0x3FAB]  }
0x2b: {  	s6 =	sld [smem:$0x3FAC]  }
0x2c: {  	s7 =	sld [smem:$0x3FAD]  }
0x2d: {  	s3 =	simm.s32 $0x108;
	s8 =	sld [smem:$0x3FAE]  }
0x2e: {  	s3 =	simm.s32 @!p0 $0x1082;
	s9 =	sld [smem:$0x3FAF]  }
0x2f: {  	lr =	sadd.s32 s0, s3;
	s0 =	sld [smem:$0x3FA6]  }
0x30: {  	s3 =	sld [smem:$0x3FA9]  }
0x31: {  	[smem:$0x3FB2] =	sst s10  }
0x32: {  	s10 =	sld [smem:$0x3FB0];
	_ =	sdelay $0x3  }
0x33: {  	p0 =	seq.s32 s10, $0x1;
	s10 =	sld [smem:$0x3FB2];
	_ =	sdelay $0x3  }
0x34: {  	[smem:$0x3FB2] =	sst s10  }
0x35: {  	s10 =	sld [smem:$0x3FB1];
	_ =	sdelay $0x3  }
0x36: {  	p1 =	seq.s32 s10, $0x1;
	s10 =	sld [smem:$0x3FB2];
	_ =	sdelay $0x3  }
0x37: {  	[smem:$0x3FB2] =	sst s10  }
0x38: {  	s10 =	sld [smem:$0x3FB3]  }
0x39: {  	_ = 	snop;
	(pc) =	sbr.ind lr, $3  }
0x3a: {  	_ = 	snop  }
0x3b: {  	_ = 	snop  }
0x3c: {  	p2 =	seq.s32 s10, $0x1;
	s10 =	sld [smem:$0x3FB2]  }
0x3d: {  	_ =	shalt  }
0x3e: {  	_ =	shalt  }
0x3f: {  	_ =	shalt  }
0x40: {  	_ =	shalt  }
0x41: {  	_ =	shalt  }
0x42: {  	_ =	shalt  }
0x43: {  	_ =	shalt  }
0x44: {  	_ =	shalt  }
0x45: {  	_ =	shalt  }
0x46: {  	_ =	shalt  }
0x47: {  	_ =	shalt  }
0x48: {  	_ =	shalt  }
0x49: {  	_ =	shalt  }
0x4a: {  	_ =	shalt  }
0x4b: {  	_ =	shalt  }
0x4c: {  	_ =	shalt  }
0x4d: {  	_ =	shalt  }
0x4e: {  	_ =	shalt  }
0x4f: {  	_ =	shalt  }
0x50: {  	_ =	shalt  }
0x51: {  	_ =	shalt  }
0x52: {  	_ =	shalt  }
0x53: {  	_ =	shalt  }
0x54: {  	_ =	shalt  }
0x55: {  	_ =	shalt  }
0x56: {  	_ =	shalt  }
0x57: {  	_ =	shalt  }
0x58: {  	_ =	shalt  }
0x59: {  	_ =	shalt  }
0x5a: {  	_ =	shalt  }
0x5b: {  	_ =	shalt  }
0x5c: {  	_ =	shalt  }
0x5d: {  	_ =	shalt  }
0x5e: {  	_ =	shalt  }
0x5f: {  	_ =	shalt  }
0x60: {  	_ =	shalt  }
0x61: {  	_ =	shalt  }
0x62: {  	_ =	shalt  }
0x63: {  	_ =	shalt  }
0x64: {  	_ =	shalt  }
0x65: {  	_ =	shalt  }
0x66: {  	_ =	shalt  }
0x67: {  	_ =	shalt  }
0x68: {  	_ =	shalt  }
0x69: {  	_ =	shalt  }
0x6a: {  	_ =	shalt  }
0x6b: {  	_ =	shalt  }
0x6c: {  	_ =	shalt  }
0x6d: {  	_ =	shalt  }
0x6e: {  	_ =	shalt  }
0x6f: {  	_ =	shalt  }
0x70: {  	_ =	shalt  }
0x71: {  	_ =	shalt  }
0x72: {  	_ =	shalt  }
0x73: {  	_ =	shalt  }
0x74: {  	_ =	shalt  }
0x75: {  	_ =	shalt  }
0x76: {  	_ =	shalt  }
0x77: {  	_ =	shalt  }
0x78: {  	_ =	shalt  }
0x79: {  	_ =	shalt  }
0x7a: {  	_ =	shalt  }
0x7b: {  	_ =	shalt  }
0x7c: {  	_ =	shalt  }
0x7d: {  	_ =	shalt  }
0x7e: {  	_ =	shalt  }
0x7f: {  	_ =	shalt  }
0x80: {  	_ =	shalt  }
0x81: {  	_ =	shalt  }
0x82: {  	_ =	shalt  }
0x83: {  	_ =	shalt  }
0x84: {  	_ =	shalt  }
0x85: {  	_ =	shalt  }
0x86: {  	_ =	shalt  }
0x87: {  	_ =	shalt  }
.Lfunc_end0:
.L_simem_size_0:
called_computation.1_lowered:
.L_overlay_start_0:
0x88: {  	s2 =	sld [smem:$0x3FD9]  }
0x89: {  	s3 =	sld [smem:$0x3FFE];
	_ =	sdelay $0x1  }
0x8a: {  	s1 =	srdreg.scid  }
0x8b: {  	s0 =	sand.u32 $0x1, s1  }
0x8c: {  	s17 =	sshll.u32 s0, $0xA;
	s2 =	sadd.s32 s3, s2  }
0x8d: {  	s2 =	sadd.s32 s2, s17  }
0x8e: {  	[smem:$0x3FBE] =	sst s2  }
0x8f: {  	_ = 	snop  }
0x90: {  	s2 =	sld [smem:$0x3FD0];
	(tm) =	ssettm $0x1  }
0x91: {  	s18 =	sld [smem:$0x3FFB];
	_ =	sdelay $0x3  }
0x92: {  	_ =	strace s18  }
0x93: {  	s3 =	sld [smem:$0x3FFC];
	_ =	sdelay $0x3  }
0x94: {  	_ =	strace s3  }
0x95: {  	s3 =	sld [smem:$0x3FFD];
	_ =	sdelay $0x3  }
0x96: {  	_ =	strace s3  }
0x97: {  	_ =	strace $0x8FFFFFFF  }
0x98: {  	s19 =	sld [smem:$0x3FDB];
	_ =	sdelay $0x1  }
0x99: {  	s4 =	simm.s32 $_scs_section_size  }
0x9a: {  	s5 =	simm.s32 $_size__tile_overlayer_lowered;
	s6 =	simm.s32 $_tile_overlayer_lowered  }
0x9b: {  	s22 =	simm.s32 $0x1BFF;
	s21 =	sshll.u32 s6, $0x1;
	s3 =	sadd.s32 s4, s19  }
0x9c: {  	s7 =	simm.s32 $0x0;
	s20 =	sshll.u32 s5, $0x1;
	s5 =	sadd.s32 s21, s3  }
0x9d: {  	[timem:s7], [sflag:s22] =	dma.local [hbm:s5], s20  }
0x9e: {  	_ =	swait.ge [sflag:s22], s20  }
0x9f: {  	s4 =	ssub.s32 $0x0, s20;
	[sflag:s22] =	ssyncset.done $0x0  }
0xa0: {  	[sflag:s22] =	ssyncadd.s32 s4;
	_ =	sdelay $0x1  }
0xa1: {  	s23 =	simm.s32 $0x1B8B  }
0xa2: {  	_ =	swait.ge [sflag:s23], $0x1  }
0xa3: {  	[sflag:s23] =	ssyncset.done $0x0  }
0xa4: {  	s25 =	simm.s32 $0x1B8E;
	s24 =	sld [smem:$0x3FFE];
	[sflag:s23] =	ssyncadd.s32 $0xFFFFFFFF  }
0xa5: {  	s26 =	simm.s32 $execute0_lowered;
	[smem:$0x3FD2] =	sst s25  }
0xa6: {  	s5 =	sshll.u32 s26, $0x1;
	_ =	strace $0x80000049;
	[dreg:$0x1] =	wrdreg $0xFFFFFFFF  }
0xa7: {  	s28 =	simm.s32 $_size_execute0_lowered;
	s3 =	sadd.s32 s3, s5;
	[dreg:$0x0] =	wrdreg $0x0  }
0xa8: {  	s5 =	sshll.u32 s28, $0x1;
	[dreg:$0x2] =	wrdreg s3  }
0xa9: {  	[dreg:$0x3] =	wrdreg s5  }
0xaa: {  	[dreg:$0x4] =	wrdreg $0xC0  }
0xab: {  	_ =	task [dreg:s7], $0x5FFFF  }
0xac: {  	[dreg:$0x1] =	wrdreg $0xFFFFFFFF  }
0xad: {  	[dreg:$0x0] =	wrdreg $0x60  }
0xae: {  	[dreg:$0x2] =	wrdreg s24  }
0xaf: {  	[dreg:$0x3] =	wrdreg s2  }
0xb0: {  	[dreg:$0x4] =	wrdreg $0x88000  }
0xb1: {  	[dreg:$0x5] =	wrdreg $0x9  }
0xb2: {  	_ =	task.clear_ibuf [dreg:s7], $0x6FFFF;
	_ =	strace $0x90000049  }
0xb3: {  	s29 =	simm.s32 $0x9;
	_ =	strace $0x8000004B  }
0xb4: {  	_ =	swait.ge [sflag:s29], $0x1  }
0xb5: {  	[sflag:s29] =	ssyncadd.s32 $0xFFFFFFFF  }
0xb6: {  	_ =	strace $0x9000004B  }
0xb7: {  	_ =	sfence  }
0xb8: {  	s30 =	sld [smem:$0x0];
	_ =	sdelay $0x2  }
0xb9: {  	s31 =	sshll.u32 s1, $0xD;
	s1 =	sshrl.u32 s1, $0x2  }
0xba: {  	s3 =	sand.u32 $0x4000, s31;
	s1 =	sadd.s32 s1, s30  }
0xbb: {  	s0 =	sor.u32 s3, s0;
	s1 =	sshll.u32 s1, $0x11  }
0xbc: {  	s0 =	sor.u32 s1, s0  }
0xbd: {  	s0 =	sadd.s32 $0x8F2B, s0  }
0xbe: {  	[sflag:s0] =	ssyncadd.remote.s32 $0x1  }
0xbf: {  	_ =	sfence.sel $0xFFFF  }
0xc0: {  	[dreg:$0x0] =	wrdreg $0xFFFFFFFF;
	(pc) =	sbr.abs _section_cstart, $3  }
0xc1: {  	[dreg:$0x1] =	wrdreg $0xFFFFFFFF  }
0xc2: {  	_ =	task.clear_ibuf [dreg:s7], $0x2FFFF;
	_ =	strace $0x9FFFFFFF  }
0xc3: {  	(tm) =	ssettm $0x7FFFFFFF  }
tec
execute0_lowered:
.L_overlay_start_1:
0x0: {  	(tag) =	ssettag $0x1  }
0x1: {  	s0 =	rddreg [dreg:$0x0]  }
0x2: {  	s12 =	rddreg [dreg:$0x1]  }
0x3: {  	s2 =	rddreg [dreg:$0x2];
	s4 =	simm.s32 $0x0;
	s1 =	srdreg.scid  }
0x4: {  	s13 =	stileid.u32;
	s28 =	simm.s32 $0x4800;
	s29 =	simm.s32 $0x2  }
0x5: {  	s30 =	simm.s32 $0x480;
	s31 =	simm.s32 $0x100;
	[smem:$0x7FF] =	sst s4  }
0x6: {  	s1 =	sand.u32 $0x1, s1;
	s3 =	smul.u32 $0x4F000, s13;
	s5 =	sadd.s32 $0xD400, s0  }
0x7: {  	s7 =	smul.u32 $0x13C00, s13;
	s22 =	sadd.s32 $0x3400, s0;
	s0 =	sadd.s32 $0x34600, s0  }
0x8: {  	s15 =	sshll.u32 s13, $0x8;
	_ =	strace $0x8000004A;
	s6 =	ssub.s32 $0x2, s1  }
0x9: {  	s11 =	smul.u32 $0x13C000, s1;
	p0 =	seq.s32 s1, $0x1;
	s1 =	sor.u32 $0x9000, s15  }
0xa: {  	s15 =	simm.s32 $0x600;
	[dreg:$0x4] =	wrdreg s22;
	s8 =	sshrl.u32 s6, $0x1  }
0xb: {  	s3 =	sshrl.u32 s3, $0x2;
	s21 =	sadd.s32 $0x4000, s7;
	s24 =	sadd.s32 $0x8000, s7  }
0xc: {  	s9 =	sadd.s32 $0xC000, s7;
	s10 =	sadd.s32 $0x10000, s7;
	[dreg:$0xa] =	wrdreg s1  }
0xd: {  	s6 =	ssub.s32 s6, s8;
	s3 =	sadd.s32 s3, s2;
	s23 =	sadd.s32 s21, s2  }
0xe: {  	s14 =	sadd.s32 s24, s2;
	s25 =	sadd.s32 s9, s2;
	[dreg:$0x5] =	wrdreg s3  }
0xf: {  	s26 =	sadd.s32 s10, s2;
	s7 =	sadd.s32 s7, s11;
	[dreg:$0x6] =	wrdreg s23  }
0x10: {  	s17 =	sadd.s32 s11, s21;
	s20 =	sadd.s32 s11, s9;
	[dreg:$0x7] =	wrdreg s14  }
0x11: {  	s21 =	sadd.s32 s11, s10;
	s8 =	simm.s32 $0x380;
	[dreg:$0x8] =	wrdreg s25  }
0x12: {  	s9 =	simm.s32 $0x780;
	s10 =	simm.s32 $0x80;
	[dreg:$0x9] =	wrdreg s26  }
0x13: {  	s16 =	sshrl.u32 s7, $0x3;
	s18 =	sshrl.u32 s17, $0x3;
	s3 =	sadd.s32 s11, s24  }
0x14: {  	s23 =	smul.u32 $0x900, s13;
	s25 =	sshrl.u32 s21, $0x3;
	s26 =	smax.u32 s6, $0x1  }
0x15: {  	s21 =	simm.s32 $0x800;
	s13 =	simm.s32 $0x580;
	s14 =	simm.s32 $0x200  }
0x16: {  	s17 =	simm.s32 $0x680;
	s7 =	simm.s32 $0x700;
	s6 =	simm.s32 $0x0  }
0x17: {  	s1 =	sadd.s32 s0, s16;
	s19 =	sshrl.u32 s3, $0x3;
	s3 =	sshrl.u32 s20, $0x3  }
0x18: {  	[dreg:$0x10] =	wrdreg s26;
	s26 =	simm.s32 $0x1;
	s16 =	simm.s32 $0x280  }
0x19: {  	[dreg:$0xb] =	wrdreg s1;
	s1 =	sadd.s32 s0, s18;
	s24 =	sadd.s32 s0, s3  }
.Ltmp0:
0x1a: {  	s20 =	sadd.s32 s23, s12;
	s3 =	simm.s32 $0x180;
	(pc) =	sbr.rel .LBB2_1-.Ltmp0, $4  }
0x1b: {  	s18 =	simm.s32 $0x300;
	[dreg:$0xc] =	wrdreg s1;
	s1 =	sadd.s32 s0, s19  }
0x1c: {  	[dreg:$0xe] =	wrdreg s24;
	s0 =	sadd.s32 s0, s25;
	s19 =	sadd.s32 s23, s22  }
0x1d: {  	s23 =	simm.s32 $0x400;
	s24 =	simm.s32 $0x3;
	[dreg:$0xd] =	wrdreg s1  }
0x1e: {  	v0 =	vimm.f32 $0.0e+00;
	s25 =	simm.s32 $0x4;
	[dreg:$0xf] =	wrdreg s0;
	s0 =	simm.s32 $0x500  }
.LBB2_6:
0x1f: {  	s1 =	sadd.s32 s11, s20;
	[sflag:s25] =	ssyncadd.s32 $0xFFFFC000  }
0x20: {  	[tilespmem:s4], [sflag:$0x3] =	stream.linear.gather [hbm4b:s1+s4], $0x400, $0x38;
	[tilespmem:$0x1C400] =	vst v63  }
0x21: {  	s22 =	sadd.s32 s11, s19  }
0x22: {  	[tilespmem:s23], [sflag:$0x4] =	stream.linear.gather [hbm4b:s22+s4], $0x400, $0x38;
	[tilespmem:$0x1C400] =	vst v63  }
0x23: {  	_ =	swait.ge [sflag:s24], $0x400  }
0x24: {  	[sflag:s24] =	ssyncset.done $0x0  }
0x25: {  	[sflag:s24] =	ssyncadd.s32 $0xFFFFFC00  }
0x26: {  	[tilespmem:s21], [sflag:$0x1] =	stream.indirect.gather [hbm4b:s5+s10], $0x80, s4, s10, $0xb8;
	[tilespmem:$0x1C400] =	vst v63  }
0x27: {  	_ =	swait.ge [sflag:s25], $0x400  }
0x28: {  	[sflag:s25] =	ssyncset.done $0x0  }
0x29: {  	[sflag:s25] =	ssyncadd.s32 $0xFFFFFC00  }
0x2a: {  	_ =	swait.ge [sflag:s26], $0x4000  }
0x2b: {  	[sflag:s26] =	ssyncset.done $0x0  }
0x2c: {  	[sflag:s26] =	ssyncadd.s32 $0xFFFFC000  }
0x2d: {  	[spmem:s2] =	stream.indirect.scatter.add.f32 [tilespmem:s21], [sflag:$0x3], $0x80, s23, s10, $0xb8;
	[tilespmem:$0x1C400] =	vst v63  }
0x2e: {  	_ = 	snop  }
0x2f: {  	[tilespmem:s28], [sflag:$0x2] =	stream.indirect.gather [hbm4b:s5+s10], $0x80, s10, s10, $0xb8;
	[tilespmem:$0x1C400] =	vst v63  }
0x30: {  	_ =	swait.ge [sflag:s29], $0x4000  }
0x31: {  	[sflag:s29] =	ssyncset.done $0x0  }
0x32: {  	[sflag:s29] =	ssyncadd.s32 $0xFFFFC000  }
0x33: {  	[spmem:s2] =	stream.indirect.scatter.add.f32 [tilespmem:s28], [sflag:$0x4], $0x80, s30, s10, $0xb8;
	[tilespmem:$0x1C400] =	vst v63  }
0x34: {  	_ =	swait.ge [sflag:s24], $0x4000  }
0x35: {  	[sflag:s24] =	ssyncset.done $0x0  }
0x36: {  	[sflag:s24] =	ssyncadd.s32 $0xFFFFC000  }
0x37: {  	[tilespmem:s21], [sflag:$0x1] =	stream.indirect.gather [hbm4b:s5+s10], $0x80, s31, s10, $0xb8;
	[tilespmem:$0x1C400] =	vst v63  }
0x38: {  	_ =	swait.ge [sflag:s26], $0x4000  }
0x39: {  	[sflag:s26] =	ssyncset.done $0x0  }
0x3a: {  	[sflag:s26] =	ssyncadd.s32 $0xFFFFC000  }
0x3b: {  	[spmem:s2] =	stream.indirect.scatter.add.f32 [tilespmem:s21], [sflag:$0x3], $0x80, s0, s10, $0xb8;
	[tilespmem:$0x1C400] =	vst v63  }
0x3c: {  	_ =	swait.ge [sflag:s25], $0x4000  }
0x3d: {  	[sflag:s25] =	ssyncset.done $0x0  }
0x3e: {  	[sflag:s25] =	ssyncadd.s32 $0xFFFFC000  }
0x3f: {  	[tilespmem:s28], [sflag:$0x2] =	stream.indirect.gather [hbm4b:s5+s10], $0x80, s3, s10, $0xb8;
	[tilespmem:$0x1C400] =	vst v63  }
0x40: {  	_ =	swait.ge [sflag:s29], $0x4000  }
0x41: {  	[sflag:s29] =	ssyncset.done $0x0  }
0x42: {  	[sflag:s29] =	ssyncadd.s32 $0xFFFFC000  }
0x43: {  	[spmem:s2] =	stream.indirect.scatter.add.f32 [tilespmem:s28], [sflag:$0x4], $0x80, s13, s10, $0xb8;
	[tilespmem:$0x1C400] =	vst v63  }
0x44: {  	_ =	swait.ge [sflag:s24], $0x4000  }
0x45: {  	[sflag:s24] =	ssyncset.done $0x0  }
0x46: {  	[sflag:s24] =	ssyncadd.s32 $0xFFFFC000  }
0x47: {  	[tilespmem:s21], [sflag:$0x1] =	stream.indirect.gather [hbm4b:s5+s10], $0x80, s14, s10, $0xb8;
	[tilespmem:$0x1C400] =	vst v63  }
0x48: {  	_ =	swait.ge [sflag:s26], $0x4000  }
0x49: {  	[sflag:s26] =	ssyncset.done $0x0  }
0x4a: {  	[sflag:s26] =	ssyncadd.s32 $0xFFFFC000  }
0x4b: {  	[spmem:s2] =	stream.indirect.scatter.add.f32 [tilespmem:s21], [sflag:$0x3], $0x80, s15, s10, $0xb8;
	[tilespmem:$0x1C400] =	vst v63  }
0x4c: {  	_ =	swait.ge [sflag:s25], $0x4000  }
0x4d: {  	[sflag:s25] =	ssyncset.done $0x0  }
0x4e: {  	[sflag:s25] =	ssyncadd.s32 $0xFFFFC000  }
0x4f: {  	[tilespmem:s28], [sflag:$0x2] =	stream.indirect.gather [hbm4b:s5+s10], $0x80, s16, s10, $0xb8;
	[tilespmem:$0x1C400] =	vst v63  }
0x50: {  	_ =	swait.ge [sflag:s29], $0x4000  }
0x51: {  	[sflag:s29] =	ssyncset.done $0x0  }
0x52: {  	[sflag:s29] =	ssyncadd.s32 $0xFFFFC000  }
0x53: {  	[spmem:s2] =	stream.indirect.scatter.add.f32 [tilespmem:s28], [sflag:$0x4], $0x80, s17, s10, $0xb8;
	[tilespmem:$0x1C400] =	vst v63  }
0x54: {  	_ =	swait.ge [sflag:s24], $0x4000  }
0x55: {  	[sflag:s24] =	ssyncset.done $0x0  }
0x56: {  	[sflag:s24] =	ssyncadd.s32 $0xFFFFC000  }
0x57: {  	[tilespmem:s21], [sflag:$0x1] =	stream.indirect.gather [hbm4b:s5+s10], $0x80, s18, s10, $0xb8;
	[tilespmem:$0x1C400] =	vst v63  }
0x58: {  	_ =	swait.ge [sflag:s26], $0x4000  }
0x59: {  	[sflag:s26] =	ssyncset.done $0x0  }
0x5a: {  	[sflag:s26] =	ssyncadd.s32 $0xFFFFC000  }
0x5b: {  	[spmem:s2] =	stream.indirect.scatter.add.f32 [tilespmem:s21], [sflag:$0x3], $0x80, s7, s10, $0xb8;
	[tilespmem:$0x1C400] =	vst v63  }
0x5c: {  	_ =	swait.ge [sflag:s25], $0x4000  }
0x5d: {  	[sflag:s25] =	ssyncset.done $0x0  }
0x5e: {  	[sflag:s25] =	ssyncadd.s32 $0xFFFFC000  }
0x5f: {  	[tilespmem:s28], [sflag:$0x2] =	stream.indirect.gather [hbm4b:s5+s10], $0x80, s8, s10, $0xb8;
	[tilespmem:$0x1C400] =	vst v63  }
0x60: {  	_ =	swait.ge [sflag:s29], $0x4000  }
0x61: {  	[sflag:s29] =	ssyncset.done $0x0  }
0x62: {  	[sflag:s29] =	ssyncadd.s32 $0xFFFFC000  }
0x63: {  	[spmem:s2] =	stream.indirect.scatter.add.f32 [tilespmem:s28], [sflag:$0x4], $0x80, s9, s10, $0xb8;
	[tilespmem:$0x1C400] =	vst v63  }
0x64: {  	_ =	swait.ge [sflag:s24], $0x4000  }
0x65: {  	[sflag:s24] =	ssyncset.done $0x0  }
0x66: {  	[sflag:s24] =	ssyncadd.s32 $0xFFFFC000  }
0x67: {  	_ =	swait.ge [sflag:s25], $0x4000  }
0x68: {  	[sflag:s25] =	ssyncset.done $0x0  }
0x69: {  	[sflag:s25] =	ssyncadd.s32 $0xFFFFC000  }
0x6a: {  	s12 =	rddreg [dreg:$0x1]  }
.LBB2_8:
0x6b: {  	[bflag:$0x0] =	sbarrier.arrive $0xFFFF  }
0x6c: {  	s6 =	simm.s32 $0x5;
	s1 =	rddreg [dreg:$0x5]  }
0x6d: {  	[tilespmem:s21], [sflag:$0x5] =	stream.linear.gather [spmem:s1], $0x4000, $0x38;
	[tilespmem:$0x1C400] =	vst v63  }
0x6e: {  	_ =	swait.ge [sflag:s6], $0x4000  }
0x6f: {  	[sflag:s6] =	ssyncset.done $0x0  }
0x70: {  	s11 =	rddreg [dreg:$0xb];
	[sflag:s6] =	ssyncadd.s32 $0xFFFFC000  }
0x71: {  	[hbm4b:s11+s4] =	stream.linear.scatter [tilespmem:s21], [sflag:$0x1], $0x4000, $0x38;
	[tilespmem:$0x1C400] =	vst v63  }
0x72: {  	s22 =	rddreg [dreg:$0x6]  }
0x73: {  	[tilespmem:s28], [sflag:$0x5] =	stream.linear.gather [spmem:s22], $0x4000, $0x38;
	[tilespmem:$0x1C400] =	vst v63  }
0x74: {  	_ =	swait.ge [sflag:s6], $0x4000  }
0x75: {  	[sflag:s6] =	ssyncset.done $0x0  }
0x76: {  	s11 =	rddreg [dreg:$0xc];
	[sflag:s6] =	ssyncadd.s32 $0xFFFFC000  }
0x77: {  	[hbm4b:s11+s4] =	stream.linear.scatter [tilespmem:s28], [sflag:$0x2], $0x4000, $0x38;
	[tilespmem:$0x1C400] =	vst v63  }
0x78: {  	_ =	swait.ge [sflag:s26], $0x4000  }
0x79: {  	[sflag:s26] =	ssyncset.done $0x0  }
0x7a: {  	s22 =	rddreg [dreg:$0x7];
	[sflag:s26] =	ssyncadd.s32 $0xFFFFC000  }
0x7b: {  	[tilespmem:s21], [sflag:$0x5] =	stream.linear.gather [spmem:s22], $0x4000, $0x38;
	[tilespmem:$0x1C400] =	vst v63  }
0x7c: {  	_ =	swait.ge [sflag:s6], $0x4000  }
0x7d: {  	[sflag:s6] =	ssyncset.done $0x0  }
0x7e: {  	s11 =	rddreg [dreg:$0xd];
	[sflag:s6] =	ssyncadd.s32 $0xFFFFC000  }
0x7f: {  	[hbm4b:s11+s4] =	stream.linear.scatter [tilespmem:s21], [sflag:$0x1], $0x4000, $0x38;
	[tilespmem:$0x1C400] =	vst v63  }
0x80: {  	_ =	swait.ge [sflag:s29], $0x4000  }
0x81: {  	[sflag:s29] =	ssyncset.done $0x0  }
0x82: {  	s22 =	rddreg [dreg:$0x8];
	[sflag:s29] =	ssyncadd.s32 $0xFFFFC000  }
0x83: {  	[tilespmem:s28], [sflag:$0x5] =	stream.linear.gather [spmem:s22], $0x4000, $0x38;
	[tilespmem:$0x1C400] =	vst v63  }
0x84: {  	_ =	swait.ge [sflag:s6], $0x4000  }
0x85: {  	[sflag:s6] =	ssyncset.done $0x0  }
0x86: {  	s11 =	rddreg [dreg:$0xe];
	[sflag:s6] =	ssyncadd.s32 $0xFFFFC000  }
0x87: {  	[hbm4b:s11+s4] =	stream.linear.scatter [tilespmem:s28], [sflag:$0x2], $0x4000, $0x38;
	[tilespmem:$0x1C400] =	vst v63  }
0x88: {  	_ =	swait.ge [sflag:s26], $0x4000  }
0x89: {  	[sflag:s26] =	ssyncset.done $0x0  }
0x8a: {  	s22 =	rddreg [dreg:$0x9];
	[sflag:s26] =	ssyncadd.s32 $0xFFFFC000  }
0x8b: {  	[tilespmem:s21], [sflag:$0x5] =	stream.linear.gather [spmem:s22], $0x3C00, $0x38;
	[tilespmem:$0x1C400] =	vst v63  }
0x8c: {  	_ =	swait.ge [sflag:s6], $0x3C00  }
0x8d: {  	[sflag:s6] =	ssyncset.done $0x0  }
0x8e: {  	[sflag:s6] =	ssyncadd.s32 $0xFFFFC400;
	s6 =	rddreg [dreg:$0xf]  }
0x8f: {  	[hbm4b:s6+s4] =	stream.linear.scatter [tilespmem:s21], [sflag:$0x1], $0x3C00, $0x38;
	[tilespmem:$0x1C400] =	vst v63  }
0x90: {  	_ =	swait.ge [sflag:s29], $0x4000  }
0x91: {  	[sflag:s29] =	ssyncset.done $0x0  }
0x92: {  	[sflag:s29] =	ssyncadd.s32 $0xFFFFC000  }
0x93: {  	_ =	swait.ge [sflag:s26], $0x3C00  }
0x94: {  	s11 =	rddreg [dreg:$0x11]  }
0x95: {  	s22 =	rddreg [dreg:$0x10];
	s6 =	sadd.s32 $0x1, s11  }
0x96: {  	p1 =	sne.s32 s6, s22  }
.Ltmp1:
0x97: {  	_ = 	snop;
	(pc) =	sbr.rel @!p1 .LBB2_9-.Ltmp1, $3  }
0x98: {  	_ =	sdelay $0x1  }
0x99: {  	[sflag:s26] =	ssyncset.done $0x0  }
0x9a: {  	[sflag:s26] =	ssyncadd.s32 $0xFFFFC400  }
.LBB2_1:
0x9b: {  	s1 =	sand.u32 $0xFE00, s4  }
0x9c: {  	[dreg:$0x11] =	wrdreg s6;
	s22 =	sand.u32 $0x70, s4;
	s11 =	sshrl.u32 s1, $0x2  }
0x9d: {  	s1 =	simm.s32 $0x40;
	s6 =	sor.u32 s22, s11;
	s11 =	simm.s32 $0x0  }
.LBB2_2:
0x9e: {  	p1 =	sne.s32 s1, $0xFFC0  }
0x9f: {  	[tilespmem:s6+$0x800] =	vst v0;
	s11 =	sadd.s32 $0x10, s11;
	s6 =	smov.u32 s1;
	s1 =	sadd.s32 $0x40, s1  }
.Ltmp2:
0xa0: {  	(pc) =	sbr.rel @p1 .LBB2_2-.Ltmp2, $4  }
0xa1: {  	_ = 	snop  }
0xa2: {  	s6 =	sand.u32 $0xFE00, s6  }
0xa3: {  	s22 =	sand.u32 $0x70, s11;
	s6 =	sshrl.u32 s6, $0x2  }
0xa4: {  	s6 =	sor.u32 s22, s6  }
0xa5: {  	[tilespmem:s6+$0x800] =	vst v0;
	s1 =	rddreg [dreg:$0x5];
	s6 =	simm.s32 $0x5  }
0xa6: {  	[spmem:s1] =	stream.linear.scatter [tilespmem:s21], [sflag:$0x5], $0x4000, $0x38;
	[tilespmem:$0x1C400] =	vst v63  }
0xa7: {  	_ =	swait.ge [sflag:s6], $0x4000  }
0xa8: {  	[sflag:s6] =	ssyncset.done $0x0  }
0xa9: {  	s11 =	rddreg [dreg:$0x6];
	[sflag:s6] =	ssyncadd.s32 $0xFFFFC000  }
0xaa: {  	[spmem:s11] =	stream.linear.scatter [tilespmem:s21], [sflag:$0x5], $0x4000, $0x38;
	[tilespmem:$0x1C400] =	vst v63  }
0xab: {  	_ =	swait.ge [sflag:s6], $0x4000  }
0xac: {  	[sflag:s6] =	ssyncset.done $0x0  }
0xad: {  	s22 =	rddreg [dreg:$0x7];
	[sflag:s6] =	ssyncadd.s32 $0xFFFFC000  }
0xae: {  	[spmem:s22] =	stream.linear.scatter [tilespmem:s21], [sflag:$0x5], $0x4000, $0x38;
	[tilespmem:$0x1C400] =	vst v63  }
0xaf: {  	_ =	swait.ge [sflag:s6], $0x4000  }
0xb0: {  	[sflag:s6] =	ssyncset.done $0x0  }
0xb1: {  	s11 =	rddreg [dreg:$0x8];
	[sflag:s6] =	ssyncadd.s32 $0xFFFFC000  }
0xb2: {  	[spmem:s11] =	stream.linear.scatter [tilespmem:s21], [sflag:$0x5], $0x4000, $0x38;
	[tilespmem:$0x1C400] =	vst v63  }
0xb3: {  	_ =	swait.ge [sflag:s6], $0x4000  }
0xb4: {  	[sflag:s6] =	ssyncset.done $0x0  }
0xb5: {  	s22 =	rddreg [dreg:$0x9];
	[sflag:s6] =	ssyncadd.s32 $0xFFFFC000  }
0xb6: {  	[spmem:s22] =	stream.linear.scatter [tilespmem:s21], [sflag:$0x5], $0x3C00, $0x38;
	[tilespmem:$0x1C400] =	vst v63  }
0xb7: {  	_ =	swait.ge [sflag:s6], $0x3C00  }
.Ltmp3:
0xb8: {  	[sflag:s6] =	ssyncset.done $0x0;
	(pc) =	sbr.rel @!p0 .LBB2_4-.Ltmp3, $4  }
0xb9: {  	[sflag:s6] =	ssyncadd.s32 $0xFFFFC400  }
0xba: {  	[bflag:$0x0] =	sbarrier.arrive $0xFFFF  }
0xbb: {  	s22 =	rddreg [dreg:$0x4]  }
0xbc: {  	p1 =	por $0x1, $0x1;
	s1 =	simm.s32 $0x0;
	s11 =	rddreg [dreg:$0xa]  }
.LBB2_7:
0xbd: {  	s1 =	sor.u32 s11, s1  }
0xbe: {  	s6 =	sadd.s32 s12, s1  }
0xbf: {  	[tilespmem:s4], [sflag:$0x3] =	stream.linear.gather [hbm4b:s6+s4], $0x400, $0x38;
	[tilespmem:$0x1C400] =	vst v63  }
0xc0: {  	s1 =	sadd.s32 s22, s1  }
0xc1: {  	[tilespmem:s23], [sflag:$0x4] =	stream.linear.gather [hbm4b:s1+s4], $0x400, $0x38;
	[tilespmem:$0x1C400] =	vst v63  }
0xc2: {  	_ =	swait.ge [sflag:s24], $0x400  }
0xc3: {  	[sflag:s24] =	ssyncset.done $0x0  }
0xc4: {  	s1 =	simm.s32 $0x80;
	[sflag:s24] =	ssyncadd.s32 $0xFFFFFC00  }
0xc5: {  	[tilespmem:s21], [sflag:$0x1] =	stream.indirect.gather [hbm4b:s5+s1], $0x80, s4, s1, $0xb8;
	[tilespmem:$0x1C400] =	vst v63  }
0xc6: {  	_ =	swait.ge [sflag:s25], $0x400  }
0xc7: {  	[sflag:s25] =	ssyncset.done $0x0  }
0xc8: {  	[sflag:s25] =	ssyncadd.s32 $0xFFFFFC00  }
0xc9: {  	_ =	swait.ge [sflag:s26], $0x4000  }
0xca: {  	[sflag:s26] =	ssyncset.done $0x0  }
0xcb: {  	[sflag:s26] =	ssyncadd.s32 $0xFFFFC000  }
0xcc: {  	[spmem:s2] =	stream.indirect.scatter.add.f32 [tilespmem:s21], [sflag:$0x3], $0x80, s23, s1, $0xb8;
	[tilespmem:$0x1C400] =	vst v63  }
0xcd: {  	_ = 	snop  }
0xce: {  	[tilespmem:s28], [sflag:$0x2] =	stream.indirect.gather [hbm4b:s5+s1], $0x80, s1, s1, $0xb8;
	[tilespmem:$0x1C400] =	vst v63  }
0xcf: {  	_ =	swait.ge [sflag:s29], $0x4000  }
0xd0: {  	[sflag:s29] =	ssyncset.done $0x0  }
0xd1: {  	[sflag:s29] =	ssyncadd.s32 $0xFFFFC000  }
0xd2: {  	[spmem:s2] =	stream.indirect.scatter.add.f32 [tilespmem:s28], [sflag:$0x4], $0x80, s30, s1, $0xb8;
	[tilespmem:$0x1C400] =	vst v63  }
0xd3: {  	_ =	swait.ge [sflag:s24], $0x4000  }
0xd4: {  	[sflag:s24] =	ssyncset.done $0x0  }
0xd5: {  	[sflag:s24] =	ssyncadd.s32 $0xFFFFC000  }
0xd6: {  	[tilespmem:s21], [sflag:$0x1] =	stream.indirect.gather [hbm4b:s5+s1], $0x80, s31, s1, $0xb8;
	[tilespmem:$0x1C400] =	vst v63  }
0xd7: {  	_ =	swait.ge [sflag:s26], $0x4000  }
0xd8: {  	[sflag:s26] =	ssyncset.done $0x0  }
0xd9: {  	[sflag:s26] =	ssyncadd.s32 $0xFFFFC000  }
0xda: {  	[spmem:s2] =	stream.indirect.scatter.add.f32 [tilespmem:s21], [sflag:$0x3], $0x80, s0, s1, $0xb8;
	[tilespmem:$0x1C400] =	vst v63  }
0xdb: {  	_ =	swait.ge [sflag:s25], $0x4000  }
0xdc: {  	[sflag:s25] =	ssyncset.done $0x0  }
0xdd: {  	[sflag:s25] =	ssyncadd.s32 $0xFFFFC000  }
0xde: {  	[tilespmem:s28], [sflag:$0x2] =	stream.indirect.gather [hbm4b:s5+s1], $0x80, s3, s1, $0xb8;
	[tilespmem:$0x1C400] =	vst v63  }
0xdf: {  	_ =	swait.ge [sflag:s29], $0x4000  }
0xe0: {  	[sflag:s29] =	ssyncset.done $0x0  }
0xe1: {  	[sflag:s29] =	ssyncadd.s32 $0xFFFFC000  }
0xe2: {  	[spmem:s2] =	stream.indirect.scatter.add.f32 [tilespmem:s28], [sflag:$0x4], $0x80, s13, s1, $0xb8;
	[tilespmem:$0x1C400] =	vst v63  }
0xe3: {  	_ =	swait.ge [sflag:s24], $0x4000  }
0xe4: {  	[sflag:s24] =	ssyncset.done $0x0  }
0xe5: {  	[sflag:s24] =	ssyncadd.s32 $0xFFFFC000  }
0xe6: {  	[tilespmem:s21], [sflag:$0x1] =	stream.indirect.gather [hbm4b:s5+s1], $0x80, s14, s1, $0xb8;
	[tilespmem:$0x1C400] =	vst v63  }
0xe7: {  	_ =	swait.ge [sflag:s26], $0x4000  }
0xe8: {  	[sflag:s26] =	ssyncset.done $0x0  }
0xe9: {  	[sflag:s26] =	ssyncadd.s32 $0xFFFFC000  }
0xea: {  	[spmem:s2] =	stream.indirect.scatter.add.f32 [tilespmem:s21], [sflag:$0x3], $0x80, s15, s1, $0xb8;
	[tilespmem:$0x1C400] =	vst v63  }
0xeb: {  	_ =	swait.ge [sflag:s25], $0x4000  }
0xec: {  	[sflag:s25] =	ssyncset.done $0x0  }
0xed: {  	[sflag:s25] =	ssyncadd.s32 $0xFFFFC000  }
0xee: {  	[tilespmem:s28], [sflag:$0x2] =	stream.indirect.gather [hbm4b:s5+s1], $0x80, s16, s1, $0xb8;
	[tilespmem:$0x1C400] =	vst v63  }
0xef: {  	_ =	swait.ge [sflag:s29], $0x4000  }
0xf0: {  	[sflag:s29] =	ssyncset.done $0x0  }
0xf1: {  	[sflag:s29] =	ssyncadd.s32 $0xFFFFC000  }
0xf2: {  	[spmem:s2] =	stream.indirect.scatter.add.f32 [tilespmem:s28], [sflag:$0x4], $0x80, s17, s1, $0xb8;
	[tilespmem:$0x1C400] =	vst v63  }
0xf3: {  	_ =	swait.ge [sflag:s24], $0x4000  }
0xf4: {  	[sflag:s24] =	ssyncset.done $0x0  }
0xf5: {  	[sflag:s24] =	ssyncadd.s32 $0xFFFFC000  }
0xf6: {  	[tilespmem:s21], [sflag:$0x1] =	stream.indirect.gather [hbm4b:s5+s1], $0x80, s18, s1, $0xb8;
	[tilespmem:$0x1C400] =	vst v63  }
0xf7: {  	_ =	swait.ge [sflag:s26], $0x4000  }
0xf8: {  	[sflag:s26] =	ssyncset.done $0x0  }
0xf9: {  	[sflag:s26] =	ssyncadd.s32 $0xFFFFC000  }
0xfa: {  	[spmem:s2] =	stream.indirect.scatter.add.f32 [tilespmem:s21], [sflag:$0x3], $0x80, s7, s1, $0xb8;
	[tilespmem:$0x1C400] =	vst v63  }
0xfb: {  	_ =	swait.ge [sflag:s25], $0x4000  }
0xfc: {  	[sflag:s25] =	ssyncset.done $0x0  }
0xfd: {  	[sflag:s25] =	ssyncadd.s32 $0xFFFFC000  }
0xfe: {  	[tilespmem:s28], [sflag:$0x2] =	stream.indirect.gather [hbm4b:s5+s1], $0x80, s8, s1, $0xb8;
	[tilespmem:$0x1C400] =	vst v63  }
0xff: {  	_ =	swait.ge [sflag:s29], $0x4000  }
0x100: {  	[sflag:s29] =	ssyncset.done $0x0  }
0x101: {  	[sflag:s29] =	ssyncadd.s32 $0xFFFFC000  }
0x102: {  	[spmem:s2] =	stream.indirect.scatter.add.f32 [tilespmem:s28], [sflag:$0x4], $0x80, s9, s1, $0xb8;
	[tilespmem:$0x1C400] =	vst v63  }
0x103: {  	p2 =	por p1, p1;
	_ =	swait.ge [sflag:s24], $0x4000  }
.Ltmp4:
0x104: {  	[sflag:s24] =	ssyncset.done $0x0;
	(pc) =	sbr.rel @p2 .LBB2_7-.Ltmp4, $4  }
0x105: {  	[sflag:s24] =	ssyncadd.s32 $0xFFFFC000  }
0x106: {  	_ =	swait.ge [sflag:s25], $0x4000  }
0x107: {  	[sflag:s25] =	ssyncset.done $0x0  }
0x108: {  	p1 =	por $0x0, $0x0;
	[sflag:s25] =	ssyncadd.s32 $0xFFFFC000  }
.Ltmp5:
0x109: {  	_ = 	snop;
	(pc) =	sbr.rel .LBB2_8-.Ltmp5, $1  }
0x10a: {  	_ =	sdelay $0x3  }
.LBB2_4:
0x10b: {  	s1 =	sadd.s32 $0x0, s20  }
0x10c: {  	[tilespmem:s4], [sflag:$0x3] =	stream.linear.gather [hbm4b:s1+s4], $0x400, $0x38;
	[tilespmem:$0x1C400] =	vst v63  }
0x10d: {  	s22 =	sadd.s32 $0x0, s19  }
0x10e: {  	[tilespmem:s23], [sflag:$0x4] =	stream.linear.gather [hbm4b:s22+s4], $0x400, $0x38;
	[tilespmem:$0x1C400] =	vst v63  }
0x10f: {  	_ =	swait.ge [sflag:s24], $0x400  }
0x110: {  	[sflag:s24] =	ssyncset.done $0x0  }
0x111: {  	[sflag:s24] =	ssyncadd.s32 $0xFFFFFC00  }
0x112: {  	[tilespmem:s21], [sflag:$0x1] =	stream.indirect.gather [hbm4b:s5+s10], $0x80, s4, s10, $0xb8;
	[tilespmem:$0x1C400] =	vst v63  }
0x113: {  	_ =	swait.ge [sflag:s25], $0x400  }
0x114: {  	[sflag:s25] =	ssyncset.done $0x0  }
0x115: {  	[sflag:s25] =	ssyncadd.s32 $0xFFFFFC00  }
0x116: {  	_ =	swait.ge [sflag:s26], $0x4000  }
0x117: {  	[sflag:s26] =	ssyncset.done $0x0  }
0x118: {  	[sflag:s26] =	ssyncadd.s32 $0xFFFFC000  }
0x119: {  	[spmem:s2] =	stream.indirect.scatter.add.f32 [tilespmem:s21], [sflag:$0x3], $0x80, s23, s10, $0xb8;
	[tilespmem:$0x1C400] =	vst v63  }
0x11a: {  	_ = 	snop  }
0x11b: {  	[tilespmem:s28], [sflag:$0x2] =	stream.indirect.gather [hbm4b:s5+s10], $0x80, s10, s10, $0xb8;
	[tilespmem:$0x1C400] =	vst v63  }
0x11c: {  	_ =	swait.ge [sflag:s29], $0x4000  }
0x11d: {  	[sflag:s29] =	ssyncset.done $0x0  }
0x11e: {  	[sflag:s29] =	ssyncadd.s32 $0xFFFFC000  }
0x11f: {  	[spmem:s2] =	stream.indirect.scatter.add.f32 [tilespmem:s28], [sflag:$0x4], $0x80, s30, s10, $0xb8;
	[tilespmem:$0x1C400] =	vst v63  }
0x120: {  	_ =	swait.ge [sflag:s24], $0x4000  }
0x121: {  	[sflag:s24] =	ssyncset.done $0x0  }
0x122: {  	[sflag:s24] =	ssyncadd.s32 $0xFFFFC000  }
0x123: {  	[tilespmem:s21], [sflag:$0x1] =	stream.indirect.gather [hbm4b:s5+s10], $0x80, s31, s10, $0xb8;
	[tilespmem:$0x1C400] =	vst v63  }
0x124: {  	_ =	swait.ge [sflag:s26], $0x4000  }
0x125: {  	[sflag:s26] =	ssyncset.done $0x0  }
0x126: {  	[sflag:s26] =	ssyncadd.s32 $0xFFFFC000  }
0x127: {  	[spmem:s2] =	stream.indirect.scatter.add.f32 [tilespmem:s21], [sflag:$0x3], $0x80, s0, s10, $0xb8;
	[tilespmem:$0x1C400] =	vst v63  }
0x128: {  	_ =	swait.ge [sflag:s25], $0x4000  }
0x129: {  	[sflag:s25] =	ssyncset.done $0x0  }
0x12a: {  	[sflag:s25] =	ssyncadd.s32 $0xFFFFC000  }
0x12b: {  	[tilespmem:s28], [sflag:$0x2] =	stream.indirect.gather [hbm4b:s5+s10], $0x80, s3, s10, $0xb8;
	[tilespmem:$0x1C400] =	vst v63  }
0x12c: {  	_ =	swait.ge [sflag:s29], $0x4000  }
0x12d: {  	[sflag:s29] =	ssyncset.done $0x0  }
0x12e: {  	[sflag:s29] =	ssyncadd.s32 $0xFFFFC000  }
0x12f: {  	[spmem:s2] =	stream.indirect.scatter.add.f32 [tilespmem:s28], [sflag:$0x4], $0x80, s13, s10, $0xb8;
	[tilespmem:$0x1C400] =	vst v63  }
0x130: {  	_ =	swait.ge [sflag:s24], $0x4000  }
0x131: {  	[sflag:s24] =	ssyncset.done $0x0  }
0x132: {  	[sflag:s24] =	ssyncadd.s32 $0xFFFFC000  }
0x133: {  	[tilespmem:s21], [sflag:$0x1] =	stream.indirect.gather [hbm4b:s5+s10], $0x80, s14, s10, $0xb8;
	[tilespmem:$0x1C400] =	vst v63  }
0x134: {  	_ =	swait.ge [sflag:s26], $0x4000  }
0x135: {  	[sflag:s26] =	ssyncset.done $0x0  }
0x136: {  	[sflag:s26] =	ssyncadd.s32 $0xFFFFC000  }
0x137: {  	[spmem:s2] =	stream.indirect.scatter.add.f32 [tilespmem:s21], [sflag:$0x3], $0x80, s15, s10, $0xb8;
	[tilespmem:$0x1C400] =	vst v63  }
0x138: {  	_ =	swait.ge [sflag:s25], $0x4000  }
0x139: {  	[sflag:s25] =	ssyncset.done $0x0  }
0x13a: {  	[sflag:s25] =	ssyncadd.s32 $0xFFFFC000  }
0x13b: {  	[tilespmem:s28], [sflag:$0x2] =	stream.indirect.gather [hbm4b:s5+s10], $0x80, s16, s10, $0xb8;
	[tilespmem:$0x1C400] =	vst v63  }
0x13c: {  	_ =	swait.ge [sflag:s29], $0x4000  }
0x13d: {  	[sflag:s29] =	ssyncset.done $0x0  }
0x13e: {  	[sflag:s29] =	ssyncadd.s32 $0xFFFFC000  }
0x13f: {  	[spmem:s2] =	stream.indirect.scatter.add.f32 [tilespmem:s28], [sflag:$0x4], $0x80, s17, s10, $0xb8;
	[tilespmem:$0x1C400] =	vst v63  }
0x140: {  	_ =	swait.ge [sflag:s24], $0x4000  }
0x141: {  	[sflag:s24] =	ssyncset.done $0x0  }
0x142: {  	[sflag:s24] =	ssyncadd.s32 $0xFFFFC000  }
0x143: {  	[tilespmem:s21], [sflag:$0x1] =	stream.indirect.gather [hbm4b:s5+s10], $0x80, s18, s10, $0xb8;
	[tilespmem:$0x1C400] =	vst v63  }
0x144: {  	_ =	swait.ge [sflag:s26], $0x4000  }
0x145: {  	[sflag:s26] =	ssyncset.done $0x0  }
0x146: {  	[sflag:s26] =	ssyncadd.s32 $0xFFFFC000  }
0x147: {  	[spmem:s2] =	stream.indirect.scatter.add.f32 [tilespmem:s21], [sflag:$0x3], $0x80, s7, s10, $0xb8;
	[tilespmem:$0x1C400] =	vst v63  }
0x148: {  	_ =	swait.ge [sflag:s25], $0x4000  }
0x149: {  	[sflag:s25] =	ssyncset.done $0x0  }
0x14a: {  	[sflag:s25] =	ssyncadd.s32 $0xFFFFC000  }
0x14b: {  	[tilespmem:s28], [sflag:$0x2] =	stream.indirect.gather [hbm4b:s5+s10], $0x80, s8, s10, $0xb8;
	[tilespmem:$0x1C400] =	vst v63  }
0x14c: {  	_ =	swait.ge [sflag:s29], $0x4000  }
0x14d: {  	[sflag:s29] =	ssyncset.done $0x0  }
0x14e: {  	[sflag:s29] =	ssyncadd.s32 $0xFFFFC000  }
0x14f: {  	[spmem:s2] =	stream.indirect.scatter.add.f32 [tilespmem:s28], [sflag:$0x4], $0x80, s9, s10, $0xb8;
	[tilespmem:$0x1C400] =	vst v63  }
0x150: {  	_ =	swait.ge [sflag:s24], $0x4000  }
0x151: {  	[sflag:s24] =	ssyncset.done $0x0  }
0x152: {  	[sflag:s24] =	ssyncadd.s32 $0xFFFFC000  }
0x153: {  	_ =	swait.ge [sflag:s25], $0x4000  }
0x154: {  	s11 =	simm.s32 $0x80;
	s1 =	simm.s32 $0x100;
	[sflag:s25] =	ssyncset.done $0x0  }
.LBB2_5:
0x155: {  	s22 =	sadd.s32 s11, s20  }
0x156: {  	[sflag:s25] =	ssyncadd.s32 $0xFFFFC000;
	s12 =	smov.u32 s1;
	s6 =	sadd.s32 $0x80, s1  }
0x157: {  	[tilespmem:s4], [sflag:$0x3] =	stream.linear.gather [hbm4b:s22+s4], $0x400, $0x38;
	[tilespmem:$0x1C400] =	vst v63  }
0x158: {  	p1 =	seq.s32 s1, $0x880;
	s1 =	sadd.s32 s11, s19;
	s11 =	smov.u32 s12  }
0x159: {  	[tilespmem:s23], [sflag:$0x4] =	stream.linear.gather [hbm4b:s1+s4], $0x400, $0x38;
	[tilespmem:$0x1C400] =	vst v63  }
0x15a: {  	_ =	swait.ge [sflag:s24], $0x400  }
0x15b: {  	[sflag:s24] =	ssyncset.done $0x0  }
0x15c: {  	[sflag:s24] =	ssyncadd.s32 $0xFFFFFC00  }
0x15d: {  	[tilespmem:s21], [sflag:$0x1] =	stream.indirect.gather [hbm4b:s5+s10], $0x80, s4, s10, $0xb8;
	[tilespmem:$0x1C400] =	vst v63  }
0x15e: {  	_ =	swait.ge [sflag:s25], $0x400  }
0x15f: {  	[sflag:s25] =	ssyncset.done $0x0  }
0x160: {  	[sflag:s25] =	ssyncadd.s32 $0xFFFFFC00  }
0x161: {  	_ =	swait.ge [sflag:s26], $0x4000  }
0x162: {  	[sflag:s26] =	ssyncset.done $0x0  }
0x163: {  	[sflag:s26] =	ssyncadd.s32 $0xFFFFC000  }
0x164: {  	[spmem:s2] =	stream.indirect.scatter.add.f32 [tilespmem:s21], [sflag:$0x3], $0x80, s23, s10, $0xb8;
	[tilespmem:$0x1C400] =	vst v63  }
0x165: {  	_ = 	snop  }
0x166: {  	[tilespmem:s28], [sflag:$0x2] =	stream.indirect.gather [hbm4b:s5+s10], $0x80, s10, s10, $0xb8;
	[tilespmem:$0x1C400] =	vst v63  }
0x167: {  	_ =	swait.ge [sflag:s29], $0x4000  }
0x168: {  	[sflag:s29] =	ssyncset.done $0x0  }
0x169: {  	[sflag:s29] =	ssyncadd.s32 $0xFFFFC000  }
0x16a: {  	[spmem:s2] =	stream.indirect.scatter.add.f32 [tilespmem:s28], [sflag:$0x4], $0x80, s30, s10, $0xb8;
	[tilespmem:$0x1C400] =	vst v63  }
0x16b: {  	_ =	swait.ge [sflag:s24], $0x4000  }
0x16c: {  	[sflag:s24] =	ssyncset.done $0x0  }
0x16d: {  	[sflag:s24] =	ssyncadd.s32 $0xFFFFC000  }
0x16e: {  	[tilespmem:s21], [sflag:$0x1] =	stream.indirect.gather [hbm4b:s5+s10], $0x80, s31, s10, $0xb8;
	[tilespmem:$0x1C400] =	vst v63  }
0x16f: {  	_ =	swait.ge [sflag:s26], $0x4000  }
0x170: {  	[sflag:s26] =	ssyncset.done $0x0  }
0x171: {  	[sflag:s26] =	ssyncadd.s32 $0xFFFFC000  }
0x172: {  	[spmem:s2] =	stream.indirect.scatter.add.f32 [tilespmem:s21], [sflag:$0x3], $0x80, s0, s10, $0xb8;
	[tilespmem:$0x1C400] =	vst v63  }
0x173: {  	_ =	swait.ge [sflag:s25], $0x4000  }
0x174: {  	[sflag:s25] =	ssyncset.done $0x0  }
0x175: {  	[sflag:s25] =	ssyncadd.s32 $0xFFFFC000  }
0x176: {  	[tilespmem:s28], [sflag:$0x2] =	stream.indirect.gather [hbm4b:s5+s10], $0x80, s3, s10, $0xb8;
	[tilespmem:$0x1C400] =	vst v63  }
0x177: {  	_ =	swait.ge [sflag:s29], $0x4000  }
0x178: {  	[sflag:s29] =	ssyncset.done $0x0  }
0x179: {  	[sflag:s29] =	ssyncadd.s32 $0xFFFFC000  }
0x17a: {  	[spmem:s2] =	stream.indirect.scatter.add.f32 [tilespmem:s28], [sflag:$0x4], $0x80, s13, s10, $0xb8;
	[tilespmem:$0x1C400] =	vst v63  }
0x17b: {  	_ =	swait.ge [sflag:s24], $0x4000  }
0x17c: {  	[sflag:s24] =	ssyncset.done $0x0  }
0x17d: {  	[sflag:s24] =	ssyncadd.s32 $0xFFFFC000  }
0x17e: {  	[tilespmem:s21], [sflag:$0x1] =	stream.indirect.gather [hbm4b:s5+s10], $0x80, s14, s10, $0xb8;
	[tilespmem:$0x1C400] =	vst v63  }
0x17f: {  	_ =	swait.ge [sflag:s26], $0x4000  }
0x180: {  	[sflag:s26] =	ssyncset.done $0x0  }
0x181: {  	[sflag:s26] =	ssyncadd.s32 $0xFFFFC000  }
0x182: {  	[spmem:s2] =	stream.indirect.scatter.add.f32 [tilespmem:s21], [sflag:$0x3], $0x80, s15, s10, $0xb8;
	[tilespmem:$0x1C400] =	vst v63  }
0x183: {  	_ =	swait.ge [sflag:s25], $0x4000  }
0x184: {  	[sflag:s25] =	ssyncset.done $0x0  }
0x185: {  	[sflag:s25] =	ssyncadd.s32 $0xFFFFC000  }
0x186: {  	[tilespmem:s28], [sflag:$0x2] =	stream.indirect.gather [hbm4b:s5+s10], $0x80, s16, s10, $0xb8;
	[tilespmem:$0x1C400] =	vst v63  }
0x187: {  	_ =	swait.ge [sflag:s29], $0x4000  }
0x188: {  	[sflag:s29] =	ssyncset.done $0x0  }
0x189: {  	[sflag:s29] =	ssyncadd.s32 $0xFFFFC000  }
0x18a: {  	[spmem:s2] =	stream.indirect.scatter.add.f32 [tilespmem:s28], [sflag:$0x4], $0x80, s17, s10, $0xb8;
	[tilespmem:$0x1C400] =	vst v63  }
0x18b: {  	_ =	swait.ge [sflag:s24], $0x4000  }
0x18c: {  	[sflag:s24] =	ssyncset.done $0x0  }
0x18d: {  	[sflag:s24] =	ssyncadd.s32 $0xFFFFC000  }
0x18e: {  	[tilespmem:s21], [sflag:$0x1] =	stream.indirect.gather [hbm4b:s5+s10], $0x80, s18, s10, $0xb8;
	[tilespmem:$0x1C400] =	vst v63  }
0x18f: {  	_ =	swait.ge [sflag:s26], $0x4000  }
0x190: {  	[sflag:s26] =	ssyncset.done $0x0  }
0x191: {  	[sflag:s26] =	ssyncadd.s32 $0xFFFFC000  }
0x192: {  	[spmem:s2] =	stream.indirect.scatter.add.f32 [tilespmem:s21], [sflag:$0x3], $0x80, s7, s10, $0xb8;
	[tilespmem:$0x1C400] =	vst v63  }
0x193: {  	_ =	swait.ge [sflag:s25], $0x4000  }
0x194: {  	[sflag:s25] =	ssyncset.done $0x0  }
0x195: {  	[sflag:s25] =	ssyncadd.s32 $0xFFFFC000  }
0x196: {  	[tilespmem:s28], [sflag:$0x2] =	stream.indirect.gather [hbm4b:s5+s10], $0x80, s8, s10, $0xb8;
	[tilespmem:$0x1C400] =	vst v63  }
0x197: {  	_ =	swait.ge [sflag:s29], $0x4000  }
0x198: {  	[sflag:s29] =	ssyncset.done $0x0  }
0x199: {  	[sflag:s29] =	ssyncadd.s32 $0xFFFFC000  }
0x19a: {  	[spmem:s2] =	stream.indirect.scatter.add.f32 [tilespmem:s28], [sflag:$0x4], $0x80, s9, s10, $0xb8;
	[tilespmem:$0x1C400] =	vst v63  }
.Ltmp6:
0x19b: {  	_ =	swait.ge [sflag:s24], $0x4000;
	(pc) =	sbr.rel @!p1 .LBB2_5-.Ltmp6, $4  }
0x19c: {  	[sflag:s24] =	ssyncset.done $0x0  }
0x19d: {  	[sflag:s24] =	ssyncadd.s32 $0xFFFFC000  }
0x19e: {  	_ =	swait.ge [sflag:s25], $0x4000  }
0x19f: {  	s1 =	smov.u32 s6;
	[sflag:s25] =	ssyncset.done $0x0  }
.Ltmp7:
0x1a0: {  	_ = 	snop;
	(pc) =	sbr.rel .LBB2_6-.Ltmp7, $1  }
0x1a1: {  	_ =	sdelay $0x3  }
.LBB2_9:
0x1a2: {  	_ =	sfence.sel $0x180000  }
0x1a3: {  	[bflag:$0x0] =	sbarrier.arrive $0xFFFF  }
0x1a4: {  	_ =	strace $0x9000004A  }
0x1a5: {  	s0 =	stileid.u32;
	[bflag:$0x2] =	sbarrier.arrive $0xFFFF  }
0x1a6: {  	p0 =	sne.s32 s0, $0x0;
	s0 =	rddreg [dreg:$0x3]  }
0x1a7: {  	s0 =	sadd.s32 @!p0 $0x100000, s0  }
0x1a8: {  	[sflag:s0] =	ssyncadd.tile.s32 @!p0 $0x1;
	_ =	shalt  }
.Lfunc_end2:
_tile_overlayer_lowered:
.L_overlay_start_2:
0x1a9: {  	(tag) =	ssettag $0x2  }
0x1aa: {  	s0 =	rddreg [dreg:$0x0];
	s2 =	stileid.u32  }
0x1ab: {  	s1 =	rddreg [dreg:$0x1];
	p0 =	sne.s32 s2, $0x0  }
0x1ac: {  	s3 =	rddreg [dreg:$0x2];
	[bflag:$0x3] =	sbarrier.arrive $0xFFFF;
	s2 =	simm.s32 @!p0 $0x1C05  }
0x1ad: {  	[timem:s3], [sflag:s2] =	dma.local @!p0 [hbm:s0], s1  }
0x1ae: {  	s0 =	simm.s32 @!p0 $0x5  }
0x1af: {  	_ =	swait.ge @!p0 [sflag:s0], s1  }
0x1b0: {  	s1 =	ssub.s32 @!p0 $0x0, s1;
	[sflag:s0] =	ssyncset.done @!p0 $0x0  }
0x1b1: {  	[sflag:s0] =	ssyncadd.s32 @!p0 s1  }
0x1b2: {  	[bflag:$0x3] =	sbarrier.arrive $0xFFFF  }
0x1b3: {  	_ =	shalt  }

// kernel: kernel.15.cloned.1.call-start
scs
__scs_entry_jumppad:
0x0: {  	(pc) =	sbr.rel $0x88, $3  }
0x1: {  	(tag) =	ssettag $0x0;
	lr =	simm.s32 $0x1  }
0x2: {  	[smem:$0x3F97] =	sst lr;
	_ =	strace $0xD0000000  }
0x3: {  	_ = 	snop  }
0x4: {  	_ = 	snop  }
0x5: {  	_ = 	snop  }
0x6: {  	_ = 	snop  }
0x7: {  	_ = 	snop  }
__scs_overlays_trampoline_lowered:
0x8: {  	[smem:$0x3FA6] =	sst s0  }
0x9: {  	[smem:$0x3FA7] =	sst s1  }
0xa: {  	[smem:$0x3FA8] =	sst s2  }
0xb: {  	[smem:$0x3FA9] =	sst s3  }
0xc: {  	[smem:$0x3FAA] =	sst s4  }
0xd: {  	[smem:$0x3FAB] =	sst s5  }
0xe: {  	[smem:$0x3FAC] =	sst s6  }
0xf: {  	[smem:$0x3FAD] =	sst s7  }
0x10: {  	[smem:$0x3FAE] =	sst s8  }
0x11: {  	[smem:$0x3FAF] =	sst s9;
	s0 =	simm.s32 @!p0 $0x0  }
0x12: {  	s1 =	sld [smem:$0x3F95];
	s0 =	simm.s32 @p0 $0x1  }
0x13: {  	[smem:$0x3FB0] =	sst s0;
	s0 =	simm.s32 @!p1 $0x0  }
0x14: {  	s2 =	sld [smem:$0x3F94];
	s0 =	simm.s32 @p1 $0x1  }
0x15: {  	[smem:$0x3FB1] =	sst s0;
	s0 =	simm.s32 @!p2 $0x0  }
0x16: {  	s3 =	sld [smem:$0x3FDB];
	s0 =	simm.s32 @p2 $0x1  }
0x17: {  	s4 =	simm.s32 $0x1BF5;
	[smem:$0x3FB3] =	sst s0  }
0x18: {  	s0 =	sld [smem:$0x3F96];
	_ =	swait.ge [sflag:s4], $0x0  }
0x19: {  	s7 =	sld [smem:$0x3F97]  }
0x1a: {  	s8 =	sadd.s32 $0xFFFFE003, lr  }
0x1b: {  	s9 =	sadd.s32 $0xFFFFFEF7, lr;
	s5 =	simm.s32 $0xFFFFFFFF;
	p2 =	slt.u32 s8, $0xFFFFF086  }
0x1c: {  	p1 =	slt.u32 s9, $0xF7A;
	s5 =	simm.s32 @!p2 $0x0  }
0x1d: {  	s5 =	simm.s32 @p1 $0x1;
	p0 =	seq.s32 s7, s2  }
0x1e: {  	s7 =	smul.u32 @!p0 $0xF7A, s2;
	p2 =	seq.s32 @!p0 s5, $0x0  }
0x1f: {  	s9 =	smul.u32 $0xF7A, s1;
	s8 =	simm.s32 @!p0 $0x1BF5;
	p2 =	por !p2, p0  }
0x20: {  	[sflag:s8] =	ssyncset.s32 @!p0 $0xFFFFF086;
	s6 =	sadd.s32 @!p0 s3, s7;
	s7 =	simm.s32 @!p0 $0x108  }
0x21: {  	s3 =	sadd.s32 s3, s9;
	s6 =	sadd.s32 @!p0 $0x88, s6;
	s7 =	simm.s32 @p2 $0x1082  }
0x22: {  	[simem:s7], [sflag:s8] =	dma.local @!p0 [hbm:s6], $0xF7A  }
0x23: {  	s9 =	sor.u32 $0xD0000000, s2;
	s6 =	simm.s32 $0x108;
	_ =	swait.ge @!p0 [sflag:s8], $0x0  }
0x24: {  	s3 =	sadd.s32 $0x88, s3;
	s6 =	simm.s32 @!p1 $0x1082;
	[sflag:s4] =	ssyncset.s32 $0xFFFFF086  }
0x25: {  	[simem:s6], [sflag:s4] =	dma.local [hbm:s3], $0xF7A  }
0x26: {  	[smem:$0x3F97] =	sst s1;
	(tag) =	ssettag s2;
	_ =	strace s9  }
0x27: {  	s1 =	sld [smem:$0x3FA7]  }
0x28: {  	s2 =	sld [smem:$0x3FA8]  }
0x29: {  	s4 =	sld [smem:$0x3FAA]  }
0x2a: {  	p0 =	seq.s32 s5, $0x0;
	s5 =	sld [smem:$0x3FAB]  }
0x2b: {  	s6 =	sld [smem:$0x3FAC]  }
0x2c: {  	s7 =	sld [smem:$0x3FAD]  }
0x2d: {  	s3 =	simm.s32 $0x108;
	s8 =	sld [smem:$0x3FAE]  }
0x2e: {  	s3 =	simm.s32 @!p0 $0x1082;
	s9 =	sld [smem:$0x3FAF]  }
0x2f: {  	lr =	sadd.s32 s0, s3;
	s0 =	sld [smem:$0x3FA6]  }
0x30: {  	s3 =	sld [smem:$0x3FA9]  }
0x31: {  	[smem:$0x3FB2] =	sst s10  }
0x32: {  	s10 =	sld [smem:$0x3FB0];
	_ =	sdelay $0x3  }
0x33: {  	p0 =	seq.s32 s10, $0x1;
	s10 =	sld [smem:$0x3FB2];
	_ =	sdelay $0x3  }
0x34: {  	[smem:$0x3FB2] =	sst s10  }
0x35: {  	s10 =	sld [smem:$0x3FB1];
	_ =	sdelay $0x3  }
0x36: {  	p1 =	seq.s32 s10, $0x1;
	s10 =	sld [smem:$0x3FB2];
	_ =	sdelay $0x3  }
0x37: {  	[smem:$0x3FB2] =	sst s10  }
0x38: {  	s10 =	sld [smem:$0x3FB3]  }
0x39: {  	_ = 	snop;
	(pc) =	sbr.ind lr, $3  }
0x3a: {  	_ = 	snop  }
0x3b: {  	_ = 	snop  }
0x3c: {  	p2 =	seq.s32 s10, $0x1;
	s10 =	sld [smem:$0x3FB2]  }
0x3d: {  	_ =	shalt  }
0x3e: {  	_ =	shalt  }
0x3f: {  	_ =	shalt  }
0x40: {  	_ =	shalt  }
0x41: {  	_ =	shalt  }
0x42: {  	_ =	shalt  }
0x43: {  	_ =	shalt  }
0x44: {  	_ =	shalt  }
0x45: {  	_ =	shalt  }
0x46: {  	_ =	shalt  }
0x47: {  	_ =	shalt  }
0x48: {  	_ =	shalt  }
0x49: {  	_ =	shalt  }
0x4a: {  	_ =	shalt  }
0x4b: {  	_ =	shalt  }
0x4c: {  	_ =	shalt  }
0x4d: {  	_ =	shalt  }
0x4e: {  	_ =	shalt  }
0x4f: {  	_ =	shalt  }
0x50: {  	_ =	shalt  }
0x51: {  	_ =	shalt  }
0x52: {  	_ =	shalt  }
0x53: {  	_ =	shalt  }
0x54: {  	_ =	shalt  }
0x55: {  	_ =	shalt  }
0x56: {  	_ =	shalt  }
0x57: {  	_ =	shalt  }
0x58: {  	_ =	shalt  }
0x59: {  	_ =	shalt  }
0x5a: {  	_ =	shalt  }
0x5b: {  	_ =	shalt  }
0x5c: {  	_ =	shalt  }
0x5d: {  	_ =	shalt  }
0x5e: {  	_ =	shalt  }
0x5f: {  	_ =	shalt  }
0x60: {  	_ =	shalt  }
0x61: {  	_ =	shalt  }
0x62: {  	_ =	shalt  }
0x63: {  	_ =	shalt  }
0x64: {  	_ =	shalt  }
0x65: {  	_ =	shalt  }
0x66: {  	_ =	shalt  }
0x67: {  	_ =	shalt  }
0x68: {  	_ =	shalt  }
0x69: {  	_ =	shalt  }
0x6a: {  	_ =	shalt  }
0x6b: {  	_ =	shalt  }
0x6c: {  	_ =	shalt  }
0x6d: {  	_ =	shalt  }
0x6e: {  	_ =	shalt  }
0x6f: {  	_ =	shalt  }
0x70: {  	_ =	shalt  }
0x71: {  	_ =	shalt  }
0x72: {  	_ =	shalt  }
0x73: {  	_ =	shalt  }
0x74: {  	_ =	shalt  }
0x75: {  	_ =	shalt  }
0x76: {  	_ =	shalt  }
0x77: {  	_ =	shalt  }
0x78: {  	_ =	shalt  }
0x79: {  	_ =	shalt  }
0x7a: {  	_ =	shalt  }
0x7b: {  	_ =	shalt  }
0x7c: {  	_ =	shalt  }
0x7d: {  	_ =	shalt  }
0x7e: {  	_ =	shalt  }
0x7f: {  	_ =	shalt  }
0x80: {  	_ =	shalt  }
0x81: {  	_ =	shalt  }
0x82: {  	_ =	shalt  }
0x83: {  	_ =	shalt  }
0x84: {  	_ =	shalt  }
0x85: {  	_ =	shalt  }
0x86: {  	_ =	shalt  }
0x87: {  	_ =	shalt  }
.Lfunc_end0:
.L_simem_size_0:
called_computation.2_lowered:
.L_overlay_start_0:
0x88: {  	s2 =	sld [smem:$0x3FD9]  }
0x89: {  	s3 =	sld [smem:$0x3FFE];
	_ =	sdelay $0x1  }
0x8a: {  	s1 =	srdreg.scid  }
0x8b: {  	s0 =	sand.u32 $0x1, s1  }
0x8c: {  	s17 =	sshll.u32 s0, $0xA;
	s2 =	sadd.s32 s3, s2  }
0x8d: {  	s2 =	sadd.s32 s2, s17  }
0x8e: {  	[smem:$0x3FBE] =	sst s2  }
0x8f: {  	_ = 	snop  }
0x90: {  	s2 =	sld [smem:$0x3FD0];
	(tm) =	ssettm $0x1  }
0x91: {  	s18 =	sld [smem:$0x3FFB];
	_ =	sdelay $0x3  }
0x92: {  	_ =	strace s18  }
0x93: {  	s3 =	sld [smem:$0x3FFC];
	_ =	sdelay $0x3  }
0x94: {  	_ =	strace s3  }
0x95: {  	s3 =	sld [smem:$0x3FFD];
	_ =	sdelay $0x3  }
0x96: {  	_ =	strace s3  }
0x97: {  	_ =	strace $0x8FFFFFFF  }
0x98: {  	s19 =	sld [smem:$0x3FDB];
	_ =	sdelay $0x1  }
0x99: {  	s4 =	simm.s32 $_scs_section_size  }
0x9a: {  	s5 =	simm.s32 $_size__tile_overlayer_lowered;
	s6 =	simm.s32 $_tile_overlayer_lowered  }
0x9b: {  	s22 =	simm.s32 $0x1BFF;
	s21 =	sshll.u32 s6, $0x1;
	s3 =	sadd.s32 s4, s19  }
0x9c: {  	s7 =	simm.s32 $0x0;
	s20 =	sshll.u32 s5, $0x1;
	s5 =	sadd.s32 s21, s3  }
0x9d: {  	[timem:s7], [sflag:s22] =	dma.local [hbm:s5], s20  }
0x9e: {  	_ =	swait.ge [sflag:s22], s20  }
0x9f: {  	s4 =	ssub.s32 $0x0, s20;
	[sflag:s22] =	ssyncset.done $0x0  }
0xa0: {  	[sflag:s22] =	ssyncadd.s32 s4;
	_ =	sdelay $0x1  }
0xa1: {  	s23 =	simm.s32 $0x1B8B  }
0xa2: {  	_ =	swait.ge [sflag:s23], $0x1  }
0xa3: {  	[sflag:s23] =	ssyncset.done $0x0  }
0xa4: {  	s25 =	simm.s32 $0x1B8E;
	s24 =	sld [smem:$0x3FFE];
	[sflag:s23] =	ssyncadd.s32 $0xFFFFFFFF  }
0xa5: {  	s26 =	simm.s32 $execute0_lowered;
	[smem:$0x3FD2] =	sst s25  }
0xa6: {  	s5 =	sshll.u32 s26, $0x1;
	_ =	strace $0x8000004C;
	[dreg:$0x1] =	wrdreg $0xFFFFFFFF  }
0xa7: {  	s28 =	simm.s32 $_size_execute0_lowered;
	s3 =	sadd.s32 s3, s5;
	[dreg:$0x0] =	wrdreg $0x0  }
0xa8: {  	s5 =	sshll.u32 s28, $0x1;
	[dreg:$0x2] =	wrdreg s3  }
0xa9: {  	[dreg:$0x3] =	wrdreg s5  }
0xaa: {  	[dreg:$0x4] =	wrdreg $0xC0  }
0xab: {  	_ =	task [dreg:s7], $0x5FFFF  }
0xac: {  	[dreg:$0x1] =	wrdreg $0xFFFFFFFF  }
0xad: {  	[dreg:$0x0] =	wrdreg $0x60  }
0xae: {  	[dreg:$0x2] =	wrdreg s24  }
0xaf: {  	[dreg:$0x3] =	wrdreg s2  }
0xb0: {  	[dreg:$0x4] =	wrdreg $0x88000  }
0xb1: {  	[dreg:$0x5] =	wrdreg $0x9  }
0xb2: {  	_ =	task.clear_ibuf [dreg:s7], $0x6FFFF;
	_ =	strace $0x9000004C  }
0xb3: {  	s29 =	simm.s32 $0x9;
	_ =	strace $0x8000004E  }
0xb4: {  	_ =	swait.ge [sflag:s29], $0x1  }
0xb5: {  	[sflag:s29] =	ssyncadd.s32 $0xFFFFFFFF  }
0xb6: {  	_ =	strace $0x9000004E  }
0xb7: {  	_ =	sfence  }
0xb8: {  	s30 =	sld [smem:$0x0];
	_ =	sdelay $0x2  }
0xb9: {  	s31 =	sshll.u32 s1, $0xD;
	s1 =	sshrl.u32 s1, $0x2  }
0xba: {  	s3 =	sand.u32 $0x4000, s31;
	s1 =	sadd.s32 s1, s30  }
0xbb: {  	s0 =	sor.u32 s3, s0;
	s1 =	sshll.u32 s1, $0x11  }
0xbc: {  	s0 =	sor.u32 s1, s0  }
0xbd: {  	s0 =	sadd.s32 $0x8F2B, s0  }
0xbe: {  	[sflag:s0] =	ssyncadd.remote.s32 $0x1  }
0xbf: {  	_ =	sfence.sel $0xFFFF  }
0xc0: {  	[dreg:$0x0] =	wrdreg $0xFFFFFFFF;
	(pc) =	sbr.abs _section_cstart, $3  }
0xc1: {  	[dreg:$0x1] =	wrdreg $0xFFFFFFFF  }
0xc2: {  	_ =	task.clear_ibuf [dreg:s7], $0x2FFFF;
	_ =	strace $0x9FFFFFFF  }
0xc3: {  	(tm) =	ssettm $0x7FFFFFFF  }
tec
execute0_lowered:
.L_overlay_start_1:
0x0: {  	(tag) =	ssettag $0x1  }
0x1: {  	s0 =	rddreg [dreg:$0x0]  }
0x2: {  	s12 =	rddreg [dreg:$0x1]  }
0x3: {  	s2 =	rddreg [dreg:$0x2];
	s4 =	simm.s32 $0x0;
	s1 =	srdreg.scid  }
0x4: {  	s13 =	stileid.u32;
	s28 =	simm.s32 $0x4800;
	s29 =	simm.s32 $0x2  }
0x5: {  	s30 =	simm.s32 $0x480;
	s31 =	simm.s32 $0x100;
	[smem:$0x7FF] =	sst s4  }
0x6: {  	s1 =	sand.u32 $0x1, s1;
	s3 =	smul.u32 $0x4F000, s13;
	s5 =	sadd.s32 $0xD400, s0  }
0x7: {  	s7 =	smul.u32 $0x13C00, s13;
	s22 =	sadd.s32 $0x3400, s0;
	s0 =	sadd.s32 $0x34600, s0  }
0x8: {  	s15 =	sshll.u32 s13, $0x8;
	_ =	strace $0x8000004D;
	s6 =	ssub.s32 $0x2, s1  }
0x9: {  	s11 =	smul.u32 $0x13C000, s1;
	p0 =	seq.s32 s1, $0x1;
	s1 =	sor.u32 $0x9000, s15  }
0xa: {  	s15 =	simm.s32 $0x600;
	[dreg:$0x4] =	wrdreg s22;
	s8 =	sshrl.u32 s6, $0x1  }
0xb: {  	s3 =	sshrl.u32 s3, $0x2;
	s21 =	sadd.s32 $0x4000, s7;
	s24 =	sadd.s32 $0x8000, s7  }
0xc: {  	s9 =	sadd.s32 $0xC000, s7;
	s10 =	sadd.s32 $0x10000, s7;
	[dreg:$0xa] =	wrdreg s1  }
0xd: {  	s6 =	ssub.s32 s6, s8;
	s3 =	sadd.s32 s3, s2;
	s23 =	sadd.s32 s21, s2  }
0xe: {  	s14 =	sadd.s32 s24, s2;
	s25 =	sadd.s32 s9, s2;
	[dreg:$0x5] =	wrdreg s3  }
0xf: {  	s26 =	sadd.s32 s10, s2;
	s7 =	sadd.s32 s7, s11;
	[dreg:$0x6] =	wrdreg s23  }
0x10: {  	s17 =	sadd.s32 s11, s21;
	s20 =	sadd.s32 s11, s9;
	[dreg:$0x7] =	wrdreg s14  }
0x11: {  	s21 =	sadd.s32 s11, s10;
	s8 =	simm.s32 $0x380;
	[dreg:$0x8] =	wrdreg s25  }
0x12: {  	s9 =	simm.s32 $0x780;
	s10 =	simm.s32 $0x80;
	[dreg:$0x9] =	wrdreg s26  }
0x13: {  	s16 =	sshrl.u32 s7, $0x3;
	s18 =	sshrl.u32 s17, $0x3;
	s3 =	sadd.s32 s11, s24  }
0x14: {  	s23 =	smul.u32 $0x900, s13;
	s25 =	sshrl.u32 s21, $0x3;
	s26 =	smax.u32 s6, $0x1  }
0x15: {  	s21 =	simm.s32 $0x800;
	s13 =	simm.s32 $0x580;
	s14 =	simm.s32 $0x200  }
0x16: {  	s17 =	simm.s32 $0x680;
	s7 =	simm.s32 $0x700;
	s6 =	simm.s32 $0x0  }
0x17: {  	s1 =	sadd.s32 s0, s16;
	s19 =	sshrl.u32 s3, $0x3;
	s3 =	sshrl.u32 s20, $0x3  }
0x18: {  	[dreg:$0x10] =	wrdreg s26;
	s26 =	simm.s32 $0x1;
	s16 =	simm.s32 $0x280  }
0x19: {  	[dreg:$0xb] =	wrdreg s1;
	s1 =	sadd.s32 s0, s18;
	s24 =	sadd.s32 s0, s3  }
.Ltmp0:
0x1a: {  	s20 =	sadd.s32 s23, s12;
	s3 =	simm.s32 $0x180;
	(pc) =	sbr.rel .LBB2_1-.Ltmp0, $4  }
0x1b: {  	s18 =	simm.s32 $0x300;
	[dreg:$0xc] =	wrdreg s1;
	s1 =	sadd.s32 s0, s19  }
0x1c: {  	[dreg:$0xe] =	wrdreg s24;
	s0 =	sadd.s32 s0, s25;
	s19 =	sadd.s32 s23, s22  }
0x1d: {  	s23 =	simm.s32 $0x400;
	s24 =	simm.s32 $0x3;
	[dreg:$0xd] =	wrdreg s1  }
0x1e: {  	v0 =	vimm.f32 $0.0e+00;
	s25 =	simm.s32 $0x4;
	[dreg:$0xf] =	wrdreg s0;
	s0 =	simm.s32 $0x500  }
.LBB2_6:
0x1f: {  	s1 =	sadd.s32 s11, s20;
	[sflag:s25] =	ssyncadd.s32 $0xFFFFC000  }
0x20: {  	[tilespmem:s4], [sflag:$0x3] =	stream.linear.gather [hbm4b:s1+s4], $0x400, $0x38;
	[tilespmem:$0x1C400] =	vst v63  }
0x21: {  	s22 =	sadd.s32 s11, s19  }
0x22: {  	[tilespmem:s23], [sflag:$0x4] =	stream.linear.gather [hbm4b:s22+s4], $0x400, $0x38;
	[tilespmem:$0x1C400] =	vst v63  }
0x23: {  	_ =	swait.ge [sflag:s24], $0x400  }
0x24: {  	[sflag:s24] =	ssyncset.done $0x0  }
0x25: {  	[sflag:s24] =	ssyncadd.s32 $0xFFFFFC00  }
0x26: {  	[tilespmem:s21], [sflag:$0x1] =	stream.indirect.gather [hbm4b:s5+s10], $0x80, s4, s10, $0xb8;
	[tilespmem:$0x1C400] =	vst v63  }
0x27: {  	_ =	swait.ge [sflag:s25], $0x400  }
0x28: {  	[sflag:s25] =	ssyncset.done $0x0  }
0x29: {  	[sflag:s25] =	ssyncadd.s32 $0xFFFFFC00  }
0x2a: {  	_ =	swait.ge [sflag:s26], $0x4000  }
0x2b: {  	[sflag:s26] =	ssyncset.done $0x0  }
0x2c: {  	[sflag:s26] =	ssyncadd.s32 $0xFFFFC000  }
0x2d: {  	[spmem:s2] =	stream.indirect.scatter.add.f32 [tilespmem:s21], [sflag:$0x3], $0x80, s23, s10, $0xb8;
	[tilespmem:$0x1C400] =	vst v63  }
0x2e: {  	_ = 	snop  }
0x2f: {  	[tilespmem:s28], [sflag:$0x2] =	stream.indirect.gather [hbm4b:s5+s10], $0x80, s10, s10, $0xb8;
	[tilespmem:$0x1C400] =	vst v63  }
0x30: {  	_ =	swait.ge [sflag:s29], $0x4000  }
0x31: {  	[sflag:s29] =	ssyncset.done $0x0  }
0x32: {  	[sflag:s29] =	ssyncadd.s32 $0xFFFFC000  }
0x33: {  	[spmem:s2] =	stream.indirect.scatter.add.f32 [tilespmem:s28], [sflag:$0x4], $0x80, s30, s10, $0xb8;
	[tilespmem:$0x1C400] =	vst v63  }
0x34: {  	_ =	swait.ge [sflag:s24], $0x4000  }
0x35: {  	[sflag:s24] =	ssyncset.done $0x0  }
0x36: {  	[sflag:s24] =	ssyncadd.s32 $0xFFFFC000  }
0x37: {  	[tilespmem:s21], [sflag:$0x1] =	stream.indirect.gather [hbm4b:s5+s10], $0x80, s31, s10, $0xb8;
	[tilespmem:$0x1C400] =	vst v63  }
0x38: {  	_ =	swait.ge [sflag:s26], $0x4000  }
0x39: {  	[sflag:s26] =	ssyncset.done $0x0  }
0x3a: {  	[sflag:s26] =	ssyncadd.s32 $0xFFFFC000  }
0x3b: {  	[spmem:s2] =	stream.indirect.scatter.add.f32 [tilespmem:s21], [sflag:$0x3], $0x80, s0, s10, $0xb8;
	[tilespmem:$0x1C400] =	vst v63  }
0x3c: {  	_ =	swait.ge [sflag:s25], $0x4000  }
0x3d: {  	[sflag:s25] =	ssyncset.done $0x0  }
0x3e: {  	[sflag:s25] =	ssyncadd.s32 $0xFFFFC000  }
0x3f: {  	[tilespmem:s28], [sflag:$0x2] =	stream.indirect.gather [hbm4b:s5+s10], $0x80, s3, s10, $0xb8;
	[tilespmem:$0x1C400] =	vst v63  }
0x40: {  	_ =	swait.ge [sflag:s29], $0x4000  }
0x41: {  	[sflag:s29] =	ssyncset.done $0x0  }
0x42: {  	[sflag:s29] =	ssyncadd.s32 $0xFFFFC000  }
0x43: {  	[spmem:s2] =	stream.indirect.scatter.add.f32 [tilespmem:s28], [sflag:$0x4], $0x80, s13, s10, $0xb8;
	[tilespmem:$0x1C400] =	vst v63  }
0x44: {  	_ =	swait.ge [sflag:s24], $0x4000  }
0x45: {  	[sflag:s24] =	ssyncset.done $0x0  }
0x46: {  	[sflag:s24] =	ssyncadd.s32 $0xFFFFC000  }
0x47: {  	[tilespmem:s21], [sflag:$0x1] =	stream.indirect.gather [hbm4b:s5+s10], $0x80, s14, s10, $0xb8;
	[tilespmem:$0x1C400] =	vst v63  }
0x48: {  	_ =	swait.ge [sflag:s26], $0x4000  }
0x49: {  	[sflag:s26] =	ssyncset.done $0x0  }
0x4a: {  	[sflag:s26] =	ssyncadd.s32 $0xFFFFC000  }
0x4b: {  	[spmem:s2] =	stream.indirect.scatter.add.f32 [tilespmem:s21], [sflag:$0x3], $0x80, s15, s10, $0xb8;
	[tilespmem:$0x1C400] =	vst v63  }
0x4c: {  	_ =	swait.ge [sflag:s25], $0x4000  }
0x4d: {  	[sflag:s25] =	ssyncset.done $0x0  }
0x4e: {  	[sflag:s25] =	ssyncadd.s32 $0xFFFFC000  }
0x4f: {  	[tilespmem:s28], [sflag:$0x2] =	stream.indirect.gather [hbm4b:s5+s10], $0x80, s16, s10, $0xb8;
	[tilespmem:$0x1C400] =	vst v63  }
0x50: {  	_ =	swait.ge [sflag:s29], $0x4000  }
0x51: {  	[sflag:s29] =	ssyncset.done $0x0  }
0x52: {  	[sflag:s29] =	ssyncadd.s32 $0xFFFFC000  }
0x53: {  	[spmem:s2] =	stream.indirect.scatter.add.f32 [tilespmem:s28], [sflag:$0x4], $0x80, s17, s10, $0xb8;
	[tilespmem:$0x1C400] =	vst v63  }
0x54: {  	_ =	swait.ge [sflag:s24], $0x4000  }
0x55: {  	[sflag:s24] =	ssyncset.done $0x0  }
0x56: {  	[sflag:s24] =	ssyncadd.s32 $0xFFFFC000  }
0x57: {  	[tilespmem:s21], [sflag:$0x1] =	stream.indirect.gather [hbm4b:s5+s10], $0x80, s18, s10, $0xb8;
	[tilespmem:$0x1C400] =	vst v63  }
0x58: {  	_ =	swait.ge [sflag:s26], $0x4000  }
0x59: {  	[sflag:s26] =	ssyncset.done $0x0  }
0x5a: {  	[sflag:s26] =	ssyncadd.s32 $0xFFFFC000  }
0x5b: {  	[spmem:s2] =	stream.indirect.scatter.add.f32 [tilespmem:s21], [sflag:$0x3], $0x80, s7, s10, $0xb8;
	[tilespmem:$0x1C400] =	vst v63  }
0x5c: {  	_ =	swait.ge [sflag:s25], $0x4000  }
0x5d: {  	[sflag:s25] =	ssyncset.done $0x0  }
0x5e: {  	[sflag:s25] =	ssyncadd.s32 $0xFFFFC000  }
0x5f: {  	[tilespmem:s28], [sflag:$0x2] =	stream.indirect.gather [hbm4b:s5+s10], $0x80, s8, s10, $0xb8;
	[tilespmem:$0x1C400] =	vst v63  }
0x60: {  	_ =	swait.ge [sflag:s29], $0x4000  }
0x61: {  	[sflag:s29] =	ssyncset.done $0x0  }
0x62: {  	[sflag:s29] =	ssyncadd.s32 $0xFFFFC000  }
0x63: {  	[spmem:s2] =	stream.indirect.scatter.add.f32 [tilespmem:s28], [sflag:$0x4], $0x80, s9, s10, $0xb8;
	[tilespmem:$0x1C400] =	vst v63  }
0x64: {  	_ =	swait.ge [sflag:s24], $0x4000  }
0x65: {  	[sflag:s24] =	ssyncset.done $0x0  }
0x66: {  	[sflag:s24] =	ssyncadd.s32 $0xFFFFC000  }
0x67: {  	_ =	swait.ge [sflag:s25], $0x4000  }
0x68: {  	[sflag:s25] =	ssyncset.done $0x0  }
0x69: {  	[sflag:s25] =	ssyncadd.s32 $0xFFFFC000  }
0x6a: {  	s12 =	rddreg [dreg:$0x1]  }
.LBB2_8:
0x6b: {  	[bflag:$0x0] =	sbarrier.arrive $0xFFFF  }
0x6c: {  	s6 =	simm.s32 $0x5;
	s1 =	rddreg [dreg:$0x5]  }
0x6d: {  	[tilespmem:s21], [sflag:$0x5] =	stream.linear.gather [spmem:s1], $0x4000, $0x38;
	[tilespmem:$0x1C400] =	vst v63  }
0x6e: {  	_ =	swait.ge [sflag:s6], $0x4000  }
0x6f: {  	[sflag:s6] =	ssyncset.done $0x0  }
0x70: {  	s11 =	rddreg [dreg:$0xb];
	[sflag:s6] =	ssyncadd.s32 $0xFFFFC000  }
0x71: {  	[hbm4b:s11+s4] =	stream.linear.scatter [tilespmem:s21], [sflag:$0x1], $0x4000, $0x38;
	[tilespmem:$0x1C400] =	vst v63  }
0x72: {  	s22 =	rddreg [dreg:$0x6]  }
0x73: {  	[tilespmem:s28], [sflag:$0x5] =	stream.linear.gather [spmem:s22], $0x4000, $0x38;
	[tilespmem:$0x1C400] =	vst v63  }
0x74: {  	_ =	swait.ge [sflag:s6], $0x4000  }
0x75: {  	[sflag:s6] =	ssyncset.done $0x0  }
0x76: {  	s11 =	rddreg [dreg:$0xc];
	[sflag:s6] =	ssyncadd.s32 $0xFFFFC000  }
0x77: {  	[hbm4b:s11+s4] =	stream.linear.scatter [tilespmem:s28], [sflag:$0x2], $0x4000, $0x38;
	[tilespmem:$0x1C400] =	vst v63  }
0x78: {  	_ =	swait.ge [sflag:s26], $0x4000  }
0x79: {  	[sflag:s26] =	ssyncset.done $0x0  }
0x7a: {  	s22 =	rddreg [dreg:$0x7];
	[sflag:s26] =	ssyncadd.s32 $0xFFFFC000  }
0x7b: {  	[tilespmem:s21], [sflag:$0x5] =	stream.linear.gather [spmem:s22], $0x4000, $0x38;
	[tilespmem:$0x1C400] =	vst v63  }
0x7c: {  	_ =	swait.ge [sflag:s6], $0x4000  }
0x7d: {  	[sflag:s6] =	ssyncset.done $0x0  }
0x7e: {  	s11 =	rddreg [dreg:$0xd];
	[sflag:s6] =	ssyncadd.s32 $0xFFFFC000  }
0x7f: {  	[hbm4b:s11+s4] =	stream.linear.scatter [tilespmem:s21], [sflag:$0x1], $0x4000, $0x38;
	[tilespmem:$0x1C400] =	vst v63  }
0x80: {  	_ =	swait.ge [sflag:s29], $0x4000  }
0x81: {  	[sflag:s29] =	ssyncset.done $0x0  }
0x82: {  	s22 =	rddreg [dreg:$0x8];
	[sflag:s29] =	ssyncadd.s32 $0xFFFFC000  }
0x83: {  	[tilespmem:s28], [sflag:$0x5] =	stream.linear.gather [spmem:s22], $0x4000, $0x38;
	[tilespmem:$0x1C400] =	vst v63  }
0x84: {  	_ =	swait.ge [sflag:s6], $0x4000  }
0x85: {  	[sflag:s6] =	ssyncset.done $0x0  }
0x86: {  	s11 =	rddreg [dreg:$0xe];
	[sflag:s6] =	ssyncadd.s32 $0xFFFFC000  }
0x87: {  	[hbm4b:s11+s4] =	stream.linear.scatter [tilespmem:s28], [sflag:$0x2], $0x4000, $0x38;
	[tilespmem:$0x1C400] =	vst v63  }
0x88: {  	_ =	swait.ge [sflag:s26], $0x4000  }
0x89: {  	[sflag:s26] =	ssyncset.done $0x0  }
0x8a: {  	s22 =	rddreg [dreg:$0x9];
	[sflag:s26] =	ssyncadd.s32 $0xFFFFC000  }
0x8b: {  	[tilespmem:s21], [sflag:$0x5] =	stream.linear.gather [spmem:s22], $0x3C00, $0x38;
	[tilespmem:$0x1C400] =	vst v63  }
0x8c: {  	_ =	swait.ge [sflag:s6], $0x3C00  }
0x8d: {  	[sflag:s6] =	ssyncset.done $0x0  }
0x8e: {  	[sflag:s6] =	ssyncadd.s32 $0xFFFFC400;
	s6 =	rddreg [dreg:$0xf]  }
0x8f: {  	[hbm4b:s6+s4] =	stream.linear.scatter [tilespmem:s21], [sflag:$0x1], $0x3C00, $0x38;
	[tilespmem:$0x1C400] =	vst v63  }
0x90: {  	_ =	swait.ge [sflag:s29], $0x4000  }
0x91: {  	[sflag:s29] =	ssyncset.done $0x0  }
0x92: {  	[sflag:s29] =	ssyncadd.s32 $0xFFFFC000  }
0x93: {  	_ =	swait.ge [sflag:s26], $0x3C00  }
0x94: {  	s11 =	rddreg [dreg:$0x11]  }
0x95: {  	s22 =	rddreg [dreg:$0x10];
	s6 =	sadd.s32 $0x1, s11  }
0x96: {  	p1 =	sne.s32 s6, s22  }
.Ltmp1:
0x97: {  	_ = 	snop;
	(pc) =	sbr.rel @!p1 .LBB2_9-.Ltmp1, $3  }
0x98: {  	_ =	sdelay $0x1  }
0x99: {  	[sflag:s26] =	ssyncset.done $0x0  }
0x9a: {  	[sflag:s26] =	ssyncadd.s32 $0xFFFFC400  }
.LBB2_1:
0x9b: {  	s1 =	sand.u32 $0xFE00, s4  }
0x9c: {  	[dreg:$0x11] =	wrdreg s6;
	s22 =	sand.u32 $0x70, s4;
	s11 =	sshrl.u32 s1, $0x2  }
0x9d: {  	s1 =	simm.s32 $0x40;
	s6 =	sor.u32 s22, s11;
	s11 =	simm.s32 $0x0  }
.LBB2_2:
0x9e: {  	p1 =	sne.s32 s1, $0xFFC0  }
0x9f: {  	[tilespmem:s6+$0x800] =	vst v0;
	s11 =	sadd.s32 $0x10, s11;
	s6 =	smov.u32 s1;
	s1 =	sadd.s32 $0x40, s1  }
.Ltmp2:
0xa0: {  	(pc) =	sbr.rel @p1 .LBB2_2-.Ltmp2, $4  }
0xa1: {  	_ = 	snop  }
0xa2: {  	s6 =	sand.u32 $0xFE00, s6  }
0xa3: {  	s22 =	sand.u32 $0x70, s11;
	s6 =	sshrl.u32 s6, $0x2  }
0xa4: {  	s6 =	sor.u32 s22, s6  }
0xa5: {  	[tilespmem:s6+$0x800] =	vst v0;
	s1 =	rddreg [dreg:$0x5];
	s6 =	simm.s32 $0x5  }
0xa6: {  	[spmem:s1] =	stream.linear.scatter [tilespmem:s21], [sflag:$0x5], $0x4000, $0x38;
	[tilespmem:$0x1C400] =	vst v63  }
0xa7: {  	_ =	swait.ge [sflag:s6], $0x4000  }
0xa8: {  	[sflag:s6] =	ssyncset.done $0x0  }
0xa9: {  	s11 =	rddreg [dreg:$0x6];
	[sflag:s6] =	ssyncadd.s32 $0xFFFFC000  }
0xaa: {  	[spmem:s11] =	stream.linear.scatter [tilespmem:s21], [sflag:$0x5], $0x4000, $0x38;
	[tilespmem:$0x1C400] =	vst v63  }
0xab: {  	_ =	swait.ge [sflag:s6], $0x4000  }
0xac: {  	[sflag:s6] =	ssyncset.done $0x0  }
0xad: {  	s22 =	rddreg [dreg:$0x7];
	[sflag:s6] =	ssyncadd.s32 $0xFFFFC000  }
0xae: {  	[spmem:s22] =	stream.linear.scatter [tilespmem:s21], [sflag:$0x5], $0x4000, $0x38;
	[tilespmem:$0x1C400] =	vst v63  }
0xaf: {  	_ =	swait.ge [sflag:s6], $0x4000  }
0xb0: {  	[sflag:s6] =	ssyncset.done $0x0  }
0xb1: {  	s11 =	rddreg [dreg:$0x8];
	[sflag:s6] =	ssyncadd.s32 $0xFFFFC000  }
0xb2: {  	[spmem:s11] =	stream.linear.scatter [tilespmem:s21], [sflag:$0x5], $0x4000, $0x38;
	[tilespmem:$0x1C400] =	vst v63  }
0xb3: {  	_ =	swait.ge [sflag:s6], $0x4000  }
0xb4: {  	[sflag:s6] =	ssyncset.done $0x0  }
0xb5: {  	s22 =	rddreg [dreg:$0x9];
	[sflag:s6] =	ssyncadd.s32 $0xFFFFC000  }
0xb6: {  	[spmem:s22] =	stream.linear.scatter [tilespmem:s21], [sflag:$0x5], $0x3C00, $0x38;
	[tilespmem:$0x1C400] =	vst v63  }
0xb7: {  	_ =	swait.ge [sflag:s6], $0x3C00  }
.Ltmp3:
0xb8: {  	[sflag:s6] =	ssyncset.done $0x0;
	(pc) =	sbr.rel @!p0 .LBB2_4-.Ltmp3, $4  }
0xb9: {  	[sflag:s6] =	ssyncadd.s32 $0xFFFFC400  }
0xba: {  	[bflag:$0x0] =	sbarrier.arrive $0xFFFF  }
0xbb: {  	s22 =	rddreg [dreg:$0x4]  }
0xbc: {  	p1 =	por $0x1, $0x1;
	s1 =	simm.s32 $0x0;
	s11 =	rddreg [dreg:$0xa]  }
.LBB2_7:
0xbd: {  	s1 =	sor.u32 s11, s1  }
0xbe: {  	s6 =	sadd.s32 s12, s1  }
0xbf: {  	[tilespmem:s4], [sflag:$0x3] =	stream.linear.gather [hbm4b:s6+s4], $0x400, $0x38;
	[tilespmem:$0x1C400] =	vst v63  }
0xc0: {  	s1 =	sadd.s32 s22, s1  }
0xc1: {  	[tilespmem:s23], [sflag:$0x4] =	stream.linear.gather [hbm4b:s1+s4], $0x400, $0x38;
	[tilespmem:$0x1C400] =	vst v63  }
0xc2: {  	_ =	swait.ge [sflag:s24], $0x400  }
0xc3: {  	[sflag:s24] =	ssyncset.done $0x0  }
0xc4: {  	s1 =	simm.s32 $0x80;
	[sflag:s24] =	ssyncadd.s32 $0xFFFFFC00  }
0xc5: {  	[tilespmem:s21], [sflag:$0x1] =	stream.indirect.gather [hbm4b:s5+s1], $0x80, s4, s1, $0xb8;
	[tilespmem:$0x1C400] =	vst v63  }
0xc6: {  	_ =	swait.ge [sflag:s25], $0x400  }
0xc7: {  	[sflag:s25] =	ssyncset.done $0x0  }
0xc8: {  	[sflag:s25] =	ssyncadd.s32 $0xFFFFFC00  }
0xc9: {  	_ =	swait.ge [sflag:s26], $0x4000  }
0xca: {  	[sflag:s26] =	ssyncset.done $0x0  }
0xcb: {  	[sflag:s26] =	ssyncadd.s32 $0xFFFFC000  }
0xcc: {  	[spmem:s2] =	stream.indirect.scatter.add.f32 [tilespmem:s21], [sflag:$0x3], $0x80, s23, s1, $0xb8;
	[tilespmem:$0x1C400] =	vst v63  }
0xcd: {  	_ = 	snop  }
0xce: {  	[tilespmem:s28], [sflag:$0x2] =	stream.indirect.gather [hbm4b:s5+s1], $0x80, s1, s1, $0xb8;
	[tilespmem:$0x1C400] =	vst v63  }
0xcf: {  	_ =	swait.ge [sflag:s29], $0x4000  }
0xd0: {  	[sflag:s29] =	ssyncset.done $0x0  }
0xd1: {  	[sflag:s29] =	ssyncadd.s32 $0xFFFFC000  }
0xd2: {  	[spmem:s2] =	stream.indirect.scatter.add.f32 [tilespmem:s28], [sflag:$0x4], $0x80, s30, s1, $0xb8;
	[tilespmem:$0x1C400] =	vst v63  }
0xd3: {  	_ =	swait.ge [sflag:s24], $0x4000  }
0xd4: {  	[sflag:s24] =	ssyncset.done $0x0  }
0xd5: {  	[sflag:s24] =	ssyncadd.s32 $0xFFFFC000  }
0xd6: {  	[tilespmem:s21], [sflag:$0x1] =	stream.indirect.gather [hbm4b:s5+s1], $0x80, s31, s1, $0xb8;
	[tilespmem:$0x1C400] =	vst v63  }
0xd7: {  	_ =	swait.ge [sflag:s26], $0x4000  }
0xd8: {  	[sflag:s26] =	ssyncset.done $0x0  }
0xd9: {  	[sflag:s26] =	ssyncadd.s32 $0xFFFFC000  }
0xda: {  	[spmem:s2] =	stream.indirect.scatter.add.f32 [tilespmem:s21], [sflag:$0x3], $0x80, s0, s1, $0xb8;
	[tilespmem:$0x1C400] =	vst v63  }
0xdb: {  	_ =	swait.ge [sflag:s25], $0x4000  }
0xdc: {  	[sflag:s25] =	ssyncset.done $0x0  }
0xdd: {  	[sflag:s25] =	ssyncadd.s32 $0xFFFFC000  }
0xde: {  	[tilespmem:s28], [sflag:$0x2] =	stream.indirect.gather [hbm4b:s5+s1], $0x80, s3, s1, $0xb8;
	[tilespmem:$0x1C400] =	vst v63  }
0xdf: {  	_ =	swait.ge [sflag:s29], $0x4000  }
0xe0: {  	[sflag:s29] =	ssyncset.done $0x0  }
0xe1: {  	[sflag:s29] =	ssyncadd.s32 $0xFFFFC000  }
0xe2: {  	[spmem:s2] =	stream.indirect.scatter.add.f32 [tilespmem:s28], [sflag:$0x4], $0x80, s13, s1, $0xb8;
	[tilespmem:$0x1C400] =	vst v63  }
0xe3: {  	_ =	swait.ge [sflag:s24], $0x4000  }
0xe4: {  	[sflag:s24] =	ssyncset.done $0x0  }
0xe5: {  	[sflag:s24] =	ssyncadd.s32 $0xFFFFC000  }
0xe6: {  	[tilespmem:s21], [sflag:$0x1] =	stream.indirect.gather [hbm4b:s5+s1], $0x80, s14, s1, $0xb8;
	[tilespmem:$0x1C400] =	vst v63  }
0xe7: {  	_ =	swait.ge [sflag:s26], $0x4000  }
0xe8: {  	[sflag:s26] =	ssyncset.done $0x0  }
0xe9: {  	[sflag:s26] =	ssyncadd.s32 $0xFFFFC000  }
0xea: {  	[spmem:s2] =	stream.indirect.scatter.add.f32 [tilespmem:s21], [sflag:$0x3], $0x80, s15, s1, $0xb8;
	[tilespmem:$0x1C400] =	vst v63  }
0xeb: {  	_ =	swait.ge [sflag:s25], $0x4000  }
0xec: {  	[sflag:s25] =	ssyncset.done $0x0  }
0xed: {  	[sflag:s25] =	ssyncadd.s32 $0xFFFFC000  }
0xee: {  	[tilespmem:s28], [sflag:$0x2] =	stream.indirect.gather [hbm4b:s5+s1], $0x80, s16, s1, $0xb8;
	[tilespmem:$0x1C400] =	vst v63  }
0xef: {  	_ =	swait.ge [sflag:s29], $0x4000  }
0xf0: {  	[sflag:s29] =	ssyncset.done $0x0  }
0xf1: {  	[sflag:s29] =	ssyncadd.s32 $0xFFFFC000  }
0xf2: {  	[spmem:s2] =	stream.indirect.scatter.add.f32 [tilespmem:s28], [sflag:$0x4], $0x80, s17, s1, $0xb8;
	[tilespmem:$0x1C400] =	vst v63  }
0xf3: {  	_ =	swait.ge [sflag:s24], $0x4000  }
0xf4: {  	[sflag:s24] =	ssyncset.done $0x0  }
0xf5: {  	[sflag:s24] =	ssyncadd.s32 $0xFFFFC000  }
0xf6: {  	[tilespmem:s21], [sflag:$0x1] =	stream.indirect.gather [hbm4b:s5+s1], $0x80, s18, s1, $0xb8;
	[tilespmem:$0x1C400] =	vst v63  }
0xf7: {  	_ =	swait.ge [sflag:s26], $0x4000  }
0xf8: {  	[sflag:s26] =	ssyncset.done $0x0  }
0xf9: {  	[sflag:s26] =	ssyncadd.s32 $0xFFFFC000  }
0xfa: {  	[spmem:s2] =	stream.indirect.scatter.add.f32 [tilespmem:s21], [sflag:$0x3], $0x80, s7, s1, $0xb8;
	[tilespmem:$0x1C400] =	vst v63  }
0xfb: {  	_ =	swait.ge [sflag:s25], $0x4000  }
0xfc: {  	[sflag:s25] =	ssyncset.done $0x0  }
0xfd: {  	[sflag:s25] =	ssyncadd.s32 $0xFFFFC000  }
0xfe: {  	[tilespmem:s28], [sflag:$0x2] =	stream.indirect.gather [hbm4b:s5+s1], $0x80, s8, s1, $0xb8;
	[tilespmem:$0x1C400] =	vst v63  }
0xff: {  	_ =	swait.ge [sflag:s29], $0x4000  }
0x100: {  	[sflag:s29] =	ssyncset.done $0x0  }
0x101: {  	[sflag:s29] =	ssyncadd.s32 $0xFFFFC000  }
0x102: {  	[spmem:s2] =	stream.indirect.scatter.add.f32 [tilespmem:s28], [sflag:$0x4], $0x80, s9, s1, $0xb8;
	[tilespmem:$0x1C400] =	vst v63  }
0x103: {  	p2 =	por p1, p1;
	_ =	swait.ge [sflag:s24], $0x4000  }
.Ltmp4:
0x104: {  	[sflag:s24] =	ssyncset.done $0x0;
	(pc) =	sbr.rel @p2 .LBB2_7-.Ltmp4, $4  }
0x105: {  	[sflag:s24] =	ssyncadd.s32 $0xFFFFC000  }
0x106: {  	_ =	swait.ge [sflag:s25], $0x4000  }
0x107: {  	[sflag:s25] =	ssyncset.done $0x0  }
0x108: {  	p1 =	por $0x0, $0x0;
	[sflag:s25] =	ssyncadd.s32 $0xFFFFC000  }
.Ltmp5:
0x109: {  	_ = 	snop;
	(pc) =	sbr.rel .LBB2_8-.Ltmp5, $1  }
0x10a: {  	_ =	sdelay $0x3  }
.LBB2_4:
0x10b: {  	s1 =	sadd.s32 $0x0, s20  }
0x10c: {  	[tilespmem:s4], [sflag:$0x3] =	stream.linear.gather [hbm4b:s1+s4], $0x400, $0x38;
	[tilespmem:$0x1C400] =	vst v63  }
0x10d: {  	s22 =	sadd.s32 $0x0, s19  }
0x10e: {  	[tilespmem:s23], [sflag:$0x4] =	stream.linear.gather [hbm4b:s22+s4], $0x400, $0x38;
	[tilespmem:$0x1C400] =	vst v63  }
0x10f: {  	_ =	swait.ge [sflag:s24], $0x400  }
0x110: {  	[sflag:s24] =	ssyncset.done $0x0  }
0x111: {  	[sflag:s24] =	ssyncadd.s32 $0xFFFFFC00  }
0x112: {  	[tilespmem:s21], [sflag:$0x1] =	stream.indirect.gather [hbm4b:s5+s10], $0x80, s4, s10, $0xb8;
	[tilespmem:$0x1C400] =	vst v63  }
0x113: {  	_ =	swait.ge [sflag:s25], $0x400  }
0x114: {  	[sflag:s25] =	ssyncset.done $0x0  }
0x115: {  	[sflag:s25] =	ssyncadd.s32 $0xFFFFFC00  }
0x116: {  	_ =	swait.ge [sflag:s26], $0x4000  }
0x117: {  	[sflag:s26] =	ssyncset.done $0x0  }
0x118: {  	[sflag:s26] =	ssyncadd.s32 $0xFFFFC000  }
0x119: {  	[spmem:s2] =	stream.indirect.scatter.add.f32 [tilespmem:s21], [sflag:$0x3], $0x80, s23, s10, $0xb8;
	[tilespmem:$0x1C400] =	vst v63  }
0x11a: {  	_ = 	snop  }
0x11b: {  	[tilespmem:s28], [sflag:$0x2] =	stream.indirect.gather [hbm4b:s5+s10], $0x80, s10, s10, $0xb8;
	[tilespmem:$0x1C400] =	vst v63  }
0x11c: {  	_ =	swait.ge [sflag:s29], $0x4000  }
0x11d: {  	[sflag:s29] =	ssyncset.done $0x0  }
0x11e: {  	[sflag:s29] =	ssyncadd.s32 $0xFFFFC000  }
0x11f: {  	[spmem:s2] =	stream.indirect.scatter.add.f32 [tilespmem:s28], [sflag:$0x4], $0x80, s30, s10, $0xb8;
	[tilespmem:$0x1C400] =	vst v63  }
0x120: {  	_ =	swait.ge [sflag:s24], $0x4000  }
0x121: {  	[sflag:s24] =	ssyncset.done $0x0  }
0x122: {  	[sflag:s24] =	ssyncadd.s32 $0xFFFFC000  }
0x123: {  	[tilespmem:s21], [sflag:$0x1] =	stream.indirect.gather [hbm4b:s5+s10], $0x80, s31, s10, $0xb8;
	[tilespmem:$0x1C400] =	vst v63  }
0x124: {  	_ =	swait.ge [sflag:s26], $0x4000  }
0x125: {  	[sflag:s26] =	ssyncset.done $0x0  }
0x126: {  	[sflag:s26] =	ssyncadd.s32 $0xFFFFC000  }
0x127: {  	[spmem:s2] =	stream.indirect.scatter.add.f32 [tilespmem:s21], [sflag:$0x3], $0x80, s0, s10, $0xb8;
	[tilespmem:$0x1C400] =	vst v63  }
0x128: {  	_ =	swait.ge [sflag:s25], $0x4000  }
0x129: {  	[sflag:s25] =	ssyncset.done $0x0  }
0x12a: {  	[sflag:s25] =	ssyncadd.s32 $0xFFFFC000  }
0x12b: {  	[tilespmem:s28], [sflag:$0x2] =	stream.indirect.gather [hbm4b:s5+s10], $0x80, s3, s10, $0xb8;
	[tilespmem:$0x1C400] =	vst v63  }
0x12c: {  	_ =	swait.ge [sflag:s29], $0x4000  }
0x12d: {  	[sflag:s29] =	ssyncset.done $0x0  }
0x12e: {  	[sflag:s29] =	ssyncadd.s32 $0xFFFFC000  }
0x12f: {  	[spmem:s2] =	stream.indirect.scatter.add.f32 [tilespmem:s28], [sflag:$0x4], $0x80, s13, s10, $0xb8;
	[tilespmem:$0x1C400] =	vst v63  }
0x130: {  	_ =	swait.ge [sflag:s24], $0x4000  }
0x131: {  	[sflag:s24] =	ssyncset.done $0x0  }
0x132: {  	[sflag:s24] =	ssyncadd.s32 $0xFFFFC000  }
0x133: {  	[tilespmem:s21], [sflag:$0x1] =	stream.indirect.gather [hbm4b:s5+s10], $0x80, s14, s10, $0xb8;
	[tilespmem:$0x1C400] =	vst v63  }
0x134: {  	_ =	swait.ge [sflag:s26], $0x4000  }
0x135: {  	[sflag:s26] =	ssyncset.done $0x0  }
0x136: {  	[sflag:s26] =	ssyncadd.s32 $0xFFFFC000  }
0x137: {  	[spmem:s2] =	stream.indirect.scatter.add.f32 [tilespmem:s21], [sflag:$0x3], $0x80, s15, s10, $0xb8;
	[tilespmem:$0x1C400] =	vst v63  }
0x138: {  	_ =	swait.ge [sflag:s25], $0x4000  }
0x139: {  	[sflag:s25] =	ssyncset.done $0x0  }
0x13a: {  	[sflag:s25] =	ssyncadd.s32 $0xFFFFC000  }
0x13b: {  	[tilespmem:s28], [sflag:$0x2] =	stream.indirect.gather [hbm4b:s5+s10], $0x80, s16, s10, $0xb8;
	[tilespmem:$0x1C400] =	vst v63  }
0x13c: {  	_ =	swait.ge [sflag:s29], $0x4000  }
0x13d: {  	[sflag:s29] =	ssyncset.done $0x0  }
0x13e: {  	[sflag:s29] =	ssyncadd.s32 $0xFFFFC000  }
0x13f: {  	[spmem:s2] =	stream.indirect.scatter.add.f32 [tilespmem:s28], [sflag:$0x4], $0x80, s17, s10, $0xb8;
	[tilespmem:$0x1C400] =	vst v63  }
0x140: {  	_ =	swait.ge [sflag:s24], $0x4000  }
0x141: {  	[sflag:s24] =	ssyncset.done $0x0  }
0x142: {  	[sflag:s24] =	ssyncadd.s32 $0xFFFFC000  }
0x143: {  	[tilespmem:s21], [sflag:$0x1] =	stream.indirect.gather [hbm4b:s5+s10], $0x80, s18, s10, $0xb8;
	[tilespmem:$0x1C400] =	vst v63  }
0x144: {  	_ =	swait.ge [sflag:s26], $0x4000  }
0x145: {  	[sflag:s26] =	ssyncset.done $0x0  }
0x146: {  	[sflag:s26] =	ssyncadd.s32 $0xFFFFC000  }
0x147: {  	[spmem:s2] =	stream.indirect.scatter.add.f32 [tilespmem:s21], [sflag:$0x3], $0x80, s7, s10, $0xb8;
	[tilespmem:$0x1C400] =	vst v63  }
0x148: {  	_ =	swait.ge [sflag:s25], $0x4000  }
0x149: {  	[sflag:s25] =	ssyncset.done $0x0  }
0x14a: {  	[sflag:s25] =	ssyncadd.s32 $0xFFFFC000  }
0x14b: {  	[tilespmem:s28], [sflag:$0x2] =	stream.indirect.gather [hbm4b:s5+s10], $0x80, s8, s10, $0xb8;
	[tilespmem:$0x1C400] =	vst v63  }
0x14c: {  	_ =	swait.ge [sflag:s29], $0x4000  }
0x14d: {  	[sflag:s29] =	ssyncset.done $0x0  }
0x14e: {  	[sflag:s29] =	ssyncadd.s32 $0xFFFFC000  }
0x14f: {  	[spmem:s2] =	stream.indirect.scatter.add.f32 [tilespmem:s28], [sflag:$0x4], $0x80, s9, s10, $0xb8;
	[tilespmem:$0x1C400] =	vst v63  }
0x150: {  	_ =	swait.ge [sflag:s24], $0x4000  }
0x151: {  	[sflag:s24] =	ssyncset.done $0x0  }
0x152: {  	[sflag:s24] =	ssyncadd.s32 $0xFFFFC000  }
0x153: {  	_ =	swait.ge [sflag:s25], $0x4000  }
0x154: {  	s11 =	simm.s32 $0x80;
	s1 =	simm.s32 $0x100;
	[sflag:s25] =	ssyncset.done $0x0  }
.LBB2_5:
0x155: {  	s22 =	sadd.s32 s11, s20  }
0x156: {  	[sflag:s25] =	ssyncadd.s32 $0xFFFFC000;
	s12 =	smov.u32 s1;
	s6 =	sadd.s32 $0x80, s1  }
0x157: {  	[tilespmem:s4], [sflag:$0x3] =	stream.linear.gather [hbm4b:s22+s4], $0x400, $0x38;
	[tilespmem:$0x1C400] =	vst v63  }
0x158: {  	p1 =	seq.s32 s1, $0x880;
	s1 =	sadd.s32 s11, s19;
	s11 =	smov.u32 s12  }
0x159: {  	[tilespmem:s23], [sflag:$0x4] =	stream.linear.gather [hbm4b:s1+s4], $0x400, $0x38;
	[tilespmem:$0x1C400] =	vst v63  }
0x15a: {  	_ =	swait.ge [sflag:s24], $0x400  }
0x15b: {  	[sflag:s24] =	ssyncset.done $0x0  }
0x15c: {  	[sflag:s24] =	ssyncadd.s32 $0xFFFFFC00  }
0x15d: {  	[tilespmem:s21], [sflag:$0x1] =	stream.indirect.gather [hbm4b:s5+s10], $0x80, s4, s10, $0xb8;
	[tilespmem:$0x1C400] =	vst v63  }
0x15e: {  	_ =	swait.ge [sflag:s25], $0x400  }
0x15f: {  	[sflag:s25] =	ssyncset.done $0x0  }
0x160: {  	[sflag:s25] =	ssyncadd.s32 $0xFFFFFC00  }
0x161: {  	_ =	swait.ge [sflag:s26], $0x4000  }
0x162: {  	[sflag:s26] =	ssyncset.done $0x0  }
0x163: {  	[sflag:s26] =	ssyncadd.s32 $0xFFFFC000  }
0x164: {  	[spmem:s2] =	stream.indirect.scatter.add.f32 [tilespmem:s21], [sflag:$0x3], $0x80, s23, s10, $0xb8;
	[tilespmem:$0x1C400] =	vst v63  }
0x165: {  	_ = 	snop  }
0x166: {  	[tilespmem:s28], [sflag:$0x2] =	stream.indirect.gather [hbm4b:s5+s10], $0x80, s10, s10, $0xb8;
	[tilespmem:$0x1C400] =	vst v63  }
0x167: {  	_ =	swait.ge [sflag:s29], $0x4000  }
0x168: {  	[sflag:s29] =	ssyncset.done $0x0  }
0x169: {  	[sflag:s29] =	ssyncadd.s32 $0xFFFFC000  }
0x16a: {  	[spmem:s2] =	stream.indirect.scatter.add.f32 [tilespmem:s28], [sflag:$0x4], $0x80, s30, s10, $0xb8;
	[tilespmem:$0x1C400] =	vst v63  }
0x16b: {  	_ =	swait.ge [sflag:s24], $0x4000  }
0x16c: {  	[sflag:s24] =	ssyncset.done $0x0  }
0x16d: {  	[sflag:s24] =	ssyncadd.s32 $0xFFFFC000  }
0x16e: {  	[tilespmem:s21], [sflag:$0x1] =	stream.indirect.gather [hbm4b:s5+s10], $0x80, s31, s10, $0xb8;
	[tilespmem:$0x1C400] =	vst v63  }
0x16f: {  	_ =	swait.ge [sflag:s26], $0x4000  }
0x170: {  	[sflag:s26] =	ssyncset.done $0x0  }
0x171: {  	[sflag:s26] =	ssyncadd.s32 $0xFFFFC000  }
0x172: {  	[spmem:s2] =	stream.indirect.scatter.add.f32 [tilespmem:s21], [sflag:$0x3], $0x80, s0, s10, $0xb8;
	[tilespmem:$0x1C400] =	vst v63  }
0x173: {  	_ =	swait.ge [sflag:s25], $0x4000  }
0x174: {  	[sflag:s25] =	ssyncset.done $0x0  }
0x175: {  	[sflag:s25] =	ssyncadd.s32 $0xFFFFC000  }
0x176: {  	[tilespmem:s28], [sflag:$0x2] =	stream.indirect.gather [hbm4b:s5+s10], $0x80, s3, s10, $0xb8;
	[tilespmem:$0x1C400] =	vst v63  }
0x177: {  	_ =	swait.ge [sflag:s29], $0x4000  }
0x178: {  	[sflag:s29] =	ssyncset.done $0x0  }
0x179: {  	[sflag:s29] =	ssyncadd.s32 $0xFFFFC000  }
0x17a: {  	[spmem:s2] =	stream.indirect.scatter.add.f32 [tilespmem:s28], [sflag:$0x4], $0x80, s13, s10, $0xb8;
	[tilespmem:$0x1C400] =	vst v63  }
0x17b: {  	_ =	swait.ge [sflag:s24], $0x4000  }
0x17c: {  	[sflag:s24] =	ssyncset.done $0x0  }
0x17d: {  	[sflag:s24] =	ssyncadd.s32 $0xFFFFC000  }
0x17e: {  	[tilespmem:s21], [sflag:$0x1] =	stream.indirect.gather [hbm4b:s5+s10], $0x80, s14, s10, $0xb8;
	[tilespmem:$0x1C400] =	vst v63  }
0x17f: {  	_ =	swait.ge [sflag:s26], $0x4000  }
0x180: {  	[sflag:s26] =	ssyncset.done $0x0  }
0x181: {  	[sflag:s26] =	ssyncadd.s32 $0xFFFFC000  }
0x182: {  	[spmem:s2] =	stream.indirect.scatter.add.f32 [tilespmem:s21], [sflag:$0x3], $0x80, s15, s10, $0xb8;
	[tilespmem:$0x1C400] =	vst v63  }
0x183: {  	_ =	swait.ge [sflag:s25], $0x4000  }
0x184: {  	[sflag:s25] =	ssyncset.done $0x0  }
0x185: {  	[sflag:s25] =	ssyncadd.s32 $0xFFFFC000  }
0x186: {  	[tilespmem:s28], [sflag:$0x2] =	stream.indirect.gather [hbm4b:s5+s10], $0x80, s16, s10, $0xb8;
	[tilespmem:$0x1C400] =	vst v63  }
0x187: {  	_ =	swait.ge [sflag:s29], $0x4000  }
0x188: {  	[sflag:s29] =	ssyncset.done $0x0  }
0x189: {  	[sflag:s29] =	ssyncadd.s32 $0xFFFFC000  }
0x18a: {  	[spmem:s2] =	stream.indirect.scatter.add.f32 [tilespmem:s28], [sflag:$0x4], $0x80, s17, s10, $0xb8;
	[tilespmem:$0x1C400] =	vst v63  }
0x18b: {  	_ =	swait.ge [sflag:s24], $0x4000  }
0x18c: {  	[sflag:s24] =	ssyncset.done $0x0  }
0x18d: {  	[sflag:s24] =	ssyncadd.s32 $0xFFFFC000  }
0x18e: {  	[tilespmem:s21], [sflag:$0x1] =	stream.indirect.gather [hbm4b:s5+s10], $0x80, s18, s10, $0xb8;
	[tilespmem:$0x1C400] =	vst v63  }
0x18f: {  	_ =	swait.ge [sflag:s26], $0x4000  }
0x190: {  	[sflag:s26] =	ssyncset.done $0x0  }
0x191: {  	[sflag:s26] =	ssyncadd.s32 $0xFFFFC000  }
0x192: {  	[spmem:s2] =	stream.indirect.scatter.add.f32 [tilespmem:s21], [sflag:$0x3], $0x80, s7, s10, $0xb8;
	[tilespmem:$0x1C400] =	vst v63  }
0x193: {  	_ =	swait.ge [sflag:s25], $0x4000  }
0x194: {  	[sflag:s25] =	ssyncset.done $0x0  }
0x195: {  	[sflag:s25] =	ssyncadd.s32 $0xFFFFC000  }
0x196: {  	[tilespmem:s28], [sflag:$0x2] =	stream.indirect.gather [hbm4b:s5+s10], $0x80, s8, s10, $0xb8;
	[tilespmem:$0x1C400] =	vst v63  }
0x197: {  	_ =	swait.ge [sflag:s29], $0x4000  }
0x198: {  	[sflag:s29] =	ssyncset.done $0x0  }
0x199: {  	[sflag:s29] =	ssyncadd.s32 $0xFFFFC000  }
0x19a: {  	[spmem:s2] =	stream.indirect.scatter.add.f32 [tilespmem:s28], [sflag:$0x4], $0x80, s9, s10, $0xb8;
	[tilespmem:$0x1C400] =	vst v63  }
.Ltmp6:
0x19b: {  	_ =	swait.ge [sflag:s24], $0x4000;
	(pc) =	sbr.rel @!p1 .LBB2_5-.Ltmp6, $4  }
0x19c: {  	[sflag:s24] =	ssyncset.done $0x0  }
0x19d: {  	[sflag:s24] =	ssyncadd.s32 $0xFFFFC000  }
0x19e: {  	_ =	swait.ge [sflag:s25], $0x4000  }
0x19f: {  	s1 =	smov.u32 s6;
	[sflag:s25] =	ssyncset.done $0x0  }
.Ltmp7:
0x1a0: {  	_ = 	snop;
	(pc) =	sbr.rel .LBB2_6-.Ltmp7, $1  }
0x1a1: {  	_ =	sdelay $0x3  }
.LBB2_9:
0x1a2: {  	_ =	sfence.sel $0x180000  }
0x1a3: {  	[bflag:$0x0] =	sbarrier.arrive $0xFFFF  }
0x1a4: {  	_ =	strace $0x9000004D  }
0x1a5: {  	s0 =	stileid.u32;
	[bflag:$0x2] =	sbarrier.arrive $0xFFFF  }
0x1a6: {  	p0 =	sne.s32 s0, $0x0;
	s0 =	rddreg [dreg:$0x3]  }
0x1a7: {  	s0 =	sadd.s32 @!p0 $0x100000, s0  }
0x1a8: {  	[sflag:s0] =	ssyncadd.tile.s32 @!p0 $0x1;
	_ =	shalt  }
.Lfunc_end2:
_tile_overlayer_lowered:
.L_overlay_start_2:
0x1a9: {  	(tag) =	ssettag $0x2  }
0x1aa: {  	s0 =	rddreg [dreg:$0x0];
	s2 =	stileid.u32  }
0x1ab: {  	s1 =	rddreg [dreg:$0x1];
	p0 =	sne.s32 s2, $0x0  }
0x1ac: {  	s3 =	rddreg [dreg:$0x2];
	[bflag:$0x3] =	sbarrier.arrive $0xFFFF;
	s2 =	simm.s32 @!p0 $0x1C05  }
0x1ad: {  	[timem:s3], [sflag:s2] =	dma.local @!p0 [hbm:s0], s1  }
0x1ae: {  	s0 =	simm.s32 @!p0 $0x5  }
0x1af: {  	_ =	swait.ge @!p0 [sflag:s0], s1  }
0x1b0: {  	s1 =	ssub.s32 @!p0 $0x0, s1;
	[sflag:s0] =	ssyncset.done @!p0 $0x0  }
0x1b1: {  	[sflag:s0] =	ssyncadd.s32 @!p0 s1  }
0x1b2: {  	[bflag:$0x3] =	sbarrier.arrive $0xFFFF  }
0x1b3: {  	_ =	shalt  }

// kernel: kernel.9.cloned.1.call-start
scs
__scs_entry_jumppad:
0x0: {  	(pc) =	sbr.rel $0x88, $3  }
0x1: {  	(tag) =	ssettag $0x0;
	lr =	simm.s32 $0x1  }
0x2: {  	[smem:$0x3F97] =	sst lr;
	_ =	strace $0xD0000000  }
0x3: {  	_ = 	snop  }
0x4: {  	_ = 	snop  }
0x5: {  	_ = 	snop  }
0x6: {  	_ = 	snop  }
0x7: {  	_ = 	snop  }
__scs_overlays_trampoline_lowered:
0x8: {  	[smem:$0x3FA6] =	sst s0  }
0x9: {  	[smem:$0x3FA7] =	sst s1  }
0xa: {  	[smem:$0x3FA8] =	sst s2  }
0xb: {  	[smem:$0x3FA9] =	sst s3  }
0xc: {  	[smem:$0x3FAA] =	sst s4  }
0xd: {  	[smem:$0x3FAB] =	sst s5  }
0xe: {  	[smem:$0x3FAC] =	sst s6  }
0xf: {  	[smem:$0x3FAD] =	sst s7  }
0x10: {  	[smem:$0x3FAE] =	sst s8  }
0x11: {  	[smem:$0x3FAF] =	sst s9;
	s0 =	simm.s32 @!p0 $0x0  }
0x12: {  	s1 =	sld [smem:$0x3F95];
	s0 =	simm.s32 @p0 $0x1  }
0x13: {  	[smem:$0x3FB0] =	sst s0;
	s0 =	simm.s32 @!p1 $0x0  }
0x14: {  	s2 =	sld [smem:$0x3F94];
	s0 =	simm.s32 @p1 $0x1  }
0x15: {  	[smem:$0x3FB1] =	sst s0;
	s0 =	simm.s32 @!p2 $0x0  }
0x16: {  	s3 =	sld [smem:$0x3FDB];
	s0 =	simm.s32 @p2 $0x1  }
0x17: {  	s4 =	simm.s32 $0x1BF5;
	[smem:$0x3FB3] =	sst s0  }
0x18: {  	s0 =	sld [smem:$0x3F96];
	_ =	swait.ge [sflag:s4], $0x0  }
0x19: {  	s7 =	sld [smem:$0x3F97]  }
0x1a: {  	s8 =	sadd.s32 $0xFFFFE003, lr  }
0x1b: {  	s9 =	sadd.s32 $0xFFFFFEF7, lr;
	s5 =	simm.s32 $0xFFFFFFFF;
	p2 =	slt.u32 s8, $0xFFFFF086  }
0x1c: {  	p1 =	slt.u32 s9, $0xF7A;
	s5 =	simm.s32 @!p2 $0x0  }
0x1d: {  	s5 =	simm.s32 @p1 $0x1;
	p0 =	seq.s32 s7, s2  }
0x1e: {  	s7 =	smul.u32 @!p0 $0xF7A, s2;
	p2 =	seq.s32 @!p0 s5, $0x0  }
0x1f: {  	s9 =	smul.u32 $0xF7A, s1;
	s8 =	simm.s32 @!p0 $0x1BF5;
	p2 =	por !p2, p0  }
0x20: {  	[sflag:s8] =	ssyncset.s32 @!p0 $0xFFFFF086;
	s6 =	sadd.s32 @!p0 s3, s7;
	s7 =	simm.s32 @!p0 $0x108  }
0x21: {  	s3 =	sadd.s32 s3, s9;
	s6 =	sadd.s32 @!p0 $0x88, s6;
	s7 =	simm.s32 @p2 $0x1082  }
0x22: {  	[simem:s7], [sflag:s8] =	dma.local @!p0 [hbm:s6], $0xF7A  }
0x23: {  	s9 =	sor.u32 $0xD0000000, s2;
	s6 =	simm.s32 $0x108;
	_ =	swait.ge @!p0 [sflag:s8], $0x0  }
0x24: {  	s3 =	sadd.s32 $0x88, s3;
	s6 =	simm.s32 @!p1 $0x1082;
	[sflag:s4] =	ssyncset.s32 $0xFFFFF086  }
0x25: {  	[simem:s6], [sflag:s4] =	dma.local [hbm:s3], $0xF7A  }
0x26: {  	[smem:$0x3F97] =	sst s1;
	(tag) =	ssettag s2;
	_ =	strace s9  }
0x27: {  	s1 =	sld [smem:$0x3FA7]  }
0x28: {  	s2 =	sld [smem:$0x3FA8]  }
0x29: {  	s4 =	sld [smem:$0x3FAA]  }
0x2a: {  	p0 =	seq.s32 s5, $0x0;
	s5 =	sld [smem:$0x3FAB]  }
0x2b: {  	s6 =	sld [smem:$0x3FAC]  }
0x2c: {  	s7 =	sld [smem:$0x3FAD]  }
0x2d: {  	s3 =	simm.s32 $0x108;
	s8 =	sld [smem:$0x3FAE]  }
0x2e: {  	s3 =	simm.s32 @!p0 $0x1082;
	s9 =	sld [smem:$0x3FAF]  }
0x2f: {  	lr =	sadd.s32 s0, s3;
	s0 =	sld [smem:$0x3FA6]  }
0x30: {  	s3 =	sld [smem:$0x3FA9]  }
0x31: {  	[smem:$0x3FB2] =	sst s10  }
0x32: {  	s10 =	sld [smem:$0x3FB0];
	_ =	sdelay $0x3  }
0x33: {  	p0 =	seq.s32 s10, $0x1;
	s10 =	sld [smem:$0x3FB2];
	_ =	sdelay $0x3  }
0x34: {  	[smem:$0x3FB2] =	sst s10  }
0x35: {  	s10 =	sld [smem:$0x3FB1];
	_ =	sdelay $0x3  }
0x36: {  	p1 =	seq.s32 s10, $0x1;
	s10 =	sld [smem:$0x3FB2];
	_ =	sdelay $0x3  }
0x37: {  	[smem:$0x3FB2] =	sst s10  }
0x38: {  	s10 =	sld [smem:$0x3FB3]  }
0x39: {  	_ = 	snop;
	(pc) =	sbr.ind lr, $3  }
0x3a: {  	_ = 	snop  }
0x3b: {  	_ = 	snop  }
0x3c: {  	p2 =	seq.s32 s10, $0x1;
	s10 =	sld [smem:$0x3FB2]  }
0x3d: {  	_ =	shalt  }
0x3e: {  	_ =	shalt  }
0x3f: {  	_ =	shalt  }
0x40: {  	_ =	shalt  }
0x41: {  	_ =	shalt  }
0x42: {  	_ =	shalt  }
0x43: {  	_ =	shalt  }
0x44: {  	_ =	shalt  }
0x45: {  	_ =	shalt  }
0x46: {  	_ =	shalt  }
0x47: {  	_ =	shalt  }
0x48: {  	_ =	shalt  }
0x49: {  	_ =	shalt  }
0x4a: {  	_ =	shalt  }
0x4b: {  	_ =	shalt  }
0x4c: {  	_ =	shalt  }
0x4d: {  	_ =	shalt  }
0x4e: {  	_ =	shalt  }
0x4f: {  	_ =	shalt  }
0x50: {  	_ =	shalt  }
0x51: {  	_ =	shalt  }
0x52: {  	_ =	shalt  }
0x53: {  	_ =	shalt  }
0x54: {  	_ =	shalt  }
0x55: {  	_ =	shalt  }
0x56: {  	_ =	shalt  }
0x57: {  	_ =	shalt  }
0x58: {  	_ =	shalt  }
0x59: {  	_ =	shalt  }
0x5a: {  	_ =	shalt  }
0x5b: {  	_ =	shalt  }
0x5c: {  	_ =	shalt  }
0x5d: {  	_ =	shalt  }
0x5e: {  	_ =	shalt  }
0x5f: {  	_ =	shalt  }
0x60: {  	_ =	shalt  }
0x61: {  	_ =	shalt  }
0x62: {  	_ =	shalt  }
0x63: {  	_ =	shalt  }
0x64: {  	_ =	shalt  }
0x65: {  	_ =	shalt  }
0x66: {  	_ =	shalt  }
0x67: {  	_ =	shalt  }
0x68: {  	_ =	shalt  }
0x69: {  	_ =	shalt  }
0x6a: {  	_ =	shalt  }
0x6b: {  	_ =	shalt  }
0x6c: {  	_ =	shalt  }
0x6d: {  	_ =	shalt  }
0x6e: {  	_ =	shalt  }
0x6f: {  	_ =	shalt  }
0x70: {  	_ =	shalt  }
0x71: {  	_ =	shalt  }
0x72: {  	_ =	shalt  }
0x73: {  	_ =	shalt  }
0x74: {  	_ =	shalt  }
0x75: {  	_ =	shalt  }
0x76: {  	_ =	shalt  }
0x77: {  	_ =	shalt  }
0x78: {  	_ =	shalt  }
0x79: {  	_ =	shalt  }
0x7a: {  	_ =	shalt  }
0x7b: {  	_ =	shalt  }
0x7c: {  	_ =	shalt  }
0x7d: {  	_ =	shalt  }
0x7e: {  	_ =	shalt  }
0x7f: {  	_ =	shalt  }
0x80: {  	_ =	shalt  }
0x81: {  	_ =	shalt  }
0x82: {  	_ =	shalt  }
0x83: {  	_ =	shalt  }
0x84: {  	_ =	shalt  }
0x85: {  	_ =	shalt  }
0x86: {  	_ =	shalt  }
0x87: {  	_ =	shalt  }
.Lfunc_end0:
.L_simem_size_0:
called_computation_lowered:
.L_overlay_start_0:
0x88: {  	s2 =	sld [smem:$0x3FD9]  }
0x89: {  	s3 =	sld [smem:$0x3FFE];
	_ =	sdelay $0x1  }
0x8a: {  	s1 =	srdreg.scid  }
0x8b: {  	s0 =	sand.u32 $0x1, s1  }
0x8c: {  	s16 =	sshll.u32 s0, $0xA;
	s2 =	sadd.s32 s3, s2  }
0x8d: {  	s2 =	sadd.s32 s2, s16  }
0x8e: {  	[smem:$0x3FBE] =	sst s2  }
0x8f: {  	_ = 	snop  }
0x90: {  	(tm) =	ssettm $0x1  }
0x91: {  	s17 =	sld [smem:$0x3FFB];
	_ =	sdelay $0x3  }
0x92: {  	_ =	strace s17  }
0x93: {  	s2 =	sld [smem:$0x3FFC];
	_ =	sdelay $0x3  }
0x94: {  	_ =	strace s2  }
0x95: {  	s2 =	sld [smem:$0x3FFD];
	_ =	sdelay $0x3  }
0x96: {  	_ =	strace s2  }
0x97: {  	_ =	strace $0x8FFFFFFF  }
0x98: {  	s18 =	sld [smem:$0x3FDB];
	_ =	sdelay $0x1  }
0x99: {  	s19 =	simm.s32 $_scs_section_size  }
0x9a: {  	s4 =	simm.s32 $_size__tile_overlayer_lowered;
	s5 =	simm.s32 $_tile_overlayer_lowered  }
0x9b: {  	s22 =	simm.s32 $0x1BFF;
	s21 =	sshll.u32 s5, $0x1;
	s2 =	sadd.s32 s19, s18  }
0x9c: {  	s6 =	simm.s32 $0x0;
	s20 =	sshll.u32 s4, $0x1;
	s4 =	sadd.s32 s21, s2  }
0x9d: {  	[timem:s6], [sflag:s22] =	dma.local [hbm:s4], s20  }
0x9e: {  	_ =	swait.ge [sflag:s22], s20  }
0x9f: {  	s3 =	ssub.s32 $0x0, s20;
	[sflag:s22] =	ssyncset.done $0x0  }
0xa0: {  	[sflag:s22] =	ssyncadd.s32 s3;
	_ =	sdelay $0x1  }
0xa1: {  	s23 =	simm.s32 $0x1B8B  }
0xa2: {  	_ =	swait.ge [sflag:s23], $0x1  }
0xa3: {  	[sflag:s23] =	ssyncset.done $0x0  }
0xa4: {  	s25 =	simm.s32 $0x1B8E;
	s24 =	sld [smem:$0x3FFE];
	[sflag:s23] =	ssyncadd.s32 $0xFFFFFFFF  }
0xa5: {  	s26 =	simm.s32 $execute0_lowered;
	[smem:$0x3FD2] =	sst s25  }
0xa6: {  	s4 =	sshll.u32 s26, $0x1;
	_ =	strace $0x80000046;
	[dreg:$0x1] =	wrdreg $0xFFFFFFFF  }
0xa7: {  	s28 =	simm.s32 $_size_execute0_lowered;
	s2 =	sadd.s32 s2, s4;
	[dreg:$0x0] =	wrdreg $0x0  }
0xa8: {  	s4 =	sshll.u32 s28, $0x1;
	[dreg:$0x2] =	wrdreg s2  }
0xa9: {  	[dreg:$0x3] =	wrdreg s4  }
0xaa: {  	[dreg:$0x4] =	wrdreg $0xC0  }
0xab: {  	_ =	task [dreg:s6], $0x5FFFF  }
0xac: {  	[dreg:$0x1] =	wrdreg $0xFFFFFFFF  }
0xad: {  	[dreg:$0x0] =	wrdreg $0x60  }
0xae: {  	[dreg:$0x2] =	wrdreg s24  }
0xaf: {  	[dreg:$0x3] =	wrdreg $0x2B000  }
0xb0: {  	[dreg:$0x4] =	wrdreg $0x9  }
0xb1: {  	_ =	task.clear_ibuf [dreg:s6], $0x5FFFF;
	_ =	strace $0x90000046  }
0xb2: {  	s29 =	simm.s32 $0x9;
	_ =	strace $0x80000048  }
0xb3: {  	_ =	swait.ge [sflag:s29], $0x1  }
0xb4: {  	[sflag:s29] =	ssyncadd.s32 $0xFFFFFFFF  }
0xb5: {  	_ =	strace $0x90000048  }
0xb6: {  	_ =	sfence  }
0xb7: {  	s30 =	sld [smem:$0x0];
	_ =	sdelay $0x2  }
0xb8: {  	s31 =	sshll.u32 s1, $0xD;
	s1 =	sshrl.u32 s1, $0x2  }
0xb9: {  	s3 =	sand.u32 $0x4000, s31;
	s1 =	sadd.s32 s1, s30  }
0xba: {  	s0 =	sor.u32 s3, s0;
	s1 =	sshll.u32 s1, $0x11  }
0xbb: {  	s0 =	sor.u32 s1, s0  }
0xbc: {  	s0 =	sadd.s32 $0x8F2B, s0  }
0xbd: {  	[sflag:s0] =	ssyncadd.remote.s32 $0x1  }
0xbe: {  	_ =	sfence.sel $0xFFFF  }
0xbf: {  	[dreg:$0x0] =	wrdreg $0xFFFFFFFF;
	(pc) =	sbr.abs _section_cstart, $3  }
0xc0: {  	[dreg:$0x1] =	wrdreg $0xFFFFFFFF  }
0xc1: {  	_ =	task.clear_ibuf [dreg:s6], $0x2FFFF;
	_ =	strace $0x9FFFFFFF  }
0xc2: {  	(tm) =	ssettm $0x7FFFFFFF  }
0xc3: {  	_ =	shalt  }
tec
execute0_lowered:
.L_overlay_start_1:
0x0: {  	(tag) =	ssettag $0x1  }
0x1: {  	s4 =	rddreg [dreg:$0x0];
	s0 =	srdreg.scid  }
0x2: {  	s2 =	rddreg [dreg:$0x1];
	s1 =	stileid.u32  }
0x3: {  	s3 =	simm.s32 $0x0;
	s10 =	simm.s32 $0x80;
	s11 =	simm.s32 $0x2800  }
0x4: {  	s12 =	simm.s32 $0x1;
	s5 =	sand.u32 $0x1, s0;
	s7 =	smul.u32 $0x278, s1  }
0x5: {  	s0 =	rddreg [dreg:$0x2];
	s6 =	sshll.u32 s5, $0x4;
	s8 =	smul.u32 $0x2780, s5  }
0x6: {  	s13 =	simm.s32 $0x0;
	[smem:$0x7FF] =	sst s3;
	s6 =	sor.u32 s1, s6  }
0x7: {  	s5 =	ssub.s32 $0x2, s5;
	s6 =	smul.u32 $0x500, s6;
	s8 =	sadd.s32 s7, s8  }
0x8: {  	_ =	strace $0x80000047;
	s9 =	sshrl.u32 s5, $0x1;
	s8 =	sshrl.u32 s8, $0x3  }
0x9: {  	s9 =	ssub.s32 s5, s9;
	s6 =	sadd.s32 s6, s4;
	s8 =	sadd.s32 s8, s4  }
0xa: {  	s4 =	sadd.s32 s7, s2;
	s7 =	smax.u32 s9, $0x1;
	s9 =	simm.s32 $0x2  }
0xb: {  	v0 =	vimm.f32 $0.0e+00;
	v1 =	vimm.f32 $1.000000000e+00;
	s5 =	sadd.s32 $0x3400, s6;
	s6 =	sadd.s32 $0xD400, s8;
	s8 =	simm.s32 $0x2880  }
.LBB2_1:
0xc: {  	[tilespmem:$0x2880] =	vst v0  }
0xd: {  	[tilespmem:$0x2890] =	vst v0  }
0xe: {  	[tilespmem:$0x28A0] =	vst v0  }
0xf: {  	[tilespmem:$0x28B0] =	vst v0  }
0x10: {  	[tilespmem:$0x28C0] =	vst v0  }
0x11: {  	[tilespmem:$0x28D0] =	vst v0  }
0x12: {  	[tilespmem:$0x28E0] =	vst v0  }
0x13: {  	[tilespmem:$0x28F0] =	vst v0  }
0x14: {  	[tilespmem:$0x2900] =	vst v0  }
0x15: {  	[tilespmem:$0x2910] =	vst v0  }
0x16: {  	[tilespmem:$0x2920] =	vst v0  }
0x17: {  	[tilespmem:$0x2930] =	vst v0  }
0x18: {  	[tilespmem:$0x2940] =	vst v0  }
0x19: {  	[tilespmem:$0x2950] =	vst v0  }
0x1a: {  	[tilespmem:$0x2960] =	vst v0  }
0x1b: {  	[tilespmem:$0x2970] =	vst v0  }
0x1c: {  	[tilespmem:$0x2980] =	vst v0  }
0x1d: {  	[tilespmem:$0x2990] =	vst v0  }
0x1e: {  	[tilespmem:$0x29A0] =	vst v0  }
0x1f: {  	[tilespmem:$0x29B0] =	vst v0  }
0x20: {  	[tilespmem:$0x29C0] =	vst v0  }
0x21: {  	[tilespmem:$0x29D0] =	vst v0  }
0x22: {  	[tilespmem:$0x29E0] =	vst v0  }
0x23: {  	[tilespmem:$0x29F0] =	vst v0  }
0x24: {  	[tilespmem:$0x2A00] =	vst v0  }
0x25: {  	[tilespmem:$0x2A10] =	vst v0  }
0x26: {  	[tilespmem:$0x2A20] =	vst v0  }
0x27: {  	[tilespmem:$0x2A30] =	vst v0  }
0x28: {  	[tilespmem:$0x2A40] =	vst v0  }
0x29: {  	[tilespmem:$0x2A50] =	vst v0  }
0x2a: {  	[tilespmem:$0x2A60] =	vst v0  }
0x2b: {  	[tilespmem:$0x2A70] =	vst v0  }
0x2c: {  	[tilespmem:$0x2A80] =	vst v0  }
0x2d: {  	[tilespmem:$0x2A90] =	vst v0  }
0x2e: {  	[tilespmem:$0x2AA0] =	vst v0  }
0x2f: {  	[tilespmem:$0x2AB0] =	vst v0  }
0x30: {  	[tilespmem:$0x2AC0] =	vst v0  }
0x31: {  	[tilespmem:$0x2AD0] =	vst v0  }
0x32: {  	[tilespmem:$0x2AE0] =	vst v0  }
0x33: {  	[tilespmem:$0x2800] =	vst v1  }
0x34: {  	[tilespmem:$0x2810] =	vst v1  }
0x35: {  	[tilespmem:$0x2820] =	vst v1  }
0x36: {  	[tilespmem:$0x2830] =	vst v1  }
0x37: {  	[tilespmem:$0x2840] =	vst v1  }
0x38: {  	[tilespmem:$0x2850] =	vst v1  }
0x39: {  	[tilespmem:$0x2860] =	vst v1  }
0x3a: {  	[tilespmem:$0x2870] =	vst v1  }
0x3b: {  	[spmem:s4] =	stream.linear.scatter [tilespmem:s8], [sflag:$0x2], $0x278, $0x38;
	[tilespmem:$0x2D78] =	vst v63  }
0x3c: {  	_ =	swait.ge [sflag:s9], $0x278  }
0x3d: {  	[sflag:s9] =	ssyncset.done $0x0  }
0x3e: {  	[sflag:s9] =	ssyncadd.s32 $0xFFFFFD88  }
0x3f: {  	[bflag:$0x0] =	sbarrier.arrive $0xFFFF  }
0x40: {  	[tilespmem:s3], [sflag:$0x2] =	stream.linear.gather [hbm4b:s5+s3], $0x2800, $0x38;
	[tilespmem:$0x2D78] =	vst v63  }
0x41: {  	_ =	swait.ge [sflag:s9], $0x2800  }
0x42: {  	[sflag:s9] =	ssyncset.done $0x0  }
0x43: {  	s14 =	simm.s32 $0x0;
	[sflag:s9] =	ssyncadd.s32 $0xFFFFD800  }
.LBB2_2:
0x44: {  	p0 =	sne.s32 s14, $0x9E00  }
.Ltmp0:
0x45: {  	_ = 	snop;
	(pc) =	sbr.rel @p0 .LBB2_2-.Ltmp0, $3  }
0x46: {  	_ =	sdelay $0x1  }
0x47: {  	s15 =	sshra.s32 s14, $0x2;
	s14 =	sadd.s32 $0x200, s14  }
0x48: {  	[spmem:s2] =	stream.indirect.scatter.add.f32 [tilespmem:s11], [sflag:$0x1], $0x1, s15, s10, $0xb8;
	[tilespmem:$0x2D78] =	vst v63  }
0x49: {  	_ =	swait.ge [sflag:s12], $0x80  }
0x4a: {  	s14 =	simm.s32 $0x4F;
	[sflag:s12] =	ssyncset.done $0x0  }
.LBB2_4:
0x4b: {  	p0 =	sne.s32 s14, $0x1;
	s14 =	sadd.s32 $0xFFFFFFFF, s14;
	[sflag:s12] =	ssyncadd.s32 $0xFFFFFF80  }
.Ltmp1:
0x4c: {  	(pc) =	sbr.rel @p0 .LBB2_4-.Ltmp1, $3  }
0x4d: {  	_ =	sdelay $0x1  }
0x4e: {  	_ =	swait.ge [sflag:s12], $0x80  }
0x4f: {  	[sflag:s12] =	ssyncset.done $0x0  }
0x50: {  	[sflag:s12] =	ssyncadd.s32 $0xFFFFFF80  }
0x51: {  	[bflag:$0x0] =	sbarrier.arrive $0xFFFF  }
0x52: {  	[tilespmem:s8], [sflag:$0x2] =	stream.linear.gather [spmem:s4], $0x278, $0x38;
	[tilespmem:$0x2D78] =	vst v63  }
0x53: {  	s13 =	sadd.s32 $0x1, s13;
	_ =	swait.ge [sflag:s9], $0x278  }
0x54: {  	p0 =	sne.s32 s13, s7;
	[sflag:s9] =	ssyncset.done $0x0  }
.Ltmp2:
0x55: {  	[sflag:s9] =	ssyncadd.s32 $0xFFFFFD88;
	(pc) =	sbr.rel @p0 .LBB2_1-.Ltmp2, $4  }
0x56: {  	[hbm4b:s6+s3] =	stream.linear.scatter [tilespmem:s8], [sflag:$0x2], $0x278, $0x38;
	[tilespmem:$0x2D78] =	vst v63  }
0x57: {  	_ =	swait.ge [sflag:s9], $0x278  }
0x58: {  	[sflag:s9] =	ssyncset.done $0x0  }
0x59: {  	[sflag:s9] =	ssyncadd.s32 $0xFFFFFD88  }
0x5a: {  	_ =	sfence.sel $0x180000  }
0x5b: {  	[bflag:$0x0] =	sbarrier.arrive $0xFFFF  }
0x5c: {  	p0 =	sne.s32 s1, $0x0;
	_ =	strace $0x90000047  }
0x5d: {  	s0 =	sadd.s32 @!p0 $0x100000, s0;
	[bflag:$0x2] =	sbarrier.arrive $0xFFFF  }
0x5e: {  	[sflag:s0] =	ssyncadd.tile.s32 @!p0 $0x1;
	_ =	shalt  }
.Lfunc_end2:
_tile_overlayer_lowered:
.L_overlay_start_2:
0x5f: {  	(tag) =	ssettag $0x2  }
0x60: {  	s0 =	rddreg [dreg:$0x0];
	s2 =	stileid.u32  }
0x61: {  	s1 =	rddreg [dreg:$0x1];
	p0 =	sne.s32 s2, $0x0  }
0x62: {  	s3 =	rddreg [dreg:$0x2];
	[bflag:$0x3] =	sbarrier.arrive $0xFFFF;
	s2 =	simm.s32 @!p0 $0x1C02  }
0x63: {  	[timem:s3], [sflag:s2] =	dma.local @!p0 [hbm:s0], s1  }
0x64: {  	s0 =	simm.s32 @!p0 $0x2  }
0x65: {  	_ =	swait.ge @!p0 [sflag:s0], s1  }
0x66: {  	s1 =	ssub.s32 @!p0 $0x0, s1;
	[sflag:s0] =	ssyncset.done @!p0 $0x0  }
0x67: {  	[sflag:s0] =	ssyncadd.s32 @!p0 s1  }
0x68: {  	[bflag:$0x3] =	sbarrier.arrive $0xFFFF  }
0x69: {  	_ =	shalt  }

</sc_bundles>
